<compile_context>
chip_gen: v7x
topology: tpu7x:2x2x1
jax: 0.10.2.dev20260603
libtpu: 0.0.44.dev20260713+nightly
codegen_flags: <defaults>
</compile_context>

<pallas_src>
import jax
import jax.numpy as jnp
from jax import lax
from jax.experimental import pallas as pl
from jax.experimental.pallas import tpu as pltpu
from jax.experimental.pallas import tpu_sc as plsc

HIDDEN = 128
PITCH = 137
SPITCH = 17
LANES = 16
T = 128
EPS = 1e-12


def _rsqrt(x):
    bits = plsc.bitcast(x, jnp.int32)
    y = plsc.bitcast(jnp.int32(0x5F3759DF) - (bits >> 1), jnp.float32)
    for _ in range(3):
        y = y * (1.5 - 0.5 * x * y * y)
    return y


def kernel(input_ids, token_type_ids, word_emb, pos_emb, type_emb, gamma, beta):
    B, S = input_ids.shape
    N = B * S
    ids = input_ids.reshape(N).astype(jnp.int32)
    tts = token_type_ids.reshape(N).astype(jnp.int32)
    ptable = (pos_emb[:S, None, :] + type_emb[None, :, :]).reshape(S * 2, HIDDEN)
    ptable = jnp.pad(ptable, ((0, 0), (0, PITCH - HIDDEN))).reshape(-1)

    info = plsc.get_sparse_core_info()
    NC, NS = info.num_cores, info.num_subcores
    NW = NC * NS
    ntok = N // NW
    nchunks = ntok // T

    mesh = plsc.VectorSubcoreMesh(core_axis_name="c", subcore_axis_name="s")

    idx_t = pltpu.VMEM((T,), jnp.int32)
    raw_t = pltpu.VMEM((T, HIDDEN), jnp.float32)

    @pl.kernel(
        mesh=mesh,
        compiler_params=pltpu.CompilerParams(needs_layout_passes=False),
        out_type=jax.ShapeDtypeStruct((N, HIDDEN), jnp.float32),
        scratch_types=[
            idx_t, idx_t, idx_t,
            idx_t, idx_t, idx_t,
            idx_t, idx_t, idx_t,
            raw_t, raw_t, raw_t,
            pltpu.VMEM((2 * S * PITCH,), jnp.float32),
            pltpu.VMEM((HIDDEN,), jnp.float32),
            pltpu.VMEM((HIDDEN,), jnp.float32),
            pltpu.VMEM((T * SPITCH,), jnp.float32),
            pltpu.VMEM((T * SPITCH,), jnp.float32),
            pltpu.SemaphoreType.DMA,
            pltpu.SemaphoreType.DMA,
            pltpu.SemaphoreType.DMA,
        ],
    )
    def body(ids_h, tts_h, word_h, ptable_h, gamma_h, beta_h, out_h,
             widx0, widx1, widx2, tidx0, tidx1, tidx2, pidx0, pidx1, pidx2,
             raw0, raw1, raw2, ptab, gam, bet, msp, rsp,
             sem_g, sem_o, sem_i):
        wid = lax.axis_index("s") * NC + lax.axis_index("c")
        widxs = (widx0, widx1, widx2)
        tidxs = (tidx0, tidx1, tidx2)
        pidxs = (pidx0, pidx1, pidx2)
        raws = (raw0, raw1, raw2)
        pltpu.sync_copy(ptable_h, ptab)
        pltpu.sync_copy(gamma_h, gam)
        pltpu.sync_copy(beta_h, bet)
        lanes = lax.iota(jnp.int32, 16)
        zeros = jnp.zeros((LANES,), jnp.float32)
        inv_h = jnp.float32(1.0 / HIDDEN)
        gks = [gam[pl.ds(k * LANES, LANES)] for k in range(HIDDEN // LANES)]
        bks = [bet[pl.ds(k * LANES, LANES)] for k in range(HIDDEN // LANES)]

        def issue_ids(c, widx, tidx):
            base = wid * ntok + c * T
            pltpu.async_copy(ids_h.at[pl.ds(base, T)], widx, sem_i)
            pltpu.async_copy(tts_h.at[pl.ds(base, T)], tidx, sem_i)

        def wait_ids(c, widx, tidx):
            base = wid * ntok + c * T
            pltpu.make_async_copy(ids_h.at[pl.ds(base, T)], widx, sem_i).wait()
            pltpu.make_async_copy(tts_h.at[pl.ds(base, T)], tidx, sem_i).wait()

        def build_pidx(c, tidx, pidx):
            base = wid * ntok + c * T

            def mk(i, _):
                tt = tidx[pl.ds(i * LANES, LANES)]
                pos = (base + i * LANES + lanes) % S
                pidx[pl.ds(i * LANES, LANES)] = (pos * 2 + tt) * PITCH
                return 0

            lax.fori_loop(0, T // LANES, mk, 0)

        def compute(c, raw, pidx):
            def tb_body(tb, _):
                tok = tb * LANES + lanes
                pp = pidx[pl.ds(tb * LANES, LANES)]

                @plsc.parallel_loop(0, HIDDEN, unroll=8,
                                    carry=(zeros, zeros, lanes))
                def p1(h, carry):
                    s, q, e = carry
                    v = plsc.load_gather(raw, [tok, e])
                    v = v + plsc.load_gather(ptab, [pp + e])
                    plsc.store_scatter(raw, [tok, e], v)
                    return s + v, q + v * v, (e + 1) & (HIDDEN - 1)

                s, q, _ = p1
                mean = s * inv_h
                var = q * inv_h - mean * mean
                rstd = _rsqrt(var + EPS)
                spb = tb * (LANES * SPITCH) + lanes * SPITCH
                for cc in range(LANES):
                    plsc.store_scatter(msp, [spb + cc], mean)
                    plsc.store_scatter(rsp, [spb + cc], rstd)
                return 0

            lax.fori_loop(0, T // LANES, tb_body, 0)

            @plsc.parallel_loop(0, T, unroll=4)
            def norm_out(t):
                m = msp[pl.ds(t * SPITCH, LANES)]
                r = rsp[pl.ds(t * SPITCH, LANES)]
                for k in range(HIDDEN // LANES):
                    v = raw[t, pl.ds(k * LANES, LANES)]
                    raw[t, pl.ds(k * LANES, LANES)] = (v - m) * r * gks[k] + bks[k]

        def step(c, ri):
            raw_c, pidx_c, widx_c = raws[ri], pidxs[ri], widxs[ri]
            rn = (ri + 1) % 3
            rn2 = (ri + 2) % 3
            raw_n, widx_n, tidx_n, pidx_n = raws[rn], widxs[rn], tidxs[rn], pidxs[rn]
            base = wid * ntok + c * T

            @pl.when(c >= 2)
            def _():
                pltpu.make_async_copy(out_h.at[pl.ds(base, T)], raw_n,
                                      sem_o).wait()

            @pl.when(c + 1 < nchunks)
            def _():
                wait_ids(c + 1, widx_n, tidx_n)
                build_pidx(c + 1, tidx_n, pidx_n)
                pltpu.async_copy(word_h.at[widx_n], raw_n, sem_g)

            @pl.when(c + 2 < nchunks)
            def _():
                issue_ids(c + 2, widxs[rn2], tidxs[rn2])

            pltpu.make_async_copy(word_h.at[widx_c], raw_c, sem_g).wait()
            compute(c, raw_c, pidx_c)
            pltpu.async_copy(raw_c, out_h.at[pl.ds(base, T)], sem_o)

        issue_ids(0, widx0, tidx0)
        wait_ids(0, widx0, tidx0)
        build_pidx(0, tidx0, pidx0)
        pltpu.async_copy(word_h.at[widx0], raw0, sem_g)
        issue_ids(1, widx1, tidx1)

        def chunk_loop(c, _):
            rr = c % 3
            for ri in range(3):
                @pl.when(rr == ri)
                def _():
                    step(c, ri)
            return 0

        lax.fori_loop(0, nchunks, chunk_loop, 0)

        for c in (nchunks - 2, nchunks - 1):
            pltpu.make_async_copy(out_h.at[pl.ds(wid * ntok + c * T, T)],
                                  raws[c % 3], sem_o).wait()

    out = body(ids, tts, word_emb, ptable, gamma, beta)
    return out.reshape(B, S, HIDDEN)

# --- scband reference (transcript-rebuilt; emitter-appended) ---
"""Pipeline reference for scband-bert-embeddings-87857851007491 (READ-ONLY COPY).

The authoritative reference and input builder live on the scoring server;
editing this copy changes nothing except your own understanding.
"""

import jax, jax.numpy as jnp
import numpy as np

VOCAB = 100000
HIDDEN = 128
MAX_POS = 512
TYPE_VOCAB = 2
B, S = 1024, 200
EPS = 1e-12

def setup_inputs(seed: int = 0) -> dict:
    key = jax.random.key(seed)
    k1, k2, k3, k4, k5 = jax.random.split(key, 5)
    input_ids = jax.random.randint(k1, (B, S), 0, VOCAB, dtype=jnp.int64 if jax.config.jax_enable_x64 else jnp.int32)
    token_type_ids = jax.random.randint(k2, (B, S), 0, TYPE_VOCAB, dtype=jnp.int64 if jax.config.jax_enable_x64 else jnp.int32)
    word_emb = jax.random.normal(k3, (VOCAB, HIDDEN), dtype=jnp.float32) * 0.02
    pos_emb = jax.random.normal(k4, (MAX_POS, HIDDEN), dtype=jnp.float32) * 0.02
    type_emb = jax.random.normal(k5, (TYPE_VOCAB, HIDDEN), dtype=jnp.float32) * 0.02
    gamma = jnp.ones((HIDDEN,), dtype=jnp.float32)
    beta = jnp.zeros((HIDDEN,), dtype=jnp.float32)
    return {"input_ids": input_ids, "token_type_ids": token_type_ids,
            "word_emb": word_emb, "pos_emb": pos_emb, "type_emb": type_emb,
            "gamma": gamma, "beta": beta}

def _layernorm(x, gamma, beta):
    mu = jnp.mean(x, axis=-1, keepdims=True)
    var = jnp.mean((x - mu) ** 2, axis=-1, keepdims=True)
    return (x - mu) / jnp.sqrt(var + EPS) * gamma + beta

def reference(input_ids, token_type_ids, word_emb, pos_emb, type_emb, gamma, beta):
    seq_length = input_ids.shape[1]
    position_ids = jnp.arange(seq_length, dtype=input_ids.dtype)
    position_ids = jnp.broadcast_to(position_ids[None, :], input_ids.shape)
    words_embeddings = jnp.take(word_emb, input_ids, axis=0)
    position_embeddings = jnp.take(pos_emb, position_ids, axis=0)
    token_type_embeddings = jnp.take(type_emb, token_type_ids, axis=0)
    embeddings = words_embeddings + position_embeddings + token_type_embeddings
    embeddings = _layernorm(embeddings, gamma, beta)
    # dropout is identity in eval mode
    return embeddings

if __name__ == "__main__":
    import jax
    _d = setup_inputs()
    print(jax.jit(kernel)(*tuple(_d.values())))

</pallas_src>

<mosaic_0001>
#map = affine_map<(d0, d1) -> (0)>
#map1 = affine_map<(d0, d1) -> (0, 0)>
module attributes {stable_mosaic.version = 14 : i64} {
  func.func @body(%arg0: i32, %arg1: i32, %arg2: memref<204800xi32, #tpu.memory_space<hbm>>, %arg3: memref<204800xi32, #tpu.memory_space<hbm>>, %arg4: memref<100000x128xf32, #tpu.memory_space<hbm>>, %arg5: memref<54800xf32, #tpu.memory_space<hbm>>, %arg6: memref<128xf32, #tpu.memory_space<hbm>>, %arg7: memref<128xf32, #tpu.memory_space<hbm>>, %arg8: memref<204800x128xf32, #tpu.memory_space<hbm>>, %arg9: memref<128xi32, #tpu.memory_space<vmem>>, %arg10: memref<128xi32, #tpu.memory_space<vmem>>, %arg11: memref<128xi32, #tpu.memory_space<vmem>>, %arg12: memref<128xi32, #tpu.memory_space<vmem>>, %arg13: memref<128xi32, #tpu.memory_space<vmem>>, %arg14: memref<128xi32, #tpu.memory_space<vmem>>, %arg15: memref<128xi32, #tpu.memory_space<vmem>>, %arg16: memref<128xi32, #tpu.memory_space<vmem>>, %arg17: memref<128xi32, #tpu.memory_space<vmem>>, %arg18: memref<128x128xf32, #tpu.memory_space<vmem>>, %arg19: memref<128x128xf32, #tpu.memory_space<vmem>>, %arg20: memref<128x128xf32, #tpu.memory_space<vmem>>, %arg21: memref<54800xf32, #tpu.memory_space<vmem>>, %arg22: memref<128xf32, #tpu.memory_space<vmem>>, %arg23: memref<128xf32, #tpu.memory_space<vmem>>, %arg24: memref<2176xf32, #tpu.memory_space<vmem>>, %arg25: memref<2176xf32, #tpu.memory_space<vmem>>, %arg26: memref<!tpu.dma_semaphore, #tpu.memory_space<semaphore_mem>>, %arg27: memref<!tpu.dma_semaphore, #tpu.memory_space<semaphore_mem>>, %arg28: memref<!tpu.dma_semaphore, #tpu.memory_space<semaphore_mem>>) attributes {dimension_semantics = [#tpu.dimension_semantics<core_parallel>, #tpu.dimension_semantics<subcore_parallel>], iteration_bounds = array<i64: 2, 16>, scalar_prefetch = 0 : i64, scratch_operands = 20 : i64, tpu.core_type = #tpu.core_type<sc_vector_subcore>, window_params = [{transform_indices = #map}, {transform_indices = #map}, {transform_indices = #map1}, {transform_indices = #map}, {transform_indices = #map}, {transform_indices = #map}, {transform_indices = #map1}]} {
    %mul3A = arith.constant 2 : i32
    %mul3A_0 = arith.muli %arg1, %mul3A : i32
    %add3A = arith.addi %mul3A_0, %arg0 : i32
    "tpu.region"() ({
      %run_scoped3A = tpu.sem_alloc : memref<!tpu.dma_semaphore, #tpu.memory_space<semaphore_mem>>
      tpu.enqueue_dma source(%arg5 : memref<54800xf32, #tpu.memory_space<hbm>>) target(%arg21 : memref<54800xf32, #tpu.memory_space<vmem>>) target_semaphore(%run_scoped3A : memref<!tpu.dma_semaphore, #tpu.memory_space<semaphore_mem>>)
      tpu.wait_dma2 semaphore(%run_scoped3A : memref<!tpu.dma_semaphore, #tpu.memory_space<semaphore_mem>>) src(%arg5 : memref<54800xf32, #tpu.memory_space<hbm>>) dst(%arg21 : memref<54800xf32, #tpu.memory_space<vmem>>)
      tpu.yield
    }) : () -> ()
    "tpu.region"() ({
      %run_scoped3A = tpu.sem_alloc : memref<!tpu.dma_semaphore, #tpu.memory_space<semaphore_mem>>
      tpu.enqueue_dma source(%arg6 : memref<128xf32, #tpu.memory_space<hbm>>) target(%arg22 : memref<128xf32, #tpu.memory_space<vmem>>) target_semaphore(%run_scoped3A : memref<!tpu.dma_semaphore, #tpu.memory_space<semaphore_mem>>)
      tpu.wait_dma2 semaphore(%run_scoped3A : memref<!tpu.dma_semaphore, #tpu.memory_space<semaphore_mem>>) src(%arg6 : memref<128xf32, #tpu.memory_space<hbm>>) dst(%arg22 : memref<128xf32, #tpu.memory_space<vmem>>)
      tpu.yield
    }) : () -> ()
    "tpu.region"() ({
      %run_scoped3A = tpu.sem_alloc : memref<!tpu.dma_semaphore, #tpu.memory_space<semaphore_mem>>
      tpu.enqueue_dma source(%arg7 : memref<128xf32, #tpu.memory_space<hbm>>) target(%arg23 : memref<128xf32, #tpu.memory_space<vmem>>) target_semaphore(%run_scoped3A : memref<!tpu.dma_semaphore, #tpu.memory_space<semaphore_mem>>)
      tpu.wait_dma2 semaphore(%run_scoped3A : memref<!tpu.dma_semaphore, #tpu.memory_space<semaphore_mem>>) src(%arg7 : memref<128xf32, #tpu.memory_space<hbm>>) dst(%arg23 : memref<128xf32, #tpu.memory_space<vmem>>)
      tpu.yield
    }) : () -> ()
    %iota3A = tpu.iota {dimensions = array<i32: 0>} : vector<16xi32>
    %broadcast_in_dim3A = arith.constant 0.000000e+00 : f32
    %broadcast_in_dim3A_1 = vector.broadcast %broadcast_in_dim3A : f32 to vector<16xf32>
    %get3A = arith.constant 0 : index
    %get3A_2 = tpu.vector_load %arg22[%get3A] {strides = array<i32>} : memref<128xf32, #tpu.memory_space<vmem>>, vector<16xf32>,
    %get3A_3 = arith.constant 16 : index
    %get3A_4 = tpu.vector_load %arg22[%get3A_3] {strides = array<i32>} : memref<128xf32, #tpu.memory_space<vmem>>, vector<16xf32>,
    %get3A_5 = arith.constant 32 : index
    %get3A_6 = tpu.vector_load %arg22[%get3A_5] {strides = array<i32>} : memref<128xf32, #tpu.memory_space<vmem>>, vector<16xf32>,
    %get3A_7 = arith.constant 48 : index
    %get3A_8 = tpu.vector_load %arg22[%get3A_7] {strides = array<i32>} : memref<128xf32, #tpu.memory_space<vmem>>, vector<16xf32>,
    %get3A_9 = arith.constant 64 : index
    %get3A_10 = tpu.vector_load %arg22[%get3A_9] {strides = array<i32>} : memref<128xf32, #tpu.memory_space<vmem>>, vector<16xf32>,
    %get3A_11 = arith.constant 80 : index
    %get3A_12 = tpu.vector_load %arg22[%get3A_11] {strides = array<i32>} : memref<128xf32, #tpu.memory_space<vmem>>, vector<16xf32>,
    %get3A_13 = arith.constant 96 : index
    %get3A_14 = tpu.vector_load %arg22[%get3A_13] {strides = array<i32>} : memref<128xf32, #tpu.memory_space<vmem>>, vector<16xf32>,
    %get3A_15 = arith.constant 112 : index
    %get3A_16 = tpu.vector_load %arg22[%get3A_15] {strides = array<i32>} : memref<128xf32, #tpu.memory_space<vmem>>, vector<16xf32>,
    %get3A_17 = arith.constant 0 : index
    %get3A_18 = tpu.vector_load %arg23[%get3A_17] {strides = array<i32>} : memref<128xf32, #tpu.memory_space<vmem>>, vector<16xf32>,
    %get3A_19 = arith.constant 16 : index
    %get3A_20 = tpu.vector_load %arg23[%get3A_19] {strides = array<i32>} : memref<128xf32, #tpu.memory_space<vmem>>, vector<16xf32>,
    %get3A_21 = arith.constant 32 : index
    %get3A_22 = tpu.vector_load %arg23[%get3A_21] {strides = array<i32>} : memref<128xf32, #tpu.memory_space<vmem>>, vector<16xf32>,
    %get3A_23 = arith.constant 48 : index
    %get3A_24 = tpu.vector_load %arg23[%get3A_23] {strides = array<i32>} : memref<128xf32, #tpu.memory_space<vmem>>, vector<16xf32>,
    %get3A_25 = arith.constant 64 : index
    %get3A_26 = tpu.vector_load %arg23[%get3A_25] {strides = array<i32>} : memref<128xf32, #tpu.memory_space<vmem>>, vector<16xf32>,
    %get3A_27 = arith.constant 80 : index
    %get3A_28 = tpu.vector_load %arg23[%get3A_27] {strides = array<i32>} : memref<128xf32, #tpu.memory_space<vmem>>, vector<16xf32>,
    %get3A_29 = arith.constant 96 : index
    %get3A_30 = tpu.vector_load %arg23[%get3A_29] {strides = array<i32>} : memref<128xf32, #tpu.memory_space<vmem>>, vector<16xf32>,
    %get3A_31 = arith.constant 112 : index
    %get3A_32 = tpu.vector_load %arg23[%get3A_31] {strides = array<i32>} : memref<128xf32, #tpu.memory_space<vmem>>, vector<16xf32>,
    %mul3A_33 = arith.constant 6400 : i32
    %mul3A_34 = arith.muli %add3A, %mul3A_33 : i32
    %add3A_35 = arith.constant 0 : i32
    %add3A_36 = arith.addi %mul3A_34, %add3A_35 : i32
    %dma_start3A = tpu.memref_slice %arg2[%add3A_36] : memref<204800xi32, #tpu.memory_space<hbm>> -> memref<128xi32, #tpu.memory_space<hbm>>
    %dma_start3A_37 = tpu.memref_slice %arg2[%add3A_36] : memref<204800xi32, #tpu.memory_space<hbm>> -> memref<128xi32, #tpu.memory_space<hbm>>
    tpu.enqueue_dma source(%dma_start3A_37 : memref<128xi32, #tpu.memory_space<hbm>>) target(%arg9 : memref<128xi32, #tpu.memory_space<vmem>>) target_semaphore(%arg28 : memref<!tpu.dma_semaphore, #tpu.memory_space<semaphore_mem>>)
    %dma_start3A_38 = tpu.memref_slice %arg3[%add3A_36] : memref<204800xi32, #tpu.memory_space<hbm>> -> memref<128xi32, #tpu.memory_space<hbm>>
    %dma_start3A_39 = tpu.memref_slice %arg3[%add3A_36] : memref<204800xi32, #tpu.memory_space<hbm>> -> memref<128xi32, #tpu.memory_space<hbm>>
    tpu.enqueue_dma source(%dma_start3A_39 : memref<128xi32, #tpu.memory_space<hbm>>) target(%arg12 : memref<128xi32, #tpu.memory_space<vmem>>) target_semaphore(%arg28 : memref<!tpu.dma_semaphore, #tpu.memory_space<semaphore_mem>>)
    %mul3A_40 = arith.constant 6400 : i32
    %mul3A_41 = arith.muli %add3A, %mul3A_40 : i32
    %add3A_42 = arith.constant 0 : i32
    %add3A_43 = arith.addi %mul3A_41, %add3A_42 : i32
    %dma_wait3A = tpu.memref_slice %arg2[%add3A_43] : memref<204800xi32, #tpu.memory_space<hbm>> -> memref<128xi32, #tpu.memory_space<hbm>>
    %dma_wait3A_44 = tpu.memref_slice %arg2[%add3A_43] : memref<204800xi32, #tpu.memory_space<hbm>> -> memref<128xi32, #tpu.memory_space<hbm>>
    tpu.wait_dma2 semaphore(%arg28 : memref<!tpu.dma_semaphore, #tpu.memory_space<semaphore_mem>>) src(%dma_wait3A_44 : memref<128xi32, #tpu.memory_space<hbm>>) dst(%arg9 : memref<128xi32, #tpu.memory_space<vmem>>)
    %dma_wait3A_45 = tpu.memref_slice %arg3[%add3A_43] : memref<204800xi32, #tpu.memory_space<hbm>> -> memref<128xi32, #tpu.memory_space<hbm>>
    %dma_wait3A_46 = tpu.memref_slice %arg3[%add3A_43] : memref<204800xi32, #tpu.memory_space<hbm>> -> memref<128xi32, #tpu.memory_space<hbm>>
    tpu.wait_dma2 semaphore(%arg28 : memref<!tpu.dma_semaphore, #tpu.memory_space<semaphore_mem>>) src(%dma_wait3A_46 : memref<128xi32, #tpu.memory_space<hbm>>) dst(%arg12 : memref<128xi32, #tpu.memory_space<vmem>>)
    %mul3A_47 = arith.constant 6400 : i32
    %mul3A_48 = arith.muli %add3A, %mul3A_47 : i32
    %add3A_49 = arith.constant 0 : i32
    %add3A_50 = arith.addi %mul3A_48, %add3A_49 : i32
    %scan3A = arith.constant 0 : i32
    %scan3A_51 = arith.constant 0 : i32
    %scan3A_52 = arith.constant 8 : i32
    %scan3A_53 = arith.addi %scan3A_51, %scan3A_52 : i32
    %scan3A_54 = arith.constant 1 : i32
    %scan3A_55 = scf.for %scan3A_92 = %scan3A_51 to %scan3A_53 step %scan3A_54 iter_args(%scan3A_93 = %scan3A) -> (i32)  : i32 {
      %mul3A_94 = arith.constant 16 : i32
      %mul3A_95 = arith.muli %scan3A_92, %mul3A_94 : i32
      %get3A_96 = arith.index_cast %mul3A_95 : i32 to index
      %get3A_97 = tpu.vector_load %arg12[%get3A_96] {strides = array<i32>} : memref<128xi32, #tpu.memory_space<vmem>>, vector<16xi32>,
      %mul3A_98 = arith.constant 16 : i32
      %mul3A_99 = arith.muli %scan3A_92, %mul3A_98 : i32
      %add3A_100 = arith.addi %add3A_50, %mul3A_99 : i32
      %add3A_101 = vector.broadcast %add3A_100 : i32 to vector<16xi32>
      %add3A_102 = arith.addi %add3A_101, %iota3A : vector<16xi32>
      %jit3A = arith.constant 200 : i32
      %eq3A = arith.constant 0 : i32
      %eq3A_103 = arith.cmpi eq, %jit3A, %eq3A : i32
      %jit3A_104 = arith.constant 1 : i32
      %select_n3A = arith.select %eq3A_103, %jit3A_104, %jit3A : i32
      %rem3A = vector.broadcast %select_n3A : i32 to vector<16xi32>
      %rem3A_105 = arith.remsi %add3A_102, %rem3A : vector<16xi32>
      %ne3A = arith.constant 0 : i32
      %ne3A_106 = vector.broadcast %ne3A : i32 to vector<16xi32>
      %ne3A_107 = arith.cmpi ne, %rem3A_105, %ne3A_106 : vector<16xi32>
      %lt3A = arith.constant 0 : i32
      %lt3A_108 = vector.broadcast %lt3A : i32 to vector<16xi32>
      %lt3A_109 = arith.cmpi slt, %rem3A_105, %lt3A_108 : vector<16xi32>
      %lt3A_110 = arith.constant 0 : i32
      %lt3A_111 = arith.cmpi slt, %select_n3A, %lt3A_110 : i32
      %ne3A_112 = vector.broadcast %lt3A_111 : i1 to vector<16xi1>
      %ne3A_113 = vector.broadcast %ne3A_112 : vector<16xi1> to vector<16xi1>
      %ne3A_114 = arith.xori %lt3A_109, %ne3A_113 : vector<16xi1>
      %and3A = arith.andi %ne3A_114, %ne3A_107 : vector<16xi1>
      %add3A_115 = vector.broadcast %select_n3A : i32 to vector<16xi32>
      %add3A_116 = arith.addi %rem3A_105, %add3A_115 : vector<16xi32>
      %select_n3A_117 = arith.select %and3A, %add3A_116, %rem3A_105 : vector<16xi1>, vector<16xi32>
      %mul3A_118 = arith.constant 2 : i32
      %mul3A_119 = vector.broadcast %mul3A_118 : i32 to vector<16xi32>
      %mul3A_120 = arith.muli %select_n3A_117, %mul3A_119 : vector<16xi32>
      %add3A_121 = arith.addi %mul3A_120, %get3A_97 : vector<16xi32>
      %mul3A_122 = arith.constant 137 : i32
      %mul3A_123 = vector.broadcast %mul3A_122 : i32 to vector<16xi32>
      %mul3A_124 = arith.muli %add3A_121, %mul3A_123 : vector<16xi32>
      %mul3A_125 = arith.constant 16 : i32
      %mul3A_126 = arith.muli %scan3A_92, %mul3A_125 : i32
      %swap3A = arith.index_cast %mul3A_126 : i32 to index
      %swap3A_127 = tpu.vector_load %arg15[%swap3A] {strides = array<i32>} : memref<128xi32, #tpu.memory_space<vmem>>, vector<16xi32>,
      tpu.vector_store %arg15[%swap3A], %mul3A_124 {strides = array<i32>} : memref<128xi32, #tpu.memory_space<vmem>>, vector<16xi32>,
      %scan3A_128 = arith.constant 0 : i32
      scf.yield %scan3A_128 : i32
    }
    %scan3A_56 = arith.constant 8 : i32
    %dma_start3A_57 = arith.constant 0 : i32
    %dma_start3A_58 = arith.constant 0 : i32
    %dma_start3A_59 = tpu.memref_slice %arg4[%dma_start3A_57, %dma_start3A_58] : memref<100000x128xf32, #tpu.memory_space<hbm>> -> memref<100000x128xf32, #tpu.memory_space<hbm>>
    tpu.enqueue_indirect_dma source(%dma_start3A_59 : memref<100000x128xf32, #tpu.memory_space<hbm>>) target(%arg18 : memref<128x128xf32, #tpu.memory_space<vmem>>) offsets(%arg9 : memref<128xi32, #tpu.memory_space<vmem>>) semaphore(%arg26 : memref<!tpu.dma_semaphore, #tpu.memory_space<semaphore_mem>>)
    %mul3A_60 = arith.constant 6400 : i32
    %mul3A_61 = arith.muli %add3A, %mul3A_60 : i32
    %add3A_62 = arith.constant 128 : i32
    %add3A_63 = arith.addi %mul3A_61, %add3A_62 : i32
    %dma_start3A_64 = tpu.memref_slice %arg2[%add3A_63] : memref<204800xi32, #tpu.memory_space<hbm>> -> memref<128xi32, #tpu.memory_space<hbm>>
    %dma_start3A_65 = tpu.memref_slice %arg2[%add3A_63] : memref<204800xi32, #tpu.memory_space<hbm>> -> memref<128xi32, #tpu.memory_space<hbm>>
    tpu.enqueue_dma source(%dma_start3A_65 : memref<128xi32, #tpu.memory_space<hbm>>) target(%arg10 : memref<128xi32, #tpu.memory_space<vmem>>) target_semaphore(%arg28 : memref<!tpu.dma_semaphore, #tpu.memory_space<semaphore_mem>>)
    %dma_start3A_66 = tpu.memref_slice %arg3[%add3A_63] : memref<204800xi32, #tpu.memory_space<hbm>> -> memref<128xi32, #tpu.memory_space<hbm>>
    %dma_start3A_67 = tpu.memref_slice %arg3[%add3A_63] : memref<204800xi32, #tpu.memory_space<hbm>> -> memref<128xi32, #tpu.memory_space<hbm>>
    tpu.enqueue_dma source(%dma_start3A_67 : memref<128xi32, #tpu.memory_space<hbm>>) target(%arg13 : memref<128xi32, #tpu.memory_space<vmem>>) target_semaphore(%arg28 : memref<!tpu.dma_semaphore, #tpu.memory_space<semaphore_mem>>)
    %scan3A_68 = arith.constant 7.812500e-03 : f32
    %scan3A_69 = arith.constant 0 : i32
    %scan3A_70 = arith.constant 0 : i32
    %scan3A_71 = arith.constant 50 : i32
    %scan3A_72 = arith.addi %scan3A_70, %scan3A_71 : i32
    %scan3A_73 = arith.constant 1 : i32
    %scan3A_74 = scf.for %scan3A_92 = %scan3A_70 to %scan3A_72 step %scan3A_73 iter_args(%scan3A_93 = %scan3A_69) -> (i32)  : i32 {
      %jit3A = arith.constant 3 : i32
      %eq3A = arith.constant 0 : i32
      %eq3A_94 = arith.cmpi eq, %jit3A, %eq3A : i32
      %jit3A_95 = arith.constant 1 : i32
      %select_n3A = arith.select %eq3A_94, %jit3A_95, %jit3A : i32
      %rem3A = arith.remsi %scan3A_92, %select_n3A : i32
      %ne3A = arith.constant 0 : i32
      %ne3A_96 = arith.cmpi ne, %rem3A, %ne3A : i32
      %lt3A = arith.constant 0 : i32
      %lt3A_97 = arith.cmpi slt, %rem3A, %lt3A : i32
      %lt3A_98 = arith.constant 0 : i32
      %lt3A_99 = arith.cmpi slt, %select_n3A, %lt3A_98 : i32
      %ne3A_100 = arith.xori %lt3A_97, %lt3A_99 : i1
      %and3A = arith.andi %ne3A_100, %ne3A_96 : i1
      %add3A_101 = arith.addi %rem3A, %select_n3A : i32
      %select_n3A_102 = arith.select %and3A, %add3A_101, %rem3A : i32
      %eq3A_103 = arith.constant 0 : i32
      %eq3A_104 = arith.cmpi eq, %select_n3A_102, %eq3A_103 : i32
      %convert_element_type3A = arith.extui %eq3A_104 : i1 to i32
      %cond3A = arith.constant 0 : i32
      %cond3A_105 = arith.cmpi ne, %convert_element_type3A, %cond3A : i32
      scf.if %cond3A_105 {
        %mul3A_117 = arith.constant 6400 : i32
        %mul3A_118 = arith.muli %add3A, %mul3A_117 : i32
        %mul3A_119 = arith.constant 128 : i32
        %mul3A_120 = arith.muli %scan3A_92, %mul3A_119 : i32
        %add3A_121 = arith.addi %mul3A_118, %mul3A_120 : i32
        %ge3A = arith.constant 2 : i32
        %ge3A_122 = arith.cmpi sge, %scan3A_92, %ge3A : i32
        %convert_element_type3A_123 = arith.extui %ge3A_122 : i1 to i32
        %cond3A_124 = arith.constant 0 : i32
        %cond3A_125 = arith.cmpi ne, %convert_element_type3A_123, %cond3A_124 : i32
        scf.if %cond3A_125 {
          %dma_wait3A_156 = arith.constant 0 : i32
          %dma_wait3A_157 = tpu.memref_slice %arg8[%add3A_121, %dma_wait3A_156] : memref<204800x128xf32, #tpu.memory_space<hbm>> -> memref<128x128xf32, #tpu.memory_space<hbm>>
          %dma_wait3A_158 = arith.constant 0 : i32
          %dma_wait3A_159 = tpu.memref_slice %arg8[%add3A_121, %dma_wait3A_158] : memref<204800x128xf32, #tpu.memory_space<hbm>> -> memref<128x128xf32, #tpu.memory_space<hbm>>
          tpu.wait_dma2 semaphore(%arg27 : memref<!tpu.dma_semaphore, #tpu.memory_space<semaphore_mem>>) src(%dma_wait3A_159 : memref<128x128xf32, #tpu.memory_space<hbm>>) dst(%arg19 : memref<128x128xf32, #tpu.memory_space<vmem>>)
        } else {
        }
        %add3A_126 = arith.constant 1 : i32
        %add3A_127 = arith.addi %scan3A_92, %add3A_126 : i32
        %lt3A_128 = arith.constant 50 : i32
        %lt3A_129 = arith.cmpi slt, %add3A_127, %lt3A_128 : i32
        %convert_element_type3A_130 = arith.extui %lt3A_129 : i1 to i32
        %cond3A_131 = arith.constant 0 : i32
        %cond3A_132 = arith.cmpi ne, %convert_element_type3A_130, %cond3A_131 : i32
        scf.if %cond3A_132 {
          %add3A_156 = arith.constant 1 : i32
          %add3A_157 = arith.addi %scan3A_92, %add3A_156 : i32
          %mul3A_158 = arith.constant 6400 : i32
          %mul3A_159 = arith.muli %add3A, %mul3A_158 : i32
          %mul3A_160 = arith.constant 128 : i32
          %mul3A_161 = arith.muli %add3A_157, %mul3A_160 : i32
          %add3A_162 = arith.addi %mul3A_159, %mul3A_161 : i32
          %dma_wait3A_163 = tpu.memref_slice %arg2[%add3A_162] : memref<204800xi32, #tpu.memory_space<hbm>> -> memref<128xi32, #tpu.memory_space<hbm>>
          %dma_wait3A_164 = tpu.memref_slice %arg2[%add3A_162] : memref<204800xi32, #tpu.memory_space<hbm>> -> memref<128xi32, #tpu.memory_space<hbm>>
          tpu.wait_dma2 semaphore(%arg28 : memref<!tpu.dma_semaphore, #tpu.memory_space<semaphore_mem>>) src(%dma_wait3A_164 : memref<128xi32, #tpu.memory_space<hbm>>) dst(%arg10 : memref<128xi32, #tpu.memory_space<vmem>>)
          %dma_wait3A_165 = tpu.memref_slice %arg3[%add3A_162] : memref<204800xi32, #tpu.memory_space<hbm>> -> memref<128xi32, #tpu.memory_space<hbm>>
          %dma_wait3A_166 = tpu.memref_slice %arg3[%add3A_162] : memref<204800xi32, #tpu.memory_space<hbm>> -> memref<128xi32, #tpu.memory_space<hbm>>
          tpu.wait_dma2 semaphore(%arg28 : memref<!tpu.dma_semaphore, #tpu.memory_space<semaphore_mem>>) src(%dma_wait3A_166 : memref<128xi32, #tpu.memory_space<hbm>>) dst(%arg13 : memref<128xi32, #tpu.memory_space<vmem>>)
          %add3A_167 = arith.constant 1 : i32
          %add3A_168 = arith.addi %scan3A_92, %add3A_167 : i32
          %mul3A_169 = arith.constant 6400 : i32
          %mul3A_170 = arith.muli %add3A, %mul3A_169 : i32
          %mul3A_171 = arith.constant 128 : i32
          %mul3A_172 = arith.muli %add3A_168, %mul3A_171 : i32
          %add3A_173 = arith.addi %mul3A_170, %mul3A_172 : i32
          %scan3A_174 = arith.constant 0 : i32
          %scan3A_175 = arith.constant 0 : i32
          %scan3A_176 = arith.constant 8 : i32
          %scan3A_177 = arith.addi %scan3A_175, %scan3A_176 : i32
          %scan3A_178 = arith.constant 1 : i32
          %scan3A_179 = scf.for %scan3A_184 = %scan3A_175 to %scan3A_177 step %scan3A_178 iter_args(%scan3A_185 = %scan3A_174) -> (i32)  : i32 {
            %mul3A_186 = arith.constant 16 : i32
            %mul3A_187 = arith.muli %scan3A_184, %mul3A_186 : i32
            %get3A_188 = arith.index_cast %mul3A_187 : i32 to index
            %get3A_189 = tpu.vector_load %arg13[%get3A_188] {strides = array<i32>} : memref<128xi32, #tpu.memory_space<vmem>>, vector<16xi32>,
            %mul3A_190 = arith.constant 16 : i32
            %mul3A_191 = arith.muli %scan3A_184, %mul3A_190 : i32
            %add3A_192 = arith.addi %add3A_173, %mul3A_191 : i32
            %add3A_193 = vector.broadcast %add3A_192 : i32 to vector<16xi32>
            %add3A_194 = arith.addi %add3A_193, %iota3A : vector<16xi32>
            %jit3A_195 = arith.constant 200 : i32
            %eq3A_196 = arith.constant 0 : i32
            %eq3A_197 = arith.cmpi eq, %jit3A_195, %eq3A_196 : i32
            %jit3A_198 = arith.constant 1 : i32
            %select_n3A_199 = arith.select %eq3A_197, %jit3A_198, %jit3A_195 : i32
            %rem3A_200 = vector.broadcast %select_n3A_199 : i32 to vector<16xi32>
            %rem3A_201 = arith.remsi %add3A_194, %rem3A_200 : vector<16xi32>
            %ne3A_202 = arith.constant 0 : i32
            %ne3A_203 = vector.broadcast %ne3A_202 : i32 to vector<16xi32>
            %ne3A_204 = arith.cmpi ne, %rem3A_201, %ne3A_203 : vector<16xi32>
            %lt3A_205 = arith.constant 0 : i32
            %lt3A_206 = vector.broadcast %lt3A_205 : i32 to vector<16xi32>
            %lt3A_207 = arith.cmpi slt, %rem3A_201, %lt3A_206 : vector<16xi32>
            %lt3A_208 = arith.constant 0 : i32
            %lt3A_209 = arith.cmpi slt, %select_n3A_199, %lt3A_208 : i32
            %ne3A_210 = vector.broadcast %lt3A_209 : i1 to vector<16xi1>
            %ne3A_211 = vector.broadcast %ne3A_210 : vector<16xi1> to vector<16xi1>
            %ne3A_212 = arith.xori %lt3A_207, %ne3A_211 : vector<16xi1>
            %and3A_213 = arith.andi %ne3A_212, %ne3A_204 : vector<16xi1>
            %add3A_214 = vector.broadcast %select_n3A_199 : i32 to vector<16xi32>
            %add3A_215 = arith.addi %rem3A_201, %add3A_214 : vector<16xi32>
            %select_n3A_216 = arith.select %and3A_213, %add3A_215, %rem3A_201 : vector<16xi1>, vector<16xi32>
            %mul3A_217 = arith.constant 2 : i32
            %mul3A_218 = vector.broadcast %mul3A_217 : i32 to vector<16xi32>
            %mul3A_219 = arith.muli %select_n3A_216, %mul3A_218 : vector<16xi32>
            %add3A_220 = arith.addi %mul3A_219, %get3A_189 : vector<16xi32>
            %mul3A_221 = arith.constant 137 : i32
            %mul3A_222 = vector.broadcast %mul3A_221 : i32 to vector<16xi32>
            %mul3A_223 = arith.muli %add3A_220, %mul3A_222 : vector<16xi32>
            %mul3A_224 = arith.constant 16 : i32
            %mul3A_225 = arith.muli %scan3A_184, %mul3A_224 : i32
            %swap3A = arith.index_cast %mul3A_225 : i32 to index
            %swap3A_226 = tpu.vector_load %arg16[%swap3A] {strides = array<i32>} : memref<128xi32, #tpu.memory_space<vmem>>, vector<16xi32>,
            tpu.vector_store %arg16[%swap3A], %mul3A_223 {strides = array<i32>} : memref<128xi32, #tpu.memory_space<vmem>>, vector<16xi32>,
            %scan3A_227 = arith.constant 0 : i32
            scf.yield %scan3A_227 : i32
          }
          %scan3A_180 = arith.constant 8 : i32
          %dma_start3A_181 = arith.constant 0 : i32
          %dma_start3A_182 = arith.constant 0 : i32
          %dma_start3A_183 = tpu.memref_slice %arg4[%dma_start3A_181, %dma_start3A_182] : memref<100000x128xf32, #tpu.memory_space<hbm>> -> memref<100000x128xf32, #tpu.memory_space<hbm>>
          tpu.enqueue_indirect_dma source(%dma_start3A_183 : memref<100000x128xf32, #tpu.memory_space<hbm>>) target(%arg19 : memref<128x128xf32, #tpu.memory_space<vmem>>) offsets(%arg10 : memref<128xi32, #tpu.memory_space<vmem>>) semaphore(%arg26 : memref<!tpu.dma_semaphore, #tpu.memory_space<semaphore_mem>>)
        } else {
        }
        %add3A_133 = arith.constant 2 : i32
        %add3A_134 = arith.addi %scan3A_92, %add3A_133 : i32
        %lt3A_135 = arith.constant 50 : i32
        %lt3A_136 = arith.cmpi slt, %add3A_134, %lt3A_135 : i32
        %convert_element_type3A_137 = arith.extui %lt3A_136 : i1 to i32
        %cond3A_138 = arith.constant 0 : i32
        %cond3A_139 = arith.cmpi ne, %convert_element_type3A_137, %cond3A_138 : i32
        scf.if %cond3A_139 {
          %add3A_156 = arith.constant 2 : i32
          %add3A_157 = arith.addi %scan3A_92, %add3A_156 : i32
          %mul3A_158 = arith.constant 6400 : i32
          %mul3A_159 = arith.muli %add3A, %mul3A_158 : i32
          %mul3A_160 = arith.constant 128 : i32
          %mul3A_161 = arith.muli %add3A_157, %mul3A_160 : i32
          %add3A_162 = arith.addi %mul3A_159, %mul3A_161 : i32
          %dma_start3A_163 = tpu.memref_slice %arg2[%add3A_162] : memref<204800xi32, #tpu.memory_space<hbm>> -> memref<128xi32, #tpu.memory_space<hbm>>
          %dma_start3A_164 = tpu.memref_slice %arg2[%add3A_162] : memref<204800xi32, #tpu.memory_space<hbm>> -> memref<128xi32, #tpu.memory_space<hbm>>
          tpu.enqueue_dma source(%dma_start3A_164 : memref<128xi32, #tpu.memory_space<hbm>>) target(%arg11 : memref<128xi32, #tpu.memory_space<vmem>>) target_semaphore(%arg28 : memref<!tpu.dma_semaphore, #tpu.memory_space<semaphore_mem>>)
          %dma_start3A_165 = tpu.memref_slice %arg3[%add3A_162] : memref<204800xi32, #tpu.memory_space<hbm>> -> memref<128xi32, #tpu.memory_space<hbm>>
          %dma_start3A_166 = tpu.memref_slice %arg3[%add3A_162] : memref<204800xi32, #tpu.memory_space<hbm>> -> memref<128xi32, #tpu.memory_space<hbm>>
          tpu.enqueue_dma source(%dma_start3A_166 : memref<128xi32, #tpu.memory_space<hbm>>) target(%arg14 : memref<128xi32, #tpu.memory_space<vmem>>) target_semaphore(%arg28 : memref<!tpu.dma_semaphore, #tpu.memory_space<semaphore_mem>>)
        } else {
        }
        %dma_wait3A_140 = arith.constant 0 : i32
        %dma_wait3A_141 = arith.constant 0 : i32
        %dma_wait3A_142 = tpu.memref_slice %arg4[%dma_wait3A_140, %dma_wait3A_141] : memref<100000x128xf32, #tpu.memory_space<hbm>> -> memref<100000x128xf32, #tpu.memory_space<hbm>>
        tpu.wait_indirect_dma semaphore(%arg26 : memref<!tpu.dma_semaphore, #tpu.memory_space<semaphore_mem>>) src(%dma_wait3A_142 : memref<100000x128xf32, #tpu.memory_space<hbm>>) dst(%arg18 : memref<128x128xf32, #tpu.memory_space<vmem>>)
        %scan3A_143 = arith.constant 0 : i32
        %scan3A_144 = arith.constant 0 : i32
        %scan3A_145 = arith.constant 8 : i32
        %scan3A_146 = arith.addi %scan3A_144, %scan3A_145 : i32
        %scan3A_147 = arith.constant 1 : i32
        %scan3A_148 = scf.for %scan3A_156 = %scan3A_144 to %scan3A_146 step %scan3A_147 iter_args(%scan3A_157 = %scan3A_143) -> (i32)  : i32 {
          %mul3A_158 = arith.constant 16 : i32
          %mul3A_159 = arith.muli %scan3A_156, %mul3A_158 : i32
          %add3A_160 = vector.broadcast %mul3A_159 : i32 to vector<16xi32>
          %add3A_161 = arith.addi %add3A_160, %iota3A : vector<16xi32>
          %mul3A_162 = arith.constant 16 : i32
          %mul3A_163 = arith.muli %scan3A_156, %mul3A_162 : i32
          %get3A_164 = arith.index_cast %mul3A_163 : i32 to index
          %get3A_165 = tpu.vector_load %arg15[%get3A_164] {strides = array<i32>} : memref<128xi32, #tpu.memory_space<vmem>>, vector<16xi32>,
          %parallel_loop3A_166 = arith.constant 0 : i32
          %parallel_loop3A_167 = arith.constant 128 : i32
          %parallel_loop3A_168 = arith.constant 1 : i32
          %parallel_loop3A_169:3 = scf.for %parallel_loop3A_315 = %parallel_loop3A_166 to %parallel_loop3A_167 step %parallel_loop3A_168 iter_args(%parallel_loop3A_316 = %broadcast_in_dim3A_1, %parallel_loop3A_317 = %broadcast_in_dim3A_1, %parallel_loop3A_318 = %iota3A) -> (vector<16xf32>, vector<16xf32>, vector<16xi32>)  : i32 {
            %parallel_loop3A_319 = tpu.vector_load_idx %arg18[%add3A_161, %parallel_loop3A_318] : memref<128x128xf32, #tpu.memory_space<vmem>>[vector<16xi32>, vector<16xi32>], vector<16xf32>,
            %parallel_loop3A_320 = arith.addi %get3A_165, %parallel_loop3A_318 : vector<16xi32>
            %parallel_loop3A_321 = tpu.vector_load_idx %arg21[%parallel_loop3A_320] : memref<54800xf32, #tpu.memory_space<vmem>>[vector<16xi32>], vector<16xf32>,
            %parallel_loop3A_322 = arith.addf %parallel_loop3A_319, %parallel_loop3A_321 : vector<16xf32>
            tpu.vector_store_idx %arg18[%add3A_161, %parallel_loop3A_318], %parallel_loop3A_322 : memref<128x128xf32, #tpu.memory_space<vmem>>[vector<16xi32>, vector<16xi32>], vector<16xf32>,
            %parallel_loop3A_323 = arith.addf %parallel_loop3A_316, %parallel_loop3A_322 : vector<16xf32>
            %parallel_loop3A_324 = arith.mulf %parallel_loop3A_322, %parallel_loop3A_322 : vector<16xf32>
            %parallel_loop3A_325 = arith.addf %parallel_loop3A_317, %parallel_loop3A_324 : vector<16xf32>
            %parallel_loop3A_326 = arith.constant 1 : i32
            %parallel_loop3A_327 = vector.broadcast %parallel_loop3A_326 : i32 to vector<16xi32>
            %parallel_loop3A_328 = arith.addi %parallel_loop3A_318, %parallel_loop3A_327 : vector<16xi32>
            %parallel_loop3A_329 = arith.constant 127 : i32
            %parallel_loop3A_330 = vector.broadcast %parallel_loop3A_329 : i32 to vector<16xi32>
            %parallel_loop3A_331 = arith.andi %parallel_loop3A_328, %parallel_loop3A_330 : vector<16xi32>
            scf.yield %parallel_loop3A_323, %parallel_loop3A_325, %parallel_loop3A_331 : vector<16xf32>, vector<16xf32>, vector<16xi32>
          } {sc.loop_unroll_factor = 8 : i64, sc.parallel_access}
          %mul3A_170 = vector.broadcast %scan3A_68 : f32 to vector<16xf32>
          %mul3A_171 = arith.mulf %parallel_loop3A_169#0, %mul3A_170 : vector<16xf32>
          %mul3A_172 = vector.broadcast %scan3A_68 : f32 to vector<16xf32>
          %mul3A_173 = arith.mulf %parallel_loop3A_169#1, %mul3A_172 : vector<16xf32>
          %mul3A_174 = arith.mulf %mul3A_171, %mul3A_171 : vector<16xf32>
          %sub3A = arith.subf %mul3A_173, %mul3A_174 : vector<16xf32>
          %add3A_175 = arith.constant 9.99999996E-13 : f32
          %add3A_176 = vector.broadcast %add3A_175 : f32 to vector<16xf32>
          %add3A_177 = arith.addf %sub3A, %add3A_176 : vector<16xf32>
          %bitcast3A = vector.bitcast %add3A_177 : vector<16xf32> to vector<16xi32>
          %shift_right_arithmetic3A = arith.constant 1 : i32
          %shift_right_arithmetic3A_178 = vector.broadcast %shift_right_arithmetic3A : i32 to vector<16xi32>
          %shift_right_arithmetic3A_179 = arith.shrsi %bitcast3A, %shift_right_arithmetic3A_178 : vector<16xi32>
          %sub3A_180 = arith.constant 1597463007 : i32
          %sub3A_181 = vector.broadcast %sub3A_180 : i32 to vector<16xi32>
          %sub3A_182 = arith.subi %sub3A_181, %shift_right_arithmetic3A_179 : vector<16xi32>
          %bitcast3A_183 = vector.bitcast %sub3A_182 : vector<16xi32> to vector<16xf32>
          %mul3A_184 = arith.constant 5.000000e-01 : f32
          %mul3A_185 = vector.broadcast %mul3A_184 : f32 to vector<16xf32>
          %mul3A_186 = arith.mulf %mul3A_185, %add3A_177 : vector<16xf32>
          %mul3A_187 = arith.mulf %mul3A_186, %bitcast3A_183 : vector<16xf32>
          %mul3A_188 = arith.mulf %mul3A_187, %bitcast3A_183 : vector<16xf32>
          %sub3A_189 = arith.constant 1.500000e+00 : f32
          %sub3A_190 = vector.broadcast %sub3A_189 : f32 to vector<16xf32>
          %sub3A_191 = arith.subf %sub3A_190, %mul3A_188 : vector<16xf32>
          %mul3A_192 = arith.mulf %bitcast3A_183, %sub3A_191 : vector<16xf32>
          %mul3A_193 = arith.constant 5.000000e-01 : f32
          %mul3A_194 = vector.broadcast %mul3A_193 : f32 to vector<16xf32>
          %mul3A_195 = arith.mulf %mul3A_194, %add3A_177 : vector<16xf32>
          %mul3A_196 = arith.mulf %mul3A_195, %mul3A_192 : vector<16xf32>
          %mul3A_197 = arith.mulf %mul3A_196, %mul3A_192 : vector<16xf32>
          %sub3A_198 = arith.constant 1.500000e+00 : f32
          %sub3A_199 = vector.broadcast %sub3A_198 : f32 to vector<16xf32>
          %sub3A_200 = arith.subf %sub3A_199, %mul3A_197 : vector<16xf32>
          %mul3A_201 = arith.mulf %mul3A_192, %sub3A_200 : vector<16xf32>
          %mul3A_202 = arith.constant 5.000000e-01 : f32
          %mul3A_203 = vector.broadcast %mul3A_202 : f32 to vector<16xf32>
          %mul3A_204 = arith.mulf %mul3A_203, %add3A_177 : vector<16xf32>
          %mul3A_205 = arith.mulf %mul3A_204, %mul3A_201 : vector<16xf32>
          %mul3A_206 = arith.mulf %mul3A_205, %mul3A_201 : vector<16xf32>
          %sub3A_207 = arith.constant 1.500000e+00 : f32
          %sub3A_208 = vector.broadcast %sub3A_207 : f32 to vector<16xf32>
          %sub3A_209 = arith.subf %sub3A_208, %mul3A_206 : vector<16xf32>
          %mul3A_210 = arith.mulf %mul3A_201, %sub3A_209 : vector<16xf32>
          %mul3A_211 = arith.constant 272 : i32
          %mul3A_212 = arith.muli %scan3A_156, %mul3A_211 : i32
          %mul3A_213 = arith.constant 17 : i32
          %mul3A_214 = vector.broadcast %mul3A_213 : i32 to vector<16xi32>
          %mul3A_215 = arith.muli %iota3A, %mul3A_214 : vector<16xi32>
          %add3A_216 = vector.broadcast %mul3A_212 : i32 to vector<16xi32>
          %add3A_217 = arith.addi %add3A_216, %mul3A_215 : vector<16xi32>
          %add3A_218 = arith.constant 0 : i32
          %add3A_219 = vector.broadcast %add3A_218 : i32 to vector<16xi32>
          %add3A_220 = arith.addi %add3A_217, %add3A_219 : vector<16xi32>
          tpu.vector_store_idx %arg24[%add3A_220], %mul3A_171 : memref<2176xf32, #tpu.memory_space<vmem>>[vector<16xi32>], vector<16xf32>,
          %add3A_221 = arith.constant 0 : i32
          %add3A_222 = vector.broadcast %add3A_221 : i32 to vector<16xi32>
          %add3A_223 = arith.addi %add3A_217, %add3A_222 : vector<16xi32>
          tpu.vector_store_idx %arg25[%add3A_223], %mul3A_210 : memref<2176xf32, #tpu.memory_space<vmem>>[vector<16xi32>], vector<16xf32>,
          %add3A_224 = arith.constant 1 : i32
          %add3A_225 = vector.broadcast %add3A_224 : i32 to vector<16xi32>
          %add3A_226 = arith.addi %add3A_217, %add3A_225 : vector<16xi32>
          tpu.vector_store_idx %arg24[%add3A_226], %mul3A_171 : memref<2176xf32, #tpu.memory_space<vmem>>[vector<16xi32>], vector<16xf32>,
          %add3A_227 = arith.constant 1 : i32
          %add3A_228 = vector.broadcast %add3A_227 : i32 to vector<16xi32>
          %add3A_229 = arith.addi %add3A_217, %add3A_228 : vector<16xi32>
          tpu.vector_store_idx %arg25[%add3A_229], %mul3A_210 : memref<2176xf32, #tpu.memory_space<vmem>>[vector<16xi32>], vector<16xf32>,
          %add3A_230 = arith.constant 2 : i32
          %add3A_231 = vector.broadcast %add3A_230 : i32 to vector<16xi32>
          %add3A_232 = arith.addi %add3A_217, %add3A_231 : vector<16xi32>
          tpu.vector_store_idx %arg24[%add3A_232], %mul3A_171 : memref<2176xf32, #tpu.memory_space<vmem>>[vector<16xi32>], vector<16xf32>,
          %add3A_233 = arith.constant 2 : i32
          %add3A_234 = vector.broadcast %add3A_233 : i32 to vector<16xi32>
          %add3A_235 = arith.addi %add3A_217, %add3A_234 : vector<16xi32>
          tpu.vector_store_idx %arg25[%add3A_235], %mul3A_210 : memref<2176xf32, #tpu.memory_space<vmem>>[vector<16xi32>], vector<16xf32>,
          %add3A_236 = arith.constant 3 : i32
          %add3A_237 = vector.broadcast %add3A_236 : i32 to vector<16xi32>
          %add3A_238 = arith.addi %add3A_217, %add3A_237 : vector<16xi32>
          tpu.vector_store_idx %arg24[%add3A_238], %mul3A_171 : memref<2176xf32, #tpu.memory_space<vmem>>[vector<16xi32>], vector<16xf32>,
          %add3A_239 = arith.constant 3 : i32
          %add3A_240 = vector.broadcast %add3A_239 : i32 to vector<16xi32>
          %add3A_241 = arith.addi %add3A_217, %add3A_240 : vector<16xi32>
          tpu.vector_store_idx %arg25[%add3A_241], %mul3A_210 : memref<2176xf32, #tpu.memory_space<vmem>>[vector<16xi32>], vector<16xf32>,
          %add3A_242 = arith.constant 4 : i32
          %add3A_243 = vector.broadcast %add3A_242 : i32 to vector<16xi32>
          %add3A_244 = arith.addi %add3A_217, %add3A_243 : vector<16xi32>
          tpu.vector_store_idx %arg24[%add3A_244], %mul3A_171 : memref<2176xf32, #tpu.memory_space<vmem>>[vector<16xi32>], vector<16xf32>,
          %add3A_245 = arith.constant 4 : i32
          %add3A_246 = vector.broadcast %add3A_245 : i32 to vector<16xi32>
          %add3A_247 = arith.addi %add3A_217, %add3A_246 : vector<16xi32>
          tpu.vector_store_idx %arg25[%add3A_247], %mul3A_210 : memref<2176xf32, #tpu.memory_space<vmem>>[vector<16xi32>], vector<16xf32>,
          %add3A_248 = arith.constant 5 : i32
          %add3A_249 = vector.broadcast %add3A_248 : i32 to vector<16xi32>
          %add3A_250 = arith.addi %add3A_217, %add3A_249 : vector<16xi32>
          tpu.vector_store_idx %arg24[%add3A_250], %mul3A_171 : memref<2176xf32, #tpu.memory_space<vmem>>[vector<16xi32>], vector<16xf32>,
          %add3A_251 = arith.constant 5 : i32
          %add3A_252 = vector.broadcast %add3A_251 : i32 to vector<16xi32>
          %add3A_253 = arith.addi %add3A_217, %add3A_252 : vector<16xi32>
          tpu.vector_store_idx %arg25[%add3A_253], %mul3A_210 : memref<2176xf32, #tpu.memory_space<vmem>>[vector<16xi32>], vector<16xf32>,
          %add3A_254 = arith.constant 6 : i32
          %add3A_255 = vector.broadcast %add3A_254 : i32 to vector<16xi32>
          %add3A_256 = arith.addi %add3A_217, %add3A_255 : vector<16xi32>
          tpu.vector_store_idx %arg24[%add3A_256], %mul3A_171 : memref<2176xf32, #tpu.memory_space<vmem>>[vector<16xi32>], vector<16xf32>,
          %add3A_257 = arith.constant 6 : i32
          %add3A_258 = vector.broadcast %add3A_257 : i32 to vector<16xi32>
          %add3A_259 = arith.addi %add3A_217, %add3A_258 : vector<16xi32>
          tpu.vector_store_idx %arg25[%add3A_259], %mul3A_210 : memref<2176xf32, #tpu.memory_space<vmem>>[vector<16xi32>], vector<16xf32>,
          %add3A_260 = arith.constant 7 : i32
          %add3A_261 = vector.broadcast %add3A_260 : i32 to vector<16xi32>
          %add3A_262 = arith.addi %add3A_217, %add3A_261 : vector<16xi32>
          tpu.vector_store_idx %arg24[%add3A_262], %mul3A_171 : memref<2176xf32, #tpu.memory_space<vmem>>[vector<16xi32>], vector<16xf32>,
          %add3A_263 = arith.constant 7 : i32
          %add3A_264 = vector.broadcast %add3A_263 : i32 to vector<16xi32>
          %add3A_265 = arith.addi %add3A_217, %add3A_264 : vector<16xi32>
          tpu.vector_store_idx %arg25[%add3A_265], %mul3A_210 : memref<2176xf32, #tpu.memory_space<vmem>>[vector<16xi32>], vector<16xf32>,
          %add3A_266 = arith.constant 8 : i32
          %add3A_267 = vector.broadcast %add3A_266 : i32 to vector<16xi32>
          %add3A_268 = arith.addi %add3A_217, %add3A_267 : vector<16xi32>
          tpu.vector_store_idx %arg24[%add3A_268], %mul3A_171 : memref<2176xf32, #tpu.memory_space<vmem>>[vector<16xi32>], vector<16xf32>,
          %add3A_269 = arith.constant 8 : i32
          %add3A_270 = vector.broadcast %add3A_269 : i32 to vector<16xi32>
          %add3A_271 = arith.addi %add3A_217, %add3A_270 : vector<16xi32>
          tpu.vector_store_idx %arg25[%add3A_271], %mul3A_210 : memref<2176xf32, #tpu.memory_space<vmem>>[vector<16xi32>], vector<16xf32>,
          %add3A_272 = arith.constant 9 : i32
          %add3A_273 = vector.broadcast %add3A_272 : i32 to vector<16xi32>
          %add3A_274 = arith.addi %add3A_217, %add3A_273 : vector<16xi32>
          tpu.vector_store_idx %arg24[%add3A_274], %mul3A_171 : memref<2176xf32, #tpu.memory_space<vmem>>[vector<16xi32>], vector<16xf32>,
          %add3A_275 = arith.constant 9 : i32
          %add3A_276 = vector.broadcast %add3A_275 : i32 to vector<16xi32>
          %add3A_277 = arith.addi %add3A_217, %add3A_276 : vector<16xi32>
          tpu.vector_store_idx %arg25[%add3A_277], %mul3A_210 : memref<2176xf32, #tpu.memory_space<vmem>>[vector<16xi32>], vector<16xf32>,
          %add3A_278 = arith.constant 10 : i32
          %add3A_279 = vector.broadcast %add3A_278 : i32 to vector<16xi32>
          %add3A_280 = arith.addi %add3A_217, %add3A_279 : vector<16xi32>
          tpu.vector_store_idx %arg24[%add3A_280], %mul3A_171 : memref<2176xf32, #tpu.memory_space<vmem>>[vector<16xi32>], vector<16xf32>,
          %add3A_281 = arith.constant 10 : i32
          %add3A_282 = vector.broadcast %add3A_281 : i32 to vector<16xi32>
          %add3A_283 = arith.addi %add3A_217, %add3A_282 : vector<16xi32>
          tpu.vector_store_idx %arg25[%add3A_283], %mul3A_210 : memref<2176xf32, #tpu.memory_space<vmem>>[vector<16xi32>], vector<16xf32>,
          %add3A_284 = arith.constant 11 : i32
          %add3A_285 = vector.broadcast %add3A_284 : i32 to vector<16xi32>
          %add3A_286 = arith.addi %add3A_217, %add3A_285 : vector<16xi32>
          tpu.vector_store_idx %arg24[%add3A_286], %mul3A_171 : memref<2176xf32, #tpu.memory_space<vmem>>[vector<16xi32>], vector<16xf32>,
          %add3A_287 = arith.constant 11 : i32
          %add3A_288 = vector.broadcast %add3A_287 : i32 to vector<16xi32>
          %add3A_289 = arith.addi %add3A_217, %add3A_288 : vector<16xi32>
          tpu.vector_store_idx %arg25[%add3A_289], %mul3A_210 : memref<2176xf32, #tpu.memory_space<vmem>>[vector<16xi32>], vector<16xf32>,
          %add3A_290 = arith.constant 12 : i32
          %add3A_291 = vector.broadcast %add3A_290 : i32 to vector<16xi32>
          %add3A_292 = arith.addi %add3A_217, %add3A_291 : vector<16xi32>
          tpu.vector_store_idx %arg24[%add3A_292], %mul3A_171 : memref<2176xf32, #tpu.memory_space<vmem>>[vector<16xi32>], vector<16xf32>,
          %add3A_293 = arith.constant 12 : i32
          %add3A_294 = vector.broadcast %add3A_293 : i32 to vector<16xi32>
          %add3A_295 = arith.addi %add3A_217, %add3A_294 : vector<16xi32>
          tpu.vector_store_idx %arg25[%add3A_295], %mul3A_210 : memref<2176xf32, #tpu.memory_space<vmem>>[vector<16xi32>], vector<16xf32>,
          %add3A_296 = arith.constant 13 : i32
          %add3A_297 = vector.broadcast %add3A_296 : i32 to vector<16xi32>
          %add3A_298 = arith.addi %add3A_217, %add3A_297 : vector<16xi32>
          tpu.vector_store_idx %arg24[%add3A_298], %mul3A_171 : memref<2176xf32, #tpu.memory_space<vmem>>[vector<16xi32>], vector<16xf32>,
          %add3A_299 = arith.constant 13 : i32
          %add3A_300 = vector.broadcast %add3A_299 : i32 to vector<16xi32>
          %add3A_301 = arith.addi %add3A_217, %add3A_300 : vector<16xi32>
          tpu.vector_store_idx %arg25[%add3A_301], %mul3A_210 : memref<2176xf32, #tpu.memory_space<vmem>>[vector<16xi32>], vector<16xf32>,
          %add3A_302 = arith.constant 14 : i32
          %add3A_303 = vector.broadcast %add3A_302 : i32 to vector<16xi32>
          %add3A_304 = arith.addi %add3A_217, %add3A_303 : vector<16xi32>
          tpu.vector_store_idx %arg24[%add3A_304], %mul3A_171 : memref<2176xf32, #tpu.memory_space<vmem>>[vector<16xi32>], vector<16xf32>,
          %add3A_305 = arith.constant 14 : i32
          %add3A_306 = vector.broadcast %add3A_305 : i32 to vector<16xi32>
          %add3A_307 = arith.addi %add3A_217, %add3A_306 : vector<16xi32>
          tpu.vector_store_idx %arg25[%add3A_307], %mul3A_210 : memref<2176xf32, #tpu.memory_space<vmem>>[vector<16xi32>], vector<16xf32>,
          %add3A_308 = arith.constant 15 : i32
          %add3A_309 = vector.broadcast %add3A_308 : i32 to vector<16xi32>
          %add3A_310 = arith.addi %add3A_217, %add3A_309 : vector<16xi32>
          tpu.vector_store_idx %arg24[%add3A_310], %mul3A_171 : memref<2176xf32, #tpu.memory_space<vmem>>[vector<16xi32>], vector<16xf32>,
          %add3A_311 = arith.constant 15 : i32
          %add3A_312 = vector.broadcast %add3A_311 : i32 to vector<16xi32>
          %add3A_313 = arith.addi %add3A_217, %add3A_312 : vector<16xi32>
          tpu.vector_store_idx %arg25[%add3A_313], %mul3A_210 : memref<2176xf32, #tpu.memory_space<vmem>>[vector<16xi32>], vector<16xf32>,
          %scan3A_314 = arith.constant 0 : i32
          scf.yield %scan3A_314 : i32
        }
        %scan3A_149 = arith.constant 8 : i32
        %parallel_loop3A = arith.constant 0 : i32
        %parallel_loop3A_150 = arith.constant 128 : i32
        %parallel_loop3A_151 = arith.constant 1 : i32
        scf.for %parallel_loop3A_156 = %parallel_loop3A to %parallel_loop3A_150 step %parallel_loop3A_151  : i32 {
          %parallel_loop3A_157 = arith.constant 17 : i32
          %parallel_loop3A_158 = arith.muli %parallel_loop3A_156, %parallel_loop3A_157 : i32
          %parallel_loop3A_159 = arith.index_cast %parallel_loop3A_158 : i32 to index
          %parallel_loop3A_160 = tpu.vector_load %arg24[%parallel_loop3A_159] {strides = array<i32>} : memref<2176xf32, #tpu.memory_space<vmem>>, vector<16xf32>,
          %parallel_loop3A_161 = arith.constant 17 : i32
          %parallel_loop3A_162 = arith.muli %parallel_loop3A_156, %parallel_loop3A_161 : i32
          %parallel_loop3A_163 = arith.index_cast %parallel_loop3A_162 : i32 to index
          %parallel_loop3A_164 = tpu.vector_load %arg25[%parallel_loop3A_163] {strides = array<i32>} : memref<2176xf32, #tpu.memory_space<vmem>>, vector<16xf32>,
          %parallel_loop3A_165 = arith.index_cast %parallel_loop3A_156 : i32 to index
          %parallel_loop3A_166 = arith.constant 0 : index
          %parallel_loop3A_167 = tpu.vector_load %arg18[%parallel_loop3A_165, %parallel_loop3A_166] {strides = array<i32>} : memref<128x128xf32, #tpu.memory_space<vmem>>, vector<16xf32>,
          %parallel_loop3A_168 = arith.subf %parallel_loop3A_167, %parallel_loop3A_160 : vector<16xf32>
          %parallel_loop3A_169 = arith.mulf %parallel_loop3A_168, %parallel_loop3A_164 : vector<16xf32>
          %parallel_loop3A_170 = arith.mulf %parallel_loop3A_169, %get3A_2 : vector<16xf32>
          %parallel_loop3A_171 = arith.addf %parallel_loop3A_170, %get3A_18 : vector<16xf32>
          %parallel_loop3A_172 = arith.index_cast %parallel_loop3A_156 : i32 to index
          %parallel_loop3A_173 = arith.constant 0 : index
          %parallel_loop3A_174 = tpu.vector_load %arg18[%parallel_loop3A_172, %parallel_loop3A_173] {strides = array<i32>} : memref<128x128xf32, #tpu.memory_space<vmem>>, vector<16xf32>,
          tpu.vector_store %arg18[%parallel_loop3A_172, %parallel_loop3A_173], %parallel_loop3A_171 {strides = array<i32>} : memref<128x128xf32, #tpu.memory_space<vmem>>, vector<16xf32>,
          %parallel_loop3A_175 = arith.index_cast %parallel_loop3A_156 : i32 to index
          %parallel_loop3A_176 = arith.constant 16 : index
          %parallel_loop3A_177 = tpu.vector_load %arg18[%parallel_loop3A_175, %parallel_loop3A_176] {strides = array<i32>} : memref<128x128xf32, #tpu.memory_space<vmem>>, vector<16xf32>,
          %parallel_loop3A_178 = arith.subf %parallel_loop3A_177, %parallel_loop3A_160 : vector<16xf32>
          %parallel_loop3A_179 = arith.mulf %parallel_loop3A_178, %parallel_loop3A_164 : vector<16xf32>
          %parallel_loop3A_180 = arith.mulf %parallel_loop3A_179, %get3A_4 : vector<16xf32>
          %parallel_loop3A_181 = arith.addf %parallel_loop3A_180, %get3A_20 : vector<16xf32>
          %parallel_loop3A_182 = arith.index_cast %parallel_loop3A_156 : i32 to index
          %parallel_loop3A_183 = arith.constant 16 : index
          %parallel_loop3A_184 = tpu.vector_load %arg18[%parallel_loop3A_182, %parallel_loop3A_183] {strides = array<i32>} : memref<128x128xf32, #tpu.memory_space<vmem>>, vector<16xf32>,
          tpu.vector_store %arg18[%parallel_loop3A_182, %parallel_loop3A_183], %parallel_loop3A_181 {strides = array<i32>} : memref<128x128xf32, #tpu.memory_space<vmem>>, vector<16xf32>,
          %parallel_loop3A_185 = arith.index_cast %parallel_loop3A_156 : i32 to index
          %parallel_loop3A_186 = arith.constant 32 : index
          %parallel_loop3A_187 = tpu.vector_load %arg18[%parallel_loop3A_185, %parallel_loop3A_186] {strides = array<i32>} : memref<128x128xf32, #tpu.memory_space<vmem>>, vector<16xf32>,
          %parallel_loop3A_188 = arith.subf %parallel_loop3A_187, %parallel_loop3A_160 : vector<16xf32>
          %parallel_loop3A_189 = arith.mulf %parallel_loop3A_188, %parallel_loop3A_164 : vector<16xf32>
          %parallel_loop3A_190 = arith.mulf %parallel_loop3A_189, %get3A_6 : vector<16xf32>
          %parallel_loop3A_191 = arith.addf %parallel_loop3A_190, %get3A_22 : vector<16xf32>
          %parallel_loop3A_192 = arith.index_cast %parallel_loop3A_156 : i32 to index
          %parallel_loop3A_193 = arith.constant 32 : index
          %parallel_loop3A_194 = tpu.vector_load %arg18[%parallel_loop3A_192, %parallel_loop3A_193] {strides = array<i32>} : memref<128x128xf32, #tpu.memory_space<vmem>>, vector<16xf32>,
          tpu.vector_store %arg18[%parallel_loop3A_192, %parallel_loop3A_193], %parallel_loop3A_191 {strides = array<i32>} : memref<128x128xf32, #tpu.memory_space<vmem>>, vector<16xf32>,
          %parallel_loop3A_195 = arith.index_cast %parallel_loop3A_156 : i32 to index
          %parallel_loop3A_196 = arith.constant 48 : index
          %parallel_loop3A_197 = tpu.vector_load %arg18[%parallel_loop3A_195, %parallel_loop3A_196] {strides = array<i32>} : memref<128x128xf32, #tpu.memory_space<vmem>>, vector<16xf32>,
          %parallel_loop3A_198 = arith.subf %parallel_loop3A_197, %parallel_loop3A_160 : vector<16xf32>
          %parallel_loop3A_199 = arith.mulf %parallel_loop3A_198, %parallel_loop3A_164 : vector<16xf32>
          %parallel_loop3A_200 = arith.mulf %parallel_loop3A_199, %get3A_8 : vector<16xf32>
          %parallel_loop3A_201 = arith.addf %parallel_loop3A_200, %get3A_24 : vector<16xf32>
          %parallel_loop3A_202 = arith.index_cast %parallel_loop3A_156 : i32 to index
          %parallel_loop3A_203 = arith.constant 48 : index
          %parallel_loop3A_204 = tpu.vector_load %arg18[%parallel_loop3A_202, %parallel_loop3A_203] {strides = array<i32>} : memref<128x128xf32, #tpu.memory_space<vmem>>, vector<16xf32>,
          tpu.vector_store %arg18[%parallel_loop3A_202, %parallel_loop3A_203], %parallel_loop3A_201 {strides = array<i32>} : memref<128x128xf32, #tpu.memory_space<vmem>>, vector<16xf32>,
          %parallel_loop3A_205 = arith.index_cast %parallel_loop3A_156 : i32 to index
          %parallel_loop3A_206 = arith.constant 64 : index
          %parallel_loop3A_207 = tpu.vector_load %arg18[%parallel_loop3A_205, %parallel_loop3A_206] {strides = array<i32>} : memref<128x128xf32, #tpu.memory_space<vmem>>, vector<16xf32>,
          %parallel_loop3A_208 = arith.subf %parallel_loop3A_207, %parallel_loop3A_160 : vector<16xf32>
          %parallel_loop3A_209 = arith.mulf %parallel_loop3A_208, %parallel_loop3A_164 : vector<16xf32>
          %parallel_loop3A_210 = arith.mulf %parallel_loop3A_209, %get3A_10 : vector<16xf32>
          %parallel_loop3A_211 = arith.addf %parallel_loop3A_210, %get3A_26 : vector<16xf32>
          %parallel_loop3A_212 = arith.index_cast %parallel_loop3A_156 : i32 to index
          %parallel_loop3A_213 = arith.constant 64 : index
          %parallel_loop3A_214 = tpu.vector_load %arg18[%parallel_loop3A_212, %parallel_loop3A_213] {strides = array<i32>} : memref<128x128xf32, #tpu.memory_space<vmem>>, vector<16xf32>,
          tpu.vector_store %arg18[%parallel_loop3A_212, %parallel_loop3A_213], %parallel_loop3A_211 {strides = array<i32>} : memref<128x128xf32, #tpu.memory_space<vmem>>, vector<16xf32>,
          %parallel_loop3A_215 = arith.index_cast %parallel_loop3A_156 : i32 to index
          %parallel_loop3A_216 = arith.constant 80 : index
          %parallel_loop3A_217 = tpu.vector_load %arg18[%parallel_loop3A_215, %parallel_loop3A_216] {strides = array<i32>} : memref<128x128xf32, #tpu.memory_space<vmem>>, vector<16xf32>,
          %parallel_loop3A_218 = arith.subf %parallel_loop3A_217, %parallel_loop3A_160 : vector<16xf32>
          %parallel_loop3A_219 = arith.mulf %parallel_loop3A_218, %parallel_loop3A_164 : vector<16xf32>
          %parallel_loop3A_220 = arith.mulf %parallel_loop3A_219, %get3A_12 : vector<16xf32>
          %parallel_loop3A_221 = arith.addf %parallel_loop3A_220, %get3A_28 : vector<16xf32>
          %parallel_loop3A_222 = arith.index_cast %parallel_loop3A_156 : i32 to index
          %parallel_loop3A_223 = arith.constant 80 : index
          %parallel_loop3A_224 = tpu.vector_load %arg18[%parallel_loop3A_222, %parallel_loop3A_223] {strides = array<i32>} : memref<128x128xf32, #tpu.memory_space<vmem>>, vector<16xf32>,
          tpu.vector_store %arg18[%parallel_loop3A_222, %parallel_loop3A_223], %parallel_loop3A_221 {strides = array<i32>} : memref<128x128xf32, #tpu.memory_space<vmem>>, vector<16xf32>,
          %parallel_loop3A_225 = arith.index_cast %parallel_loop3A_156 : i32 to index
          %parallel_loop3A_226 = arith.constant 96 : index
          %parallel_loop3A_227 = tpu.vector_load %arg18[%parallel_loop3A_225, %parallel_loop3A_226] {strides = array<i32>} : memref<128x128xf32, #tpu.memory_space<vmem>>, vector<16xf32>,
          %parallel_loop3A_228 = arith.subf %parallel_loop3A_227, %parallel_loop3A_160 : vector<16xf32>
          %parallel_loop3A_229 = arith.mulf %parallel_loop3A_228, %parallel_loop3A_164 : vector<16xf32>
          %parallel_loop3A_230 = arith.mulf %parallel_loop3A_229, %get3A_14 : vector<16xf32>
          %parallel_loop3A_231 = arith.addf %parallel_loop3A_230, %get3A_30 : vector<16xf32>
          %parallel_loop3A_232 = arith.index_cast %parallel_loop3A_156 : i32 to index
          %parallel_loop3A_233 = arith.constant 96 : index
          %parallel_loop3A_234 = tpu.vector_load %arg18[%parallel_loop3A_232, %parallel_loop3A_233] {strides = array<i32>} : memref<128x128xf32, #tpu.memory_space<vmem>>, vector<16xf32>,
          tpu.vector_store %arg18[%parallel_loop3A_232, %parallel_loop3A_233], %parallel_loop3A_231 {strides = array<i32>} : memref<128x128xf32, #tpu.memory_space<vmem>>, vector<16xf32>,
          %parallel_loop3A_235 = arith.index_cast %parallel_loop3A_156 : i32 to index
          %parallel_loop3A_236 = arith.constant 112 : index
          %parallel_loop3A_237 = tpu.vector_load %arg18[%parallel_loop3A_235, %parallel_loop3A_236] {strides = array<i32>} : memref<128x128xf32, #tpu.memory_space<vmem>>, vector<16xf32>,
          %parallel_loop3A_238 = arith.subf %parallel_loop3A_237, %parallel_loop3A_160 : vector<16xf32>
          %parallel_loop3A_239 = arith.mulf %parallel_loop3A_238, %parallel_loop3A_164 : vector<16xf32>
          %parallel_loop3A_240 = arith.mulf %parallel_loop3A_239, %get3A_16 : vector<16xf32>
          %parallel_loop3A_241 = arith.addf %parallel_loop3A_240, %get3A_32 : vector<16xf32>
          %parallel_loop3A_242 = arith.index_cast %parallel_loop3A_156 : i32 to index
          %parallel_loop3A_243 = arith.constant 112 : index
          %parallel_loop3A_244 = tpu.vector_load %arg18[%parallel_loop3A_242, %parallel_loop3A_243] {strides = array<i32>} : memref<128x128xf32, #tpu.memory_space<vmem>>, vector<16xf32>,
          tpu.vector_store %arg18[%parallel_loop3A_242, %parallel_loop3A_243], %parallel_loop3A_241 {strides = array<i32>} : memref<128x128xf32, #tpu.memory_space<vmem>>, vector<16xf32>,
        } {sc.loop_unroll_factor = 4 : i64, sc.parallel_access}
        %dma_start3A_152 = arith.constant 0 : i32
        %dma_start3A_153 = tpu.memref_slice %arg8[%add3A_121, %dma_start3A_152] : memref<204800x128xf32, #tpu.memory_space<hbm>> -> memref<128x128xf32, #tpu.memory_space<hbm>>
        %dma_start3A_154 = arith.constant 0 : i32
        %dma_start3A_155 = tpu.memref_slice %arg8[%add3A_121, %dma_start3A_154] : memref<204800x128xf32, #tpu.memory_space<hbm>> -> memref<128x128xf32, #tpu.memory_space<hbm>>
        tpu.enqueue_dma source(%arg18 : memref<128x128xf32, #tpu.memory_space<vmem>>) target(%dma_start3A_155 : memref<128x128xf32, #tpu.memory_space<hbm>>) target_semaphore(%arg27 : memref<!tpu.dma_semaphore, #tpu.memory_space<semaphore_mem>>)
      } else {
      }
      %eq3A_106 = arith.constant 1 : i32
      %eq3A_107 = arith.cmpi eq, %select_n3A_102, %eq3A_106 : i32
      %convert_element_type3A_108 = arith.extui %eq3A_107 : i1 to i32
      %cond3A_109 = arith.constant 0 : i32
      %cond3A_110 = arith.cmpi ne, %convert_element_type3A_108, %cond3A_109 : i32
      scf.if %cond3A_110 {
        %mul3A_117 = arith.constant 6400 : i32
        %mul3A_118 = arith.muli %add3A, %mul3A_117 : i32
        %mul3A_119 = arith.constant 128 : i32
        %mul3A_120 = arith.muli %scan3A_92, %mul3A_119 : i32
        %add3A_121 = arith.addi %mul3A_118, %mul3A_120 : i32
        %ge3A = arith.constant 2 : i32
        %ge3A_122 = arith.cmpi sge, %scan3A_92, %ge3A : i32
        %convert_element_type3A_123 = arith.extui %ge3A_122 : i1 to i32
        %cond3A_124 = arith.constant 0 : i32
        %cond3A_125 = arith.cmpi ne, %convert_element_type3A_123, %cond3A_124 : i32
        scf.if %cond3A_125 {
          %dma_wait3A_156 = arith.constant 0 : i32
          %dma_wait3A_157 = tpu.memref_slice %arg8[%add3A_121, %dma_wait3A_156] : memref<204800x128xf32, #tpu.memory_space<hbm>> -> memref<128x128xf32, #tpu.memory_space<hbm>>
          %dma_wait3A_158 = arith.constant 0 : i32
          %dma_wait3A_159 = tpu.memref_slice %arg8[%add3A_121, %dma_wait3A_158] : memref<204800x128xf32, #tpu.memory_space<hbm>> -> memref<128x128xf32, #tpu.memory_space<hbm>>
          tpu.wait_dma2 semaphore(%arg27 : memref<!tpu.dma_semaphore, #tpu.memory_space<semaphore_mem>>) src(%dma_wait3A_159 : memref<128x128xf32, #tpu.memory_space<hbm>>) dst(%arg20 : memref<128x128xf32, #tpu.memory_space<vmem>>)
        } else {
        }
        %add3A_126 = arith.constant 1 : i32
        %add3A_127 = arith.addi %scan3A_92, %add3A_126 : i32
        %lt3A_128 = arith.constant 50 : i32
        %lt3A_129 = arith.cmpi slt, %add3A_127, %lt3A_128 : i32
        %convert_element_type3A_130 = arith.extui %lt3A_129 : i1 to i32
        %cond3A_131 = arith.constant 0 : i32
        %cond3A_132 = arith.cmpi ne, %convert_element_type3A_130, %cond3A_131 : i32
        scf.if %cond3A_132 {
          %add3A_156 = arith.constant 1 : i32
          %add3A_157 = arith.addi %scan3A_92, %add3A_156 : i32
          %mul3A_158 = arith.constant 6400 : i32
          %mul3A_159 = arith.muli %add3A, %mul3A_158 : i32
          %mul3A_160 = arith.constant 128 : i32
          %mul3A_161 = arith.muli %add3A_157, %mul3A_160 : i32
          %add3A_162 = arith.addi %mul3A_159, %mul3A_161 : i32
          %dma_wait3A_163 = tpu.memref_slice %arg2[%add3A_162] : memref<204800xi32, #tpu.memory_space<hbm>> -> memref<128xi32, #tpu.memory_space<hbm>>
          %dma_wait3A_164 = tpu.memref_slice %arg2[%add3A_162] : memref<204800xi32, #tpu.memory_space<hbm>> -> memref<128xi32, #tpu.memory_space<hbm>>
          tpu.wait_dma2 semaphore(%arg28 : memref<!tpu.dma_semaphore, #tpu.memory_space<semaphore_mem>>) src(%dma_wait3A_164 : memref<128xi32, #tpu.memory_space<hbm>>) dst(%arg11 : memref<128xi32, #tpu.memory_space<vmem>>)
          %dma_wait3A_165 = tpu.memref_slice %arg3[%add3A_162] : memref<204800xi32, #tpu.memory_space<hbm>> -> memref<128xi32, #tpu.memory_space<hbm>>
          %dma_wait3A_166 = tpu.memref_slice %arg3[%add3A_162] : memref<204800xi32, #tpu.memory_space<hbm>> -> memref<128xi32, #tpu.memory_space<hbm>>
          tpu.wait_dma2 semaphore(%arg28 : memref<!tpu.dma_semaphore, #tpu.memory_space<semaphore_mem>>) src(%dma_wait3A_166 : memref<128xi32, #tpu.memory_space<hbm>>) dst(%arg14 : memref<128xi32, #tpu.memory_space<vmem>>)
          %add3A_167 = arith.constant 1 : i32
          %add3A_168 = arith.addi %scan3A_92, %add3A_167 : i32
          %mul3A_169 = arith.constant 6400 : i32
          %mul3A_170 = arith.muli %add3A, %mul3A_169 : i32
          %mul3A_171 = arith.constant 128 : i32
          %mul3A_172 = arith.muli %add3A_168, %mul3A_171 : i32
          %add3A_173 = arith.addi %mul3A_170, %mul3A_172 : i32
          %scan3A_174 = arith.constant 0 : i32
          %scan3A_175 = arith.constant 0 : i32
          %scan3A_176 = arith.constant 8 : i32
          %scan3A_177 = arith.addi %scan3A_175, %scan3A_176 : i32
          %scan3A_178 = arith.constant 1 : i32
          %scan3A_179 = scf.for %scan3A_184 = %scan3A_175 to %scan3A_177 step %scan3A_178 iter_args(%scan3A_185 = %scan3A_174) -> (i32)  : i32 {
            %mul3A_186 = arith.constant 16 : i32
            %mul3A_187 = arith.muli %scan3A_184, %mul3A_186 : i32
            %get3A_188 = arith.index_cast %mul3A_187 : i32 to index
            %get3A_189 = tpu.vector_load %arg14[%get3A_188] {strides = array<i32>} : memref<128xi32, #tpu.memory_space<vmem>>, vector<16xi32>,
            %mul3A_190 = arith.constant 16 : i32
            %mul3A_191 = arith.muli %scan3A_184, %mul3A_190 : i32
            %add3A_192 = arith.addi %add3A_173, %mul3A_191 : i32
            %add3A_193 = vector.broadcast %add3A_192 : i32 to vector<16xi32>
            %add3A_194 = arith.addi %add3A_193, %iota3A : vector<16xi32>
            %jit3A_195 = arith.constant 200 : i32
            %eq3A_196 = arith.constant 0 : i32
            %eq3A_197 = arith.cmpi eq, %jit3A_195, %eq3A_196 : i32
            %jit3A_198 = arith.constant 1 : i32
            %select_n3A_199 = arith.select %eq3A_197, %jit3A_198, %jit3A_195 : i32
            %rem3A_200 = vector.broadcast %select_n3A_199 : i32 to vector<16xi32>
            %rem3A_201 = arith.remsi %add3A_194, %rem3A_200 : vector<16xi32>
            %ne3A_202 = arith.constant 0 : i32
            %ne3A_203 = vector.broadcast %ne3A_202 : i32 to vector<16xi32>
            %ne3A_204 = arith.cmpi ne, %rem3A_201, %ne3A_203 : vector<16xi32>
            %lt3A_205 = arith.constant 0 : i32
            %lt3A_206 = vector.broadcast %lt3A_205 : i32 to vector<16xi32>
            %lt3A_207 = arith.cmpi slt, %rem3A_201, %lt3A_206 : vector<16xi32>
            %lt3A_208 = arith.constant 0 : i32
            %lt3A_209 = arith.cmpi slt, %select_n3A_199, %lt3A_208 : i32
            %ne3A_210 = vector.broadcast %lt3A_209 : i1 to vector<16xi1>
            %ne3A_211 = vector.broadcast %ne3A_210 : vector<16xi1> to vector<16xi1>
            %ne3A_212 = arith.xori %lt3A_207, %ne3A_211 : vector<16xi1>
            %and3A_213 = arith.andi %ne3A_212, %ne3A_204 : vector<16xi1>
            %add3A_214 = vector.broadcast %select_n3A_199 : i32 to vector<16xi32>
            %add3A_215 = arith.addi %rem3A_201, %add3A_214 : vector<16xi32>
            %select_n3A_216 = arith.select %and3A_213, %add3A_215, %rem3A_201 : vector<16xi1>, vector<16xi32>
            %mul3A_217 = arith.constant 2 : i32
            %mul3A_218 = vector.broadcast %mul3A_217 : i32 to vector<16xi32>
            %mul3A_219 = arith.muli %select_n3A_216, %mul3A_218 : vector<16xi32>
            %add3A_220 = arith.addi %mul3A_219, %get3A_189 : vector<16xi32>
            %mul3A_221 = arith.constant 137 : i32
            %mul3A_222 = vector.broadcast %mul3A_221 : i32 to vector<16xi32>
            %mul3A_223 = arith.muli %add3A_220, %mul3A_222 : vector<16xi32>
            %mul3A_224 = arith.constant 16 : i32
            %mul3A_225 = arith.muli %scan3A_184, %mul3A_224 : i32
            %swap3A = arith.index_cast %mul3A_225 : i32 to index
            %swap3A_226 = tpu.vector_load %arg17[%swap3A] {strides = array<i32>} : memref<128xi32, #tpu.memory_space<vmem>>, vector<16xi32>,
            tpu.vector_store %arg17[%swap3A], %mul3A_223 {strides = array<i32>} : memref<128xi32, #tpu.memory_space<vmem>>, vector<16xi32>,
            %scan3A_227 = arith.constant 0 : i32
            scf.yield %scan3A_227 : i32
          }
          %scan3A_180 = arith.constant 8 : i32
          %dma_start3A_181 = arith.constant 0 : i32
          %dma_start3A_182 = arith.constant 0 : i32
          %dma_start3A_183 = tpu.memref_slice %arg4[%dma_start3A_181, %dma_start3A_182] : memref<100000x128xf32, #tpu.memory_space<hbm>> -> memref<100000x128xf32, #tpu.memory_space<hbm>>
          tpu.enqueue_indirect_dma source(%dma_start3A_183 : memref<100000x128xf32, #tpu.memory_space<hbm>>) target(%arg20 : memref<128x128xf32, #tpu.memory_space<vmem>>) offsets(%arg11 : memref<128xi32, #tpu.memory_space<vmem>>) semaphore(%arg26 : memref<!tpu.dma_semaphore, #tpu.memory_space<semaphore_mem>>)
        } else {
        }
        %add3A_133 = arith.constant 2 : i32
        %add3A_134 = arith.addi %scan3A_92, %add3A_133 : i32
        %lt3A_135 = arith.constant 50 : i32
        %lt3A_136 = arith.cmpi slt, %add3A_134, %lt3A_135 : i32
        %convert_element_type3A_137 = arith.extui %lt3A_136 : i1 to i32
        %cond3A_138 = arith.constant 0 : i32
        %cond3A_139 = arith.cmpi ne, %convert_element_type3A_137, %cond3A_138 : i32
        scf.if %cond3A_139 {
          %add3A_156 = arith.constant 2 : i32
          %add3A_157 = arith.addi %scan3A_92, %add3A_156 : i32
          %mul3A_158 = arith.constant 6400 : i32
          %mul3A_159 = arith.muli %add3A, %mul3A_158 : i32
          %mul3A_160 = arith.constant 128 : i32
          %mul3A_161 = arith.muli %add3A_157, %mul3A_160 : i32
          %add3A_162 = arith.addi %mul3A_159, %mul3A_161 : i32
          %dma_start3A_163 = tpu.memref_slice %arg2[%add3A_162] : memref<204800xi32, #tpu.memory_space<hbm>> -> memref<128xi32, #tpu.memory_space<hbm>>
          %dma_start3A_164 = tpu.memref_slice %arg2[%add3A_162] : memref<204800xi32, #tpu.memory_space<hbm>> -> memref<128xi32, #tpu.memory_space<hbm>>
          tpu.enqueue_dma source(%dma_start3A_164 : memref<128xi32, #tpu.memory_space<hbm>>) target(%arg9 : memref<128xi32, #tpu.memory_space<vmem>>) target_semaphore(%arg28 : memref<!tpu.dma_semaphore, #tpu.memory_space<semaphore_mem>>)
          %dma_start3A_165 = tpu.memref_slice %arg3[%add3A_162] : memref<204800xi32, #tpu.memory_space<hbm>> -> memref<128xi32, #tpu.memory_space<hbm>>
          %dma_start3A_166 = tpu.memref_slice %arg3[%add3A_162] : memref<204800xi32, #tpu.memory_space<hbm>> -> memref<128xi32, #tpu.memory_space<hbm>>
          tpu.enqueue_dma source(%dma_start3A_166 : memref<128xi32, #tpu.memory_space<hbm>>) target(%arg12 : memref<128xi32, #tpu.memory_space<vmem>>) target_semaphore(%arg28 : memref<!tpu.dma_semaphore, #tpu.memory_space<semaphore_mem>>)
        } else {
        }
        %dma_wait3A_140 = arith.constant 0 : i32
        %dma_wait3A_141 = arith.constant 0 : i32
        %dma_wait3A_142 = tpu.memref_slice %arg4[%dma_wait3A_140, %dma_wait3A_141] : memref<100000x128xf32, #tpu.memory_space<hbm>> -> memref<100000x128xf32, #tpu.memory_space<hbm>>
        tpu.wait_indirect_dma semaphore(%arg26 : memref<!tpu.dma_semaphore, #tpu.memory_space<semaphore_mem>>) src(%dma_wait3A_142 : memref<100000x128xf32, #tpu.memory_space<hbm>>) dst(%arg19 : memref<128x128xf32, #tpu.memory_space<vmem>>)
        %scan3A_143 = arith.constant 0 : i32
        %scan3A_144 = arith.constant 0 : i32
        %scan3A_145 = arith.constant 8 : i32
        %scan3A_146 = arith.addi %scan3A_144, %scan3A_145 : i32
        %scan3A_147 = arith.constant 1 : i32
        %scan3A_148 = scf.for %scan3A_156 = %scan3A_144 to %scan3A_146 step %scan3A_147 iter_args(%scan3A_157 = %scan3A_143) -> (i32)  : i32 {
          %mul3A_158 = arith.constant 16 : i32
          %mul3A_159 = arith.muli %scan3A_156, %mul3A_158 : i32
          %add3A_160 = vector.broadcast %mul3A_159 : i32 to vector<16xi32>
          %add3A_161 = arith.addi %add3A_160, %iota3A : vector<16xi32>
          %mul3A_162 = arith.constant 16 : i32
          %mul3A_163 = arith.muli %scan3A_156, %mul3A_162 : i32
          %get3A_164 = arith.index_cast %mul3A_163 : i32 to index
          %get3A_165 = tpu.vector_load %arg16[%get3A_164] {strides = array<i32>} : memref<128xi32, #tpu.memory_space<vmem>>, vector<16xi32>,
          %parallel_loop3A_166 = arith.constant 0 : i32
          %parallel_loop3A_167 = arith.constant 128 : i32
          %parallel_loop3A_168 = arith.constant 1 : i32
          %parallel_loop3A_169:3 = scf.for %parallel_loop3A_315 = %parallel_loop3A_166 to %parallel_loop3A_167 step %parallel_loop3A_168 iter_args(%parallel_loop3A_316 = %broadcast_in_dim3A_1, %parallel_loop3A_317 = %broadcast_in_dim3A_1, %parallel_loop3A_318 = %iota3A) -> (vector<16xf32>, vector<16xf32>, vector<16xi32>)  : i32 {
            %parallel_loop3A_319 = tpu.vector_load_idx %arg19[%add3A_161, %parallel_loop3A_318] : memref<128x128xf32, #tpu.memory_space<vmem>>[vector<16xi32>, vector<16xi32>], vector<16xf32>,
            %parallel_loop3A_320 = arith.addi %get3A_165, %parallel_loop3A_318 : vector<16xi32>
            %parallel_loop3A_321 = tpu.vector_load_idx %arg21[%parallel_loop3A_320] : memref<54800xf32, #tpu.memory_space<vmem>>[vector<16xi32>], vector<16xf32>,
            %parallel_loop3A_322 = arith.addf %parallel_loop3A_319, %parallel_loop3A_321 : vector<16xf32>
            tpu.vector_store_idx %arg19[%add3A_161, %parallel_loop3A_318], %parallel_loop3A_322 : memref<128x128xf32, #tpu.memory_space<vmem>>[vector<16xi32>, vector<16xi32>], vector<16xf32>,
            %parallel_loop3A_323 = arith.addf %parallel_loop3A_316, %parallel_loop3A_322 : vector<16xf32>
            %parallel_loop3A_324 = arith.mulf %parallel_loop3A_322, %parallel_loop3A_322 : vector<16xf32>
            %parallel_loop3A_325 = arith.addf %parallel_loop3A_317, %parallel_loop3A_324 : vector<16xf32>
            %parallel_loop3A_326 = arith.constant 1 : i32
            %parallel_loop3A_327 = vector.broadcast %parallel_loop3A_326 : i32 to vector<16xi32>
            %parallel_loop3A_328 = arith.addi %parallel_loop3A_318, %parallel_loop3A_327 : vector<16xi32>
            %parallel_loop3A_329 = arith.constant 127 : i32
            %parallel_loop3A_330 = vector.broadcast %parallel_loop3A_329 : i32 to vector<16xi32>
            %parallel_loop3A_331 = arith.andi %parallel_loop3A_328, %parallel_loop3A_330 : vector<16xi32>
            scf.yield %parallel_loop3A_323, %parallel_loop3A_325, %parallel_loop3A_331 : vector<16xf32>, vector<16xf32>, vector<16xi32>
          } {sc.loop_unroll_factor = 8 : i64, sc.parallel_access}
          %mul3A_170 = vector.broadcast %scan3A_68 : f32 to vector<16xf32>
          %mul3A_171 = arith.mulf %parallel_loop3A_169#0, %mul3A_170 : vector<16xf32>
          %mul3A_172 = vector.broadcast %scan3A_68 : f32 to vector<16xf32>
          %mul3A_173 = arith.mulf %parallel_loop3A_169#1, %mul3A_172 : vector<16xf32>
          %mul3A_174 = arith.mulf %mul3A_171, %mul3A_171 : vector<16xf32>
          %sub3A = arith.subf %mul3A_173, %mul3A_174 : vector<16xf32>
          %add3A_175 = arith.constant 9.99999996E-13 : f32
          %add3A_176 = vector.broadcast %add3A_175 : f32 to vector<16xf32>
          %add3A_177 = arith.addf %sub3A, %add3A_176 : vector<16xf32>
          %bitcast3A = vector.bitcast %add3A_177 : vector<16xf32> to vector<16xi32>
          %shift_right_arithmetic3A = arith.constant 1 : i32
          %shift_right_arithmetic3A_178 = vector.broadcast %shift_right_arithmetic3A : i32 to vector<16xi32>
          %shift_right_arithmetic3A_179 = arith.shrsi %bitcast3A, %shift_right_arithmetic3A_178 : vector<16xi32>
          %sub3A_180 = arith.constant 1597463007 : i32
          %sub3A_181 = vector.broadcast %sub3A_180 : i32 to vector<16xi32>
          %sub3A_182 = arith.subi %sub3A_181, %shift_right_arithmetic3A_179 : vector<16xi32>
          %bitcast3A_183 = vector.bitcast %sub3A_182 : vector<16xi32> to vector<16xf32>
          %mul3A_184 = arith.constant 5.000000e-01 : f32
          %mul3A_185 = vector.broadcast %mul3A_184 : f32 to vector<16xf32>
          %mul3A_186 = arith.mulf %mul3A_185, %add3A_177 : vector<16xf32>
          %mul3A_187 = arith.mulf %mul3A_186, %bitcast3A_183 : vector<16xf32>
          %mul3A_188 = arith.mulf %mul3A_187, %bitcast3A_183 : vector<16xf32>
          %sub3A_189 = arith.constant 1.500000e+00 : f32
          %sub3A_190 = vector.broadcast %sub3A_189 : f32 to vector<16xf32>
          %sub3A_191 = arith.subf %sub3A_190, %mul3A_188 : vector<16xf32>
          %mul3A_192 = arith.mulf %bitcast3A_183, %sub3A_191 : vector<16xf32>
          %mul3A_193 = arith.constant 5.000000e-01 : f32
          %mul3A_194 = vector.broadcast %mul3A_193 : f32 to vector<16xf32>
          %mul3A_195 = arith.mulf %mul3A_194, %add3A_177 : vector<16xf32>
          %mul3A_196 = arith.mulf %mul3A_195, %mul3A_192 : vector<16xf32>
          %mul3A_197 = arith.mulf %mul3A_196, %mul3A_192 : vector<16xf32>
          %sub3A_198 = arith.constant 1.500000e+00 : f32
          %sub3A_199 = vector.broadcast %sub3A_198 : f32 to vector<16xf32>
          %sub3A_200 = arith.subf %sub3A_199, %mul3A_197 : vector<16xf32>
          %mul3A_201 = arith.mulf %mul3A_192, %sub3A_200 : vector<16xf32>
          %mul3A_202 = arith.constant 5.000000e-01 : f32
          %mul3A_203 = vector.broadcast %mul3A_202 : f32 to vector<16xf32>
          %mul3A_204 = arith.mulf %mul3A_203, %add3A_177 : vector<16xf32>
          %mul3A_205 = arith.mulf %mul3A_204, %mul3A_201 : vector<16xf32>
          %mul3A_206 = arith.mulf %mul3A_205, %mul3A_201 : vector<16xf32>
          %sub3A_207 = arith.constant 1.500000e+00 : f32
          %sub3A_208 = vector.broadcast %sub3A_207 : f32 to vector<16xf32>
          %sub3A_209 = arith.subf %sub3A_208, %mul3A_206 : vector<16xf32>
          %mul3A_210 = arith.mulf %mul3A_201, %sub3A_209 : vector<16xf32>
          %mul3A_211 = arith.constant 272 : i32
          %mul3A_212 = arith.muli %scan3A_156, %mul3A_211 : i32
          %mul3A_213 = arith.constant 17 : i32
          %mul3A_214 = vector.broadcast %mul3A_213 : i32 to vector<16xi32>
          %mul3A_215 = arith.muli %iota3A, %mul3A_214 : vector<16xi32>
          %add3A_216 = vector.broadcast %mul3A_212 : i32 to vector<16xi32>
          %add3A_217 = arith.addi %add3A_216, %mul3A_215 : vector<16xi32>
          %add3A_218 = arith.constant 0 : i32
          %add3A_219 = vector.broadcast %add3A_218 : i32 to vector<16xi32>
          %add3A_220 = arith.addi %add3A_217, %add3A_219 : vector<16xi32>
          tpu.vector_store_idx %arg24[%add3A_220], %mul3A_171 : memref<2176xf32, #tpu.memory_space<vmem>>[vector<16xi32>], vector<16xf32>,
          %add3A_221 = arith.constant 0 : i32
          %add3A_222 = vector.broadcast %add3A_221 : i32 to vector<16xi32>
          %add3A_223 = arith.addi %add3A_217, %add3A_222 : vector<16xi32>
          tpu.vector_store_idx %arg25[%add3A_223], %mul3A_210 : memref<2176xf32, #tpu.memory_space<vmem>>[vector<16xi32>], vector<16xf32>,
          %add3A_224 = arith.constant 1 : i32
          %add3A_225 = vector.broadcast %add3A_224 : i32 to vector<16xi32>
          %add3A_226 = arith.addi %add3A_217, %add3A_225 : vector<16xi32>
          tpu.vector_store_idx %arg24[%add3A_226], %mul3A_171 : memref<2176xf32, #tpu.memory_space<vmem>>[vector<16xi32>], vector<16xf32>,
          %add3A_227 = arith.constant 1 : i32
          %add3A_228 = vector.broadcast %add3A_227 : i32 to vector<16xi32>
          %add3A_229 = arith.addi %add3A_217, %add3A_228 : vector<16xi32>
          tpu.vector_store_idx %arg25[%add3A_229], %mul3A_210 : memref<2176xf32, #tpu.memory_space<vmem>>[vector<16xi32>], vector<16xf32>,
          %add3A_230 = arith.constant 2 : i32
          %add3A_231 = vector.broadcast %add3A_230 : i32 to vector<16xi32>
          %add3A_232 = arith.addi %add3A_217, %add3A_231 : vector<16xi32>
          tpu.vector_store_idx %arg24[%add3A_232], %mul3A_171 : memref<2176xf32, #tpu.memory_space<vmem>>[vector<16xi32>], vector<16xf32>,
          %add3A_233 = arith.constant 2 : i32
          %add3A_234 = vector.broadcast %add3A_233 : i32 to vector<16xi32>
          %add3A_235 = arith.addi %add3A_217, %add3A_234 : vector<16xi32>
          tpu.vector_store_idx %arg25[%add3A_235], %mul3A_210 : memref<2176xf32, #tpu.memory_space<vmem>>[vector<16xi32>], vector<16xf32>,
          %add3A_236 = arith.constant 3 : i32
          %add3A_237 = vector.broadcast %add3A_236 : i32 to vector<16xi32>
          %add3A_238 = arith.addi %add3A_217, %add3A_237 : vector<16xi32>
          tpu.vector_store_idx %arg24[%add3A_238], %mul3A_171 : memref<2176xf32, #tpu.memory_space<vmem>>[vector<16xi32>], vector<16xf32>,
          %add3A_239 = arith.constant 3 : i32
          %add3A_240 = vector.broadcast %add3A_239 : i32 to vector<16xi32>
          %add3A_241 = arith.addi %add3A_217, %add3A_240 : vector<16xi32>
          tpu.vector_store_idx %arg25[%add3A_241], %mul3A_210 : memref<2176xf32, #tpu.memory_space<vmem>>[vector<16xi32>], vector<16xf32>,
          %add3A_242 = arith.constant 4 : i32
          %add3A_243 = vector.broadcast %add3A_242 : i32 to vector<16xi32>
          %add3A_244 = arith.addi %add3A_217, %add3A_243 : vector<16xi32>
          tpu.vector_store_idx %arg24[%add3A_244], %mul3A_171 : memref<2176xf32, #tpu.memory_space<vmem>>[vector<16xi32>], vector<16xf32>,
          %add3A_245 = arith.constant 4 : i32
          %add3A_246 = vector.broadcast %add3A_245 : i32 to vector<16xi32>
          %add3A_247 = arith.addi %add3A_217, %add3A_246 : vector<16xi32>
          tpu.vector_store_idx %arg25[%add3A_247], %mul3A_210 : memref<2176xf32, #tpu.memory_space<vmem>>[vector<16xi32>], vector<16xf32>,
          %add3A_248 = arith.constant 5 : i32
          %add3A_249 = vector.broadcast %add3A_248 : i32 to vector<16xi32>
          %add3A_250 = arith.addi %add3A_217, %add3A_249 : vector<16xi32>
          tpu.vector_store_idx %arg24[%add3A_250], %mul3A_171 : memref<2176xf32, #tpu.memory_space<vmem>>[vector<16xi32>], vector<16xf32>,
          %add3A_251 = arith.constant 5 : i32
          %add3A_252 = vector.broadcast %add3A_251 : i32 to vector<16xi32>
          %add3A_253 = arith.addi %add3A_217, %add3A_252 : vector<16xi32>
          tpu.vector_store_idx %arg25[%add3A_253], %mul3A_210 : memref<2176xf32, #tpu.memory_space<vmem>>[vector<16xi32>], vector<16xf32>,
          %add3A_254 = arith.constant 6 : i32
          %add3A_255 = vector.broadcast %add3A_254 : i32 to vector<16xi32>
          %add3A_256 = arith.addi %add3A_217, %add3A_255 : vector<16xi32>
          tpu.vector_store_idx %arg24[%add3A_256], %mul3A_171 : memref<2176xf32, #tpu.memory_space<vmem>>[vector<16xi32>], vector<16xf32>,
          %add3A_257 = arith.constant 6 : i32
          %add3A_258 = vector.broadcast %add3A_257 : i32 to vector<16xi32>
          %add3A_259 = arith.addi %add3A_217, %add3A_258 : vector<16xi32>
          tpu.vector_store_idx %arg25[%add3A_259], %mul3A_210 : memref<2176xf32, #tpu.memory_space<vmem>>[vector<16xi32>], vector<16xf32>,
          %add3A_260 = arith.constant 7 : i32
          %add3A_261 = vector.broadcast %add3A_260 : i32 to vector<16xi32>
          %add3A_262 = arith.addi %add3A_217, %add3A_261 : vector<16xi32>
          tpu.vector_store_idx %arg24[%add3A_262], %mul3A_171 : memref<2176xf32, #tpu.memory_space<vmem>>[vector<16xi32>], vector<16xf32>,
          %add3A_263 = arith.constant 7 : i32
          %add3A_264 = vector.broadcast %add3A_263 : i32 to vector<16xi32>
          %add3A_265 = arith.addi %add3A_217, %add3A_264 : vector<16xi32>
          tpu.vector_store_idx %arg25[%add3A_265], %mul3A_210 : memref<2176xf32, #tpu.memory_space<vmem>>[vector<16xi32>], vector<16xf32>,
          %add3A_266 = arith.constant 8 : i32
          %add3A_267 = vector.broadcast %add3A_266 : i32 to vector<16xi32>
          %add3A_268 = arith.addi %add3A_217, %add3A_267 : vector<16xi32>
          tpu.vector_store_idx %arg24[%add3A_268], %mul3A_171 : memref<2176xf32, #tpu.memory_space<vmem>>[vector<16xi32>], vector<16xf32>,
          %add3A_269 = arith.constant 8 : i32
          %add3A_270 = vector.broadcast %add3A_269 : i32 to vector<16xi32>
          %add3A_271 = arith.addi %add3A_217, %add3A_270 : vector<16xi32>
          tpu.vector_store_idx %arg25[%add3A_271], %mul3A_210 : memref<2176xf32, #tpu.memory_space<vmem>>[vector<16xi32>], vector<16xf32>,
          %add3A_272 = arith.constant 9 : i32
          %add3A_273 = vector.broadcast %add3A_272 : i32 to vector<16xi32>
          %add3A_274 = arith.addi %add3A_217, %add3A_273 : vector<16xi32>
          tpu.vector_store_idx %arg24[%add3A_274], %mul3A_171 : memref<2176xf32, #tpu.memory_space<vmem>>[vector<16xi32>], vector<16xf32>,
          %add3A_275 = arith.constant 9 : i32
          %add3A_276 = vector.broadcast %add3A_275 : i32 to vector<16xi32>
          %add3A_277 = arith.addi %add3A_217, %add3A_276 : vector<16xi32>
          tpu.vector_store_idx %arg25[%add3A_277], %mul3A_210 : memref<2176xf32, #tpu.memory_space<vmem>>[vector<16xi32>], vector<16xf32>,
          %add3A_278 = arith.constant 10 : i32
          %add3A_279 = vector.broadcast %add3A_278 : i32 to vector<16xi32>
          %add3A_280 = arith.addi %add3A_217, %add3A_279 : vector<16xi32>
          tpu.vector_store_idx %arg24[%add3A_280], %mul3A_171 : memref<2176xf32, #tpu.memory_space<vmem>>[vector<16xi32>], vector<16xf32>,
          %add3A_281 = arith.constant 10 : i32
          %add3A_282 = vector.broadcast %add3A_281 : i32 to vector<16xi32>
          %add3A_283 = arith.addi %add3A_217, %add3A_282 : vector<16xi32>
          tpu.vector_store_idx %arg25[%add3A_283], %mul3A_210 : memref<2176xf32, #tpu.memory_space<vmem>>[vector<16xi32>], vector<16xf32>,
          %add3A_284 = arith.constant 11 : i32
          %add3A_285 = vector.broadcast %add3A_284 : i32 to vector<16xi32>
          %add3A_286 = arith.addi %add3A_217, %add3A_285 : vector<16xi32>
          tpu.vector_store_idx %arg24[%add3A_286], %mul3A_171 : memref<2176xf32, #tpu.memory_space<vmem>>[vector<16xi32>], vector<16xf32>,
          %add3A_287 = arith.constant 11 : i32
          %add3A_288 = vector.broadcast %add3A_287 : i32 to vector<16xi32>
          %add3A_289 = arith.addi %add3A_217, %add3A_288 : vector<16xi32>
          tpu.vector_store_idx %arg25[%add3A_289], %mul3A_210 : memref<2176xf32, #tpu.memory_space<vmem>>[vector<16xi32>], vector<16xf32>,
          %add3A_290 = arith.constant 12 : i32
          %add3A_291 = vector.broadcast %add3A_290 : i32 to vector<16xi32>
          %add3A_292 = arith.addi %add3A_217, %add3A_291 : vector<16xi32>
          tpu.vector_store_idx %arg24[%add3A_292], %mul3A_171 : memref<2176xf32, #tpu.memory_space<vmem>>[vector<16xi32>], vector<16xf32>,
          %add3A_293 = arith.constant 12 : i32
          %add3A_294 = vector.broadcast %add3A_293 : i32 to vector<16xi32>
          %add3A_295 = arith.addi %add3A_217, %add3A_294 : vector<16xi32>
          tpu.vector_store_idx %arg25[%add3A_295], %mul3A_210 : memref<2176xf32, #tpu.memory_space<vmem>>[vector<16xi32>], vector<16xf32>,
          %add3A_296 = arith.constant 13 : i32
          %add3A_297 = vector.broadcast %add3A_296 : i32 to vector<16xi32>
          %add3A_298 = arith.addi %add3A_217, %add3A_297 : vector<16xi32>
          tpu.vector_store_idx %arg24[%add3A_298], %mul3A_171 : memref<2176xf32, #tpu.memory_space<vmem>>[vector<16xi32>], vector<16xf32>,
          %add3A_299 = arith.constant 13 : i32
          %add3A_300 = vector.broadcast %add3A_299 : i32 to vector<16xi32>
          %add3A_301 = arith.addi %add3A_217, %add3A_300 : vector<16xi32>
          tpu.vector_store_idx %arg25[%add3A_301], %mul3A_210 : memref<2176xf32, #tpu.memory_space<vmem>>[vector<16xi32>], vector<16xf32>,
          %add3A_302 = arith.constant 14 : i32
          %add3A_303 = vector.broadcast %add3A_302 : i32 to vector<16xi32>
          %add3A_304 = arith.addi %add3A_217, %add3A_303 : vector<16xi32>
          tpu.vector_store_idx %arg24[%add3A_304], %mul3A_171 : memref<2176xf32, #tpu.memory_space<vmem>>[vector<16xi32>], vector<16xf32>,
          %add3A_305 = arith.constant 14 : i32
          %add3A_306 = vector.broadcast %add3A_305 : i32 to vector<16xi32>
          %add3A_307 = arith.addi %add3A_217, %add3A_306 : vector<16xi32>
          tpu.vector_store_idx %arg25[%add3A_307], %mul3A_210 : memref<2176xf32, #tpu.memory_space<vmem>>[vector<16xi32>], vector<16xf32>,
          %add3A_308 = arith.constant 15 : i32
          %add3A_309 = vector.broadcast %add3A_308 : i32 to vector<16xi32>
          %add3A_310 = arith.addi %add3A_217, %add3A_309 : vector<16xi32>
          tpu.vector_store_idx %arg24[%add3A_310], %mul3A_171 : memref<2176xf32, #tpu.memory_space<vmem>>[vector<16xi32>], vector<16xf32>,
          %add3A_311 = arith.constant 15 : i32
          %add3A_312 = vector.broadcast %add3A_311 : i32 to vector<16xi32>
          %add3A_313 = arith.addi %add3A_217, %add3A_312 : vector<16xi32>
          tpu.vector_store_idx %arg25[%add3A_313], %mul3A_210 : memref<2176xf32, #tpu.memory_space<vmem>>[vector<16xi32>], vector<16xf32>,
          %scan3A_314 = arith.constant 0 : i32
          scf.yield %scan3A_314 : i32
        }
        %scan3A_149 = arith.constant 8 : i32
        %parallel_loop3A = arith.constant 0 : i32
        %parallel_loop3A_150 = arith.constant 128 : i32
        %parallel_loop3A_151 = arith.constant 1 : i32
        scf.for %parallel_loop3A_156 = %parallel_loop3A to %parallel_loop3A_150 step %parallel_loop3A_151  : i32 {
          %parallel_loop3A_157 = arith.constant 17 : i32
          %parallel_loop3A_158 = arith.muli %parallel_loop3A_156, %parallel_loop3A_157 : i32
          %parallel_loop3A_159 = arith.index_cast %parallel_loop3A_158 : i32 to index
          %parallel_loop3A_160 = tpu.vector_load %arg24[%parallel_loop3A_159] {strides = array<i32>} : memref<2176xf32, #tpu.memory_space<vmem>>, vector<16xf32>,
          %parallel_loop3A_161 = arith.constant 17 : i32
          %parallel_loop3A_162 = arith.muli %parallel_loop3A_156, %parallel_loop3A_161 : i32
          %parallel_loop3A_163 = arith.index_cast %parallel_loop3A_162 : i32 to index
          %parallel_loop3A_164 = tpu.vector_load %arg25[%parallel_loop3A_163] {strides = array<i32>} : memref<2176xf32, #tpu.memory_space<vmem>>, vector<16xf32>,
          %parallel_loop3A_165 = arith.index_cast %parallel_loop3A_156 : i32 to index
          %parallel_loop3A_166 = arith.constant 0 : index
          %parallel_loop3A_167 = tpu.vector_load %arg19[%parallel_loop3A_165, %parallel_loop3A_166] {strides = array<i32>} : memref<128x128xf32, #tpu.memory_space<vmem>>, vector<16xf32>,
          %parallel_loop3A_168 = arith.subf %parallel_loop3A_167, %parallel_loop3A_160 : vector<16xf32>
          %parallel_loop3A_169 = arith.mulf %parallel_loop3A_168, %parallel_loop3A_164 : vector<16xf32>
          %parallel_loop3A_170 = arith.mulf %parallel_loop3A_169, %get3A_2 : vector<16xf32>
          %parallel_loop3A_171 = arith.addf %parallel_loop3A_170, %get3A_18 : vector<16xf32>
          %parallel_loop3A_172 = arith.index_cast %parallel_loop3A_156 : i32 to index
          %parallel_loop3A_173 = arith.constant 0 : index
          %parallel_loop3A_174 = tpu.vector_load %arg19[%parallel_loop3A_172, %parallel_loop3A_173] {strides = array<i32>} : memref<128x128xf32, #tpu.memory_space<vmem>>, vector<16xf32>,
          tpu.vector_store %arg19[%parallel_loop3A_172, %parallel_loop3A_173], %parallel_loop3A_171 {strides = array<i32>} : memref<128x128xf32, #tpu.memory_space<vmem>>, vector<16xf32>,
          %parallel_loop3A_175 = arith.index_cast %parallel_loop3A_156 : i32 to index
          %parallel_loop3A_176 = arith.constant 16 : index
          %parallel_loop3A_177 = tpu.vector_load %arg19[%parallel_loop3A_175, %parallel_loop3A_176] {strides = array<i32>} : memref<128x128xf32, #tpu.memory_space<vmem>>, vector<16xf32>,
          %parallel_loop3A_178 = arith.subf %parallel_loop3A_177, %parallel_loop3A_160 : vector<16xf32>
          %parallel_loop3A_179 = arith.mulf %parallel_loop3A_178, %parallel_loop3A_164 : vector<16xf32>
          %parallel_loop3A_180 = arith.mulf %parallel_loop3A_179, %get3A_4 : vector<16xf32>
          %parallel_loop3A_181 = arith.addf %parallel_loop3A_180, %get3A_20 : vector<16xf32>
          %parallel_loop3A_182 = arith.index_cast %parallel_loop3A_156 : i32 to index
          %parallel_loop3A_183 = arith.constant 16 : index
          %parallel_loop3A_184 = tpu.vector_load %arg19[%parallel_loop3A_182, %parallel_loop3A_183] {strides = array<i32>} : memref<128x128xf32, #tpu.memory_space<vmem>>, vector<16xf32>,
          tpu.vector_store %arg19[%parallel_loop3A_182, %parallel_loop3A_183], %parallel_loop3A_181 {strides = array<i32>} : memref<128x128xf32, #tpu.memory_space<vmem>>, vector<16xf32>,
          %parallel_loop3A_185 = arith.index_cast %parallel_loop3A_156 : i32 to index
          %parallel_loop3A_186 = arith.constant 32 : index
          %parallel_loop3A_187 = tpu.vector_load %arg19[%parallel_loop3A_185, %parallel_loop3A_186] {strides = array<i32>} : memref<128x128xf32, #tpu.memory_space<vmem>>, vector<16xf32>,
          %parallel_loop3A_188 = arith.subf %parallel_loop3A_187, %parallel_loop3A_160 : vector<16xf32>
          %parallel_loop3A_189 = arith.mulf %parallel_loop3A_188, %parallel_loop3A_164 : vector<16xf32>
          %parallel_loop3A_190 = arith.mulf %parallel_loop3A_189, %get3A_6 : vector<16xf32>
          %parallel_loop3A_191 = arith.addf %parallel_loop3A_190, %get3A_22 : vector<16xf32>
          %parallel_loop3A_192 = arith.index_cast %parallel_loop3A_156 : i32 to index
          %parallel_loop3A_193 = arith.constant 32 : index
          %parallel_loop3A_194 = tpu.vector_load %arg19[%parallel_loop3A_192, %parallel_loop3A_193] {strides = array<i32>} : memref<128x128xf32, #tpu.memory_space<vmem>>, vector<16xf32>,
          tpu.vector_store %arg19[%parallel_loop3A_192, %parallel_loop3A_193], %parallel_loop3A_191 {strides = array<i32>} : memref<128x128xf32, #tpu.memory_space<vmem>>, vector<16xf32>,
          %parallel_loop3A_195 = arith.index_cast %parallel_loop3A_156 : i32 to index
          %parallel_loop3A_196 = arith.constant 48 : index
          %parallel_loop3A_197 = tpu.vector_load %arg19[%parallel_loop3A_195, %parallel_loop3A_196] {strides = array<i32>} : memref<128x128xf32, #tpu.memory_space<vmem>>, vector<16xf32>,
          %parallel_loop3A_198 = arith.subf %parallel_loop3A_197, %parallel_loop3A_160 : vector<16xf32>
          %parallel_loop3A_199 = arith.mulf %parallel_loop3A_198, %parallel_loop3A_164 : vector<16xf32>
          %parallel_loop3A_200 = arith.mulf %parallel_loop3A_199, %get3A_8 : vector<16xf32>
          %parallel_loop3A_201 = arith.addf %parallel_loop3A_200, %get3A_24 : vector<16xf32>
          %parallel_loop3A_202 = arith.index_cast %parallel_loop3A_156 : i32 to index
          %parallel_loop3A_203 = arith.constant 48 : index
          %parallel_loop3A_204 = tpu.vector_load %arg19[%parallel_loop3A_202, %parallel_loop3A_203] {strides = array<i32>} : memref<128x128xf32, #tpu.memory_space<vmem>>, vector<16xf32>,
          tpu.vector_store %arg19[%parallel_loop3A_202, %parallel_loop3A_203], %parallel_loop3A_201 {strides = array<i32>} : memref<128x128xf32, #tpu.memory_space<vmem>>, vector<16xf32>,
          %parallel_loop3A_205 = arith.index_cast %parallel_loop3A_156 : i32 to index
          %parallel_loop3A_206 = arith.constant 64 : index
          %parallel_loop3A_207 = tpu.vector_load %arg19[%parallel_loop3A_205, %parallel_loop3A_206] {strides = array<i32>} : memref<128x128xf32, #tpu.memory_space<vmem>>, vector<16xf32>,
          %parallel_loop3A_208 = arith.subf %parallel_loop3A_207, %parallel_loop3A_160 : vector<16xf32>
          %parallel_loop3A_209 = arith.mulf %parallel_loop3A_208, %parallel_loop3A_164 : vector<16xf32>
          %parallel_loop3A_210 = arith.mulf %parallel_loop3A_209, %get3A_10 : vector<16xf32>
          %parallel_loop3A_211 = arith.addf %parallel_loop3A_210, %get3A_26 : vector<16xf32>
          %parallel_loop3A_212 = arith.index_cast %parallel_loop3A_156 : i32 to index
          %parallel_loop3A_213 = arith.constant 64 : index
          %parallel_loop3A_214 = tpu.vector_load %arg19[%parallel_loop3A_212, %parallel_loop3A_213] {strides = array<i32>} : memref<128x128xf32, #tpu.memory_space<vmem>>, vector<16xf32>,
          tpu.vector_store %arg19[%parallel_loop3A_212, %parallel_loop3A_213], %parallel_loop3A_211 {strides = array<i32>} : memref<128x128xf32, #tpu.memory_space<vmem>>, vector<16xf32>,
          %parallel_loop3A_215 = arith.index_cast %parallel_loop3A_156 : i32 to index
          %parallel_loop3A_216 = arith.constant 80 : index
          %parallel_loop3A_217 = tpu.vector_load %arg19[%parallel_loop3A_215, %parallel_loop3A_216] {strides = array<i32>} : memref<128x128xf32, #tpu.memory_space<vmem>>, vector<16xf32>,
          %parallel_loop3A_218 = arith.subf %parallel_loop3A_217, %parallel_loop3A_160 : vector<16xf32>
          %parallel_loop3A_219 = arith.mulf %parallel_loop3A_218, %parallel_loop3A_164 : vector<16xf32>
          %parallel_loop3A_220 = arith.mulf %parallel_loop3A_219, %get3A_12 : vector<16xf32>
          %parallel_loop3A_221 = arith.addf %parallel_loop3A_220, %get3A_28 : vector<16xf32>
          %parallel_loop3A_222 = arith.index_cast %parallel_loop3A_156 : i32 to index
          %parallel_loop3A_223 = arith.constant 80 : index
          %parallel_loop3A_224 = tpu.vector_load %arg19[%parallel_loop3A_222, %parallel_loop3A_223] {strides = array<i32>} : memref<128x128xf32, #tpu.memory_space<vmem>>, vector<16xf32>,
          tpu.vector_store %arg19[%parallel_loop3A_222, %parallel_loop3A_223], %parallel_loop3A_221 {strides = array<i32>} : memref<128x128xf32, #tpu.memory_space<vmem>>, vector<16xf32>,
          %parallel_loop3A_225 = arith.index_cast %parallel_loop3A_156 : i32 to index
          %parallel_loop3A_226 = arith.constant 96 : index
          %parallel_loop3A_227 = tpu.vector_load %arg19[%parallel_loop3A_225, %parallel_loop3A_226] {strides = array<i32>} : memref<128x128xf32, #tpu.memory_space<vmem>>, vector<16xf32>,
          %parallel_loop3A_228 = arith.subf %parallel_loop3A_227, %parallel_loop3A_160 : vector<16xf32>
          %parallel_loop3A_229 = arith.mulf %parallel_loop3A_228, %parallel_loop3A_164 : vector<16xf32>
          %parallel_loop3A_230 = arith.mulf %parallel_loop3A_229, %get3A_14 : vector<16xf32>
          %parallel_loop3A_231 = arith.addf %parallel_loop3A_230, %get3A_30 : vector<16xf32>
          %parallel_loop3A_232 = arith.index_cast %parallel_loop3A_156 : i32 to index
          %parallel_loop3A_233 = arith.constant 96 : index
          %parallel_loop3A_234 = tpu.vector_load %arg19[%parallel_loop3A_232, %parallel_loop3A_233] {strides = array<i32>} : memref<128x128xf32, #tpu.memory_space<vmem>>, vector<16xf32>,
          tpu.vector_store %arg19[%parallel_loop3A_232, %parallel_loop3A_233], %parallel_loop3A_231 {strides = array<i32>} : memref<128x128xf32, #tpu.memory_space<vmem>>, vector<16xf32>,
          %parallel_loop3A_235 = arith.index_cast %parallel_loop3A_156 : i32 to index
          %parallel_loop3A_236 = arith.constant 112 : index
          %parallel_loop3A_237 = tpu.vector_load %arg19[%parallel_loop3A_235, %parallel_loop3A_236] {strides = array<i32>} : memref<128x128xf32, #tpu.memory_space<vmem>>, vector<16xf32>,
          %parallel_loop3A_238 = arith.subf %parallel_loop3A_237, %parallel_loop3A_160 : vector<16xf32>
          %parallel_loop3A_239 = arith.mulf %parallel_loop3A_238, %parallel_loop3A_164 : vector<16xf32>
          %parallel_loop3A_240 = arith.mulf %parallel_loop3A_239, %get3A_16 : vector<16xf32>
          %parallel_loop3A_241 = arith.addf %parallel_loop3A_240, %get3A_32 : vector<16xf32>
          %parallel_loop3A_242 = arith.index_cast %parallel_loop3A_156 : i32 to index
          %parallel_loop3A_243 = arith.constant 112 : index
          %parallel_loop3A_244 = tpu.vector_load %arg19[%parallel_loop3A_242, %parallel_loop3A_243] {strides = array<i32>} : memref<128x128xf32, #tpu.memory_space<vmem>>, vector<16xf32>,
          tpu.vector_store %arg19[%parallel_loop3A_242, %parallel_loop3A_243], %parallel_loop3A_241 {strides = array<i32>} : memref<128x128xf32, #tpu.memory_space<vmem>>, vector<16xf32>,
        } {sc.loop_unroll_factor = 4 : i64, sc.parallel_access}
        %dma_start3A_152 = arith.constant 0 : i32
        %dma_start3A_153 = tpu.memref_slice %arg8[%add3A_121, %dma_start3A_152] : memref<204800x128xf32, #tpu.memory_space<hbm>> -> memref<128x128xf32, #tpu.memory_space<hbm>>
        %dma_start3A_154 = arith.constant 0 : i32
        %dma_start3A_155 = tpu.memref_slice %arg8[%add3A_121, %dma_start3A_154] : memref<204800x128xf32, #tpu.memory_space<hbm>> -> memref<128x128xf32, #tpu.memory_space<hbm>>
        tpu.enqueue_dma source(%arg19 : memref<128x128xf32, #tpu.memory_space<vmem>>) target(%dma_start3A_155 : memref<128x128xf32, #tpu.memory_space<hbm>>) target_semaphore(%arg27 : memref<!tpu.dma_semaphore, #tpu.memory_space<semaphore_mem>>)
      } else {
      }
      %eq3A_111 = arith.constant 2 : i32
      %eq3A_112 = arith.cmpi eq, %select_n3A_102, %eq3A_111 : i32
      %convert_element_type3A_113 = arith.extui %eq3A_112 : i1 to i32
      %cond3A_114 = arith.constant 0 : i32
      %cond3A_115 = arith.cmpi ne, %convert_element_type3A_113, %cond3A_114 : i32
      scf.if %cond3A_115 {
        %mul3A_117 = arith.constant 6400 : i32
        %mul3A_118 = arith.muli %add3A, %mul3A_117 : i32
        %mul3A_119 = arith.constant 128 : i32
        %mul3A_120 = arith.muli %scan3A_92, %mul3A_119 : i32
        %add3A_121 = arith.addi %mul3A_118, %mul3A_120 : i32
        %ge3A = arith.constant 2 : i32
        %ge3A_122 = arith.cmpi sge, %scan3A_92, %ge3A : i32
        %convert_element_type3A_123 = arith.extui %ge3A_122 : i1 to i32
        %cond3A_124 = arith.constant 0 : i32
        %cond3A_125 = arith.cmpi ne, %convert_element_type3A_123, %cond3A_124 : i32
        scf.if %cond3A_125 {
          %dma_wait3A_156 = arith.constant 0 : i32
          %dma_wait3A_157 = tpu.memref_slice %arg8[%add3A_121, %dma_wait3A_156] : memref<204800x128xf32, #tpu.memory_space<hbm>> -> memref<128x128xf32, #tpu.memory_space<hbm>>
          %dma_wait3A_158 = arith.constant 0 : i32
          %dma_wait3A_159 = tpu.memref_slice %arg8[%add3A_121, %dma_wait3A_158] : memref<204800x128xf32, #tpu.memory_space<hbm>> -> memref<128x128xf32, #tpu.memory_space<hbm>>
          tpu.wait_dma2 semaphore(%arg27 : memref<!tpu.dma_semaphore, #tpu.memory_space<semaphore_mem>>) src(%dma_wait3A_159 : memref<128x128xf32, #tpu.memory_space<hbm>>) dst(%arg18 : memref<128x128xf32, #tpu.memory_space<vmem>>)
        } else {
        }
        %add3A_126 = arith.constant 1 : i32
        %add3A_127 = arith.addi %scan3A_92, %add3A_126 : i32
        %lt3A_128 = arith.constant 50 : i32
        %lt3A_129 = arith.cmpi slt, %add3A_127, %lt3A_128 : i32
        %convert_element_type3A_130 = arith.extui %lt3A_129 : i1 to i32
        %cond3A_131 = arith.constant 0 : i32
        %cond3A_132 = arith.cmpi ne, %convert_element_type3A_130, %cond3A_131 : i32
        scf.if %cond3A_132 {
          %add3A_156 = arith.constant 1 : i32
          %add3A_157 = arith.addi %scan3A_92, %add3A_156 : i32
          %mul3A_158 = arith.constant 6400 : i32
          %mul3A_159 = arith.muli %add3A, %mul3A_158 : i32
          %mul3A_160 = arith.constant 128 : i32
          %mul3A_161 = arith.muli %add3A_157, %mul3A_160 : i32
          %add3A_162 = arith.addi %mul3A_159, %mul3A_161 : i32
          %dma_wait3A_163 = tpu.memref_slice %arg2[%add3A_162] : memref<204800xi32, #tpu.memory_space<hbm>> -> memref<128xi32, #tpu.memory_space<hbm>>
          %dma_wait3A_164 = tpu.memref_slice %arg2[%add3A_162] : memref<204800xi32, #tpu.memory_space<hbm>> -> memref<128xi32, #tpu.memory_space<hbm>>
          tpu.wait_dma2 semaphore(%arg28 : memref<!tpu.dma_semaphore, #tpu.memory_space<semaphore_mem>>) src(%dma_wait3A_164 : memref<128xi32, #tpu.memory_space<hbm>>) dst(%arg9 : memref<128xi32, #tpu.memory_space<vmem>>)
          %dma_wait3A_165 = tpu.memref_slice %arg3[%add3A_162] : memref<204800xi32, #tpu.memory_space<hbm>> -> memref<128xi32, #tpu.memory_space<hbm>>
          %dma_wait3A_166 = tpu.memref_slice %arg3[%add3A_162] : memref<204800xi32, #tpu.memory_space<hbm>> -> memref<128xi32, #tpu.memory_space<hbm>>
          tpu.wait_dma2 semaphore(%arg28 : memref<!tpu.dma_semaphore, #tpu.memory_space<semaphore_mem>>) src(%dma_wait3A_166 : memref<128xi32, #tpu.memory_space<hbm>>) dst(%arg12 : memref<128xi32, #tpu.memory_space<vmem>>)
          %add3A_167 = arith.constant 1 : i32
          %add3A_168 = arith.addi %scan3A_92, %add3A_167 : i32
          %mul3A_169 = arith.constant 6400 : i32
          %mul3A_170 = arith.muli %add3A, %mul3A_169 : i32
          %mul3A_171 = arith.constant 128 : i32
          %mul3A_172 = arith.muli %add3A_168, %mul3A_171 : i32
          %add3A_173 = arith.addi %mul3A_170, %mul3A_172 : i32
          %scan3A_174 = arith.constant 0 : i32
          %scan3A_175 = arith.constant 0 : i32
          %scan3A_176 = arith.constant 8 : i32
          %scan3A_177 = arith.addi %scan3A_175, %scan3A_176 : i32
          %scan3A_178 = arith.constant 1 : i32
          %scan3A_179 = scf.for %scan3A_184 = %scan3A_175 to %scan3A_177 step %scan3A_178 iter_args(%scan3A_185 = %scan3A_174) -> (i32)  : i32 {
            %mul3A_186 = arith.constant 16 : i32
            %mul3A_187 = arith.muli %scan3A_184, %mul3A_186 : i32
            %get3A_188 = arith.index_cast %mul3A_187 : i32 to index
            %get3A_189 = tpu.vector_load %arg12[%get3A_188] {strides = array<i32>} : memref<128xi32, #tpu.memory_space<vmem>>, vector<16xi32>,
            %mul3A_190 = arith.constant 16 : i32
            %mul3A_191 = arith.muli %scan3A_184, %mul3A_190 : i32
            %add3A_192 = arith.addi %add3A_173, %mul3A_191 : i32
            %add3A_193 = vector.broadcast %add3A_192 : i32 to vector<16xi32>
            %add3A_194 = arith.addi %add3A_193, %iota3A : vector<16xi32>
            %jit3A_195 = arith.constant 200 : i32
            %eq3A_196 = arith.constant 0 : i32
            %eq3A_197 = arith.cmpi eq, %jit3A_195, %eq3A_196 : i32
            %jit3A_198 = arith.constant 1 : i32
            %select_n3A_199 = arith.select %eq3A_197, %jit3A_198, %jit3A_195 : i32
            %rem3A_200 = vector.broadcast %select_n3A_199 : i32 to vector<16xi32>
            %rem3A_201 = arith.remsi %add3A_194, %rem3A_200 : vector<16xi32>
            %ne3A_202 = arith.constant 0 : i32
            %ne3A_203 = vector.broadcast %ne3A_202 : i32 to vector<16xi32>
            %ne3A_204 = arith.cmpi ne, %rem3A_201, %ne3A_203 : vector<16xi32>
            %lt3A_205 = arith.constant 0 : i32
            %lt3A_206 = vector.broadcast %lt3A_205 : i32 to vector<16xi32>
            %lt3A_207 = arith.cmpi slt, %rem3A_201, %lt3A_206 : vector<16xi32>
            %lt3A_208 = arith.constant 0 : i32
            %lt3A_209 = arith.cmpi slt, %select_n3A_199, %lt3A_208 : i32
            %ne3A_210 = vector.broadcast %lt3A_209 : i1 to vector<16xi1>
            %ne3A_211 = vector.broadcast %ne3A_210 : vector<16xi1> to vector<16xi1>
            %ne3A_212 = arith.xori %lt3A_207, %ne3A_211 : vector<16xi1>
            %and3A_213 = arith.andi %ne3A_212, %ne3A_204 : vector<16xi1>
            %add3A_214 = vector.broadcast %select_n3A_199 : i32 to vector<16xi32>
            %add3A_215 = arith.addi %rem3A_201, %add3A_214 : vector<16xi32>
            %select_n3A_216 = arith.select %and3A_213, %add3A_215, %rem3A_201 : vector<16xi1>, vector<16xi32>
            %mul3A_217 = arith.constant 2 : i32
            %mul3A_218 = vector.broadcast %mul3A_217 : i32 to vector<16xi32>
            %mul3A_219 = arith.muli %select_n3A_216, %mul3A_218 : vector<16xi32>
            %add3A_220 = arith.addi %mul3A_219, %get3A_189 : vector<16xi32>
            %mul3A_221 = arith.constant 137 : i32
            %mul3A_222 = vector.broadcast %mul3A_221 : i32 to vector<16xi32>
            %mul3A_223 = arith.muli %add3A_220, %mul3A_222 : vector<16xi32>
            %mul3A_224 = arith.constant 16 : i32
            %mul3A_225 = arith.muli %scan3A_184, %mul3A_224 : i32
            %swap3A = arith.index_cast %mul3A_225 : i32 to index
            %swap3A_226 = tpu.vector_load %arg15[%swap3A] {strides = array<i32>} : memref<128xi32, #tpu.memory_space<vmem>>, vector<16xi32>,
            tpu.vector_store %arg15[%swap3A], %mul3A_223 {strides = array<i32>} : memref<128xi32, #tpu.memory_space<vmem>>, vector<16xi32>,
            %scan3A_227 = arith.constant 0 : i32
            scf.yield %scan3A_227 : i32
          }
          %scan3A_180 = arith.constant 8 : i32
          %dma_start3A_181 = arith.constant 0 : i32
          %dma_start3A_182 = arith.constant 0 : i32
          %dma_start3A_183 = tpu.memref_slice %arg4[%dma_start3A_181, %dma_start3A_182] : memref<100000x128xf32, #tpu.memory_space<hbm>> -> memref<100000x128xf32, #tpu.memory_space<hbm>>
          tpu.enqueue_indirect_dma source(%dma_start3A_183 : memref<100000x128xf32, #tpu.memory_space<hbm>>) target(%arg18 : memref<128x128xf32, #tpu.memory_space<vmem>>) offsets(%arg9 : memref<128xi32, #tpu.memory_space<vmem>>) semaphore(%arg26 : memref<!tpu.dma_semaphore, #tpu.memory_space<semaphore_mem>>)
        } else {
        }
        %add3A_133 = arith.constant 2 : i32
        %add3A_134 = arith.addi %scan3A_92, %add3A_133 : i32
        %lt3A_135 = arith.constant 50 : i32
        %lt3A_136 = arith.cmpi slt, %add3A_134, %lt3A_135 : i32
        %convert_element_type3A_137 = arith.extui %lt3A_136 : i1 to i32
        %cond3A_138 = arith.constant 0 : i32
        %cond3A_139 = arith.cmpi ne, %convert_element_type3A_137, %cond3A_138 : i32
        scf.if %cond3A_139 {
          %add3A_156 = arith.constant 2 : i32
          %add3A_157 = arith.addi %scan3A_92, %add3A_156 : i32
          %mul3A_158 = arith.constant 6400 : i32
          %mul3A_159 = arith.muli %add3A, %mul3A_158 : i32
          %mul3A_160 = arith.constant 128 : i32
          %mul3A_161 = arith.muli %add3A_157, %mul3A_160 : i32
          %add3A_162 = arith.addi %mul3A_159, %mul3A_161 : i32
          %dma_start3A_163 = tpu.memref_slice %arg2[%add3A_162] : memref<204800xi32, #tpu.memory_space<hbm>> -> memref<128xi32, #tpu.memory_space<hbm>>
          %dma_start3A_164 = tpu.memref_slice %arg2[%add3A_162] : memref<204800xi32, #tpu.memory_space<hbm>> -> memref<128xi32, #tpu.memory_space<hbm>>
          tpu.enqueue_dma source(%dma_start3A_164 : memref<128xi32, #tpu.memory_space<hbm>>) target(%arg10 : memref<128xi32, #tpu.memory_space<vmem>>) target_semaphore(%arg28 : memref<!tpu.dma_semaphore, #tpu.memory_space<semaphore_mem>>)
          %dma_start3A_165 = tpu.memref_slice %arg3[%add3A_162] : memref<204800xi32, #tpu.memory_space<hbm>> -> memref<128xi32, #tpu.memory_space<hbm>>
          %dma_start3A_166 = tpu.memref_slice %arg3[%add3A_162] : memref<204800xi32, #tpu.memory_space<hbm>> -> memref<128xi32, #tpu.memory_space<hbm>>
          tpu.enqueue_dma source(%dma_start3A_166 : memref<128xi32, #tpu.memory_space<hbm>>) target(%arg13 : memref<128xi32, #tpu.memory_space<vmem>>) target_semaphore(%arg28 : memref<!tpu.dma_semaphore, #tpu.memory_space<semaphore_mem>>)
        } else {
        }
        %dma_wait3A_140 = arith.constant 0 : i32
        %dma_wait3A_141 = arith.constant 0 : i32
        %dma_wait3A_142 = tpu.memref_slice %arg4[%dma_wait3A_140, %dma_wait3A_141] : memref<100000x128xf32, #tpu.memory_space<hbm>> -> memref<100000x128xf32, #tpu.memory_space<hbm>>
        tpu.wait_indirect_dma semaphore(%arg26 : memref<!tpu.dma_semaphore, #tpu.memory_space<semaphore_mem>>) src(%dma_wait3A_142 : memref<100000x128xf32, #tpu.memory_space<hbm>>) dst(%arg20 : memref<128x128xf32, #tpu.memory_space<vmem>>)
        %scan3A_143 = arith.constant 0 : i32
        %scan3A_144 = arith.constant 0 : i32
        %scan3A_145 = arith.constant 8 : i32
        %scan3A_146 = arith.addi %scan3A_144, %scan3A_145 : i32
        %scan3A_147 = arith.constant 1 : i32
        %scan3A_148 = scf.for %scan3A_156 = %scan3A_144 to %scan3A_146 step %scan3A_147 iter_args(%scan3A_157 = %scan3A_143) -> (i32)  : i32 {
          %mul3A_158 = arith.constant 16 : i32
          %mul3A_159 = arith.muli %scan3A_156, %mul3A_158 : i32
          %add3A_160 = vector.broadcast %mul3A_159 : i32 to vector<16xi32>
          %add3A_161 = arith.addi %add3A_160, %iota3A : vector<16xi32>
          %mul3A_162 = arith.constant 16 : i32
          %mul3A_163 = arith.muli %scan3A_156, %mul3A_162 : i32
          %get3A_164 = arith.index_cast %mul3A_163 : i32 to index
          %get3A_165 = tpu.vector_load %arg17[%get3A_164] {strides = array<i32>} : memref<128xi32, #tpu.memory_space<vmem>>, vector<16xi32>,
          %parallel_loop3A_166 = arith.constant 0 : i32
          %parallel_loop3A_167 = arith.constant 128 : i32
          %parallel_loop3A_168 = arith.constant 1 : i32
          %parallel_loop3A_169:3 = scf.for %parallel_loop3A_315 = %parallel_loop3A_166 to %parallel_loop3A_167 step %parallel_loop3A_168 iter_args(%parallel_loop3A_316 = %broadcast_in_dim3A_1, %parallel_loop3A_317 = %broadcast_in_dim3A_1, %parallel_loop3A_318 = %iota3A) -> (vector<16xf32>, vector<16xf32>, vector<16xi32>)  : i32 {
            %parallel_loop3A_319 = tpu.vector_load_idx %arg20[%add3A_161, %parallel_loop3A_318] : memref<128x128xf32, #tpu.memory_space<vmem>>[vector<16xi32>, vector<16xi32>], vector<16xf32>,
            %parallel_loop3A_320 = arith.addi %get3A_165, %parallel_loop3A_318 : vector<16xi32>
            %parallel_loop3A_321 = tpu.vector_load_idx %arg21[%parallel_loop3A_320] : memref<54800xf32, #tpu.memory_space<vmem>>[vector<16xi32>], vector<16xf32>,
            %parallel_loop3A_322 = arith.addf %parallel_loop3A_319, %parallel_loop3A_321 : vector<16xf32>
            tpu.vector_store_idx %arg20[%add3A_161, %parallel_loop3A_318], %parallel_loop3A_322 : memref<128x128xf32, #tpu.memory_space<vmem>>[vector<16xi32>, vector<16xi32>], vector<16xf32>,
            %parallel_loop3A_323 = arith.addf %parallel_loop3A_316, %parallel_loop3A_322 : vector<16xf32>
            %parallel_loop3A_324 = arith.mulf %parallel_loop3A_322, %parallel_loop3A_322 : vector<16xf32>
            %parallel_loop3A_325 = arith.addf %parallel_loop3A_317, %parallel_loop3A_324 : vector<16xf32>
            %parallel_loop3A_326 = arith.constant 1 : i32
            %parallel_loop3A_327 = vector.broadcast %parallel_loop3A_326 : i32 to vector<16xi32>
            %parallel_loop3A_328 = arith.addi %parallel_loop3A_318, %parallel_loop3A_327 : vector<16xi32>
            %parallel_loop3A_329 = arith.constant 127 : i32
            %parallel_loop3A_330 = vector.broadcast %parallel_loop3A_329 : i32 to vector<16xi32>
            %parallel_loop3A_331 = arith.andi %parallel_loop3A_328, %parallel_loop3A_330 : vector<16xi32>
            scf.yield %parallel_loop3A_323, %parallel_loop3A_325, %parallel_loop3A_331 : vector<16xf32>, vector<16xf32>, vector<16xi32>
          } {sc.loop_unroll_factor = 8 : i64, sc.parallel_access}
          %mul3A_170 = vector.broadcast %scan3A_68 : f32 to vector<16xf32>
          %mul3A_171 = arith.mulf %parallel_loop3A_169#0, %mul3A_170 : vector<16xf32>
          %mul3A_172 = vector.broadcast %scan3A_68 : f32 to vector<16xf32>
          %mul3A_173 = arith.mulf %parallel_loop3A_169#1, %mul3A_172 : vector<16xf32>
          %mul3A_174 = arith.mulf %mul3A_171, %mul3A_171 : vector<16xf32>
          %sub3A = arith.subf %mul3A_173, %mul3A_174 : vector<16xf32>
          %add3A_175 = arith.constant 9.99999996E-13 : f32
          %add3A_176 = vector.broadcast %add3A_175 : f32 to vector<16xf32>
          %add3A_177 = arith.addf %sub3A, %add3A_176 : vector<16xf32>
          %bitcast3A = vector.bitcast %add3A_177 : vector<16xf32> to vector<16xi32>
          %shift_right_arithmetic3A = arith.constant 1 : i32
          %shift_right_arithmetic3A_178 = vector.broadcast %shift_right_arithmetic3A : i32 to vector<16xi32>
          %shift_right_arithmetic3A_179 = arith.shrsi %bitcast3A, %shift_right_arithmetic3A_178 : vector<16xi32>
          %sub3A_180 = arith.constant 1597463007 : i32
          %sub3A_181 = vector.broadcast %sub3A_180 : i32 to vector<16xi32>
          %sub3A_182 = arith.subi %sub3A_181, %shift_right_arithmetic3A_179 : vector<16xi32>
          %bitcast3A_183 = vector.bitcast %sub3A_182 : vector<16xi32> to vector<16xf32>
          %mul3A_184 = arith.constant 5.000000e-01 : f32
          %mul3A_185 = vector.broadcast %mul3A_184 : f32 to vector<16xf32>
          %mul3A_186 = arith.mulf %mul3A_185, %add3A_177 : vector<16xf32>
          %mul3A_187 = arith.mulf %mul3A_186, %bitcast3A_183 : vector<16xf32>
          %mul3A_188 = arith.mulf %mul3A_187, %bitcast3A_183 : vector<16xf32>
          %sub3A_189 = arith.constant 1.500000e+00 : f32
          %sub3A_190 = vector.broadcast %sub3A_189 : f32 to vector<16xf32>
          %sub3A_191 = arith.subf %sub3A_190, %mul3A_188 : vector<16xf32>
          %mul3A_192 = arith.mulf %bitcast3A_183, %sub3A_191 : vector<16xf32>
          %mul3A_193 = arith.constant 5.000000e-01 : f32
          %mul3A_194 = vector.broadcast %mul3A_193 : f32 to vector<16xf32>
          %mul3A_195 = arith.mulf %mul3A_194, %add3A_177 : vector<16xf32>
          %mul3A_196 = arith.mulf %mul3A_195, %mul3A_192 : vector<16xf32>
          %mul3A_197 = arith.mulf %mul3A_196, %mul3A_192 : vector<16xf32>
          %sub3A_198 = arith.constant 1.500000e+00 : f32
          %sub3A_199 = vector.broadcast %sub3A_198 : f32 to vector<16xf32>
          %sub3A_200 = arith.subf %sub3A_199, %mul3A_197 : vector<16xf32>
          %mul3A_201 = arith.mulf %mul3A_192, %sub3A_200 : vector<16xf32>
          %mul3A_202 = arith.constant 5.000000e-01 : f32
          %mul3A_203 = vector.broadcast %mul3A_202 : f32 to vector<16xf32>
          %mul3A_204 = arith.mulf %mul3A_203, %add3A_177 : vector<16xf32>
          %mul3A_205 = arith.mulf %mul3A_204, %mul3A_201 : vector<16xf32>
          %mul3A_206 = arith.mulf %mul3A_205, %mul3A_201 : vector<16xf32>
          %sub3A_207 = arith.constant 1.500000e+00 : f32
          %sub3A_208 = vector.broadcast %sub3A_207 : f32 to vector<16xf32>
          %sub3A_209 = arith.subf %sub3A_208, %mul3A_206 : vector<16xf32>
          %mul3A_210 = arith.mulf %mul3A_201, %sub3A_209 : vector<16xf32>
          %mul3A_211 = arith.constant 272 : i32
          %mul3A_212 = arith.muli %scan3A_156, %mul3A_211 : i32
          %mul3A_213 = arith.constant 17 : i32
          %mul3A_214 = vector.broadcast %mul3A_213 : i32 to vector<16xi32>
          %mul3A_215 = arith.muli %iota3A, %mul3A_214 : vector<16xi32>
          %add3A_216 = vector.broadcast %mul3A_212 : i32 to vector<16xi32>
          %add3A_217 = arith.addi %add3A_216, %mul3A_215 : vector<16xi32>
          %add3A_218 = arith.constant 0 : i32
          %add3A_219 = vector.broadcast %add3A_218 : i32 to vector<16xi32>
          %add3A_220 = arith.addi %add3A_217, %add3A_219 : vector<16xi32>
          tpu.vector_store_idx %arg24[%add3A_220], %mul3A_171 : memref<2176xf32, #tpu.memory_space<vmem>>[vector<16xi32>], vector<16xf32>,
          %add3A_221 = arith.constant 0 : i32
          %add3A_222 = vector.broadcast %add3A_221 : i32 to vector<16xi32>
          %add3A_223 = arith.addi %add3A_217, %add3A_222 : vector<16xi32>
          tpu.vector_store_idx %arg25[%add3A_223], %mul3A_210 : memref<2176xf32, #tpu.memory_space<vmem>>[vector<16xi32>], vector<16xf32>,
          %add3A_224 = arith.constant 1 : i32
          %add3A_225 = vector.broadcast %add3A_224 : i32 to vector<16xi32>
          %add3A_226 = arith.addi %add3A_217, %add3A_225 : vector<16xi32>
          tpu.vector_store_idx %arg24[%add3A_226], %mul3A_171 : memref<2176xf32, #tpu.memory_space<vmem>>[vector<16xi32>], vector<16xf32>,
          %add3A_227 = arith.constant 1 : i32
          %add3A_228 = vector.broadcast %add3A_227 : i32 to vector<16xi32>
          %add3A_229 = arith.addi %add3A_217, %add3A_228 : vector<16xi32>
          tpu.vector_store_idx %arg25[%add3A_229], %mul3A_210 : memref<2176xf32, #tpu.memory_space<vmem>>[vector<16xi32>], vector<16xf32>,
          %add3A_230 = arith.constant 2 : i32
          %add3A_231 = vector.broadcast %add3A_230 : i32 to vector<16xi32>
          %add3A_232 = arith.addi %add3A_217, %add3A_231 : vector<16xi32>
          tpu.vector_store_idx %arg24[%add3A_232], %mul3A_171 : memref<2176xf32, #tpu.memory_space<vmem>>[vector<16xi32>], vector<16xf32>,
          %add3A_233 = arith.constant 2 : i32
          %add3A_234 = vector.broadcast %add3A_233 : i32 to vector<16xi32>
          %add3A_235 = arith.addi %add3A_217, %add3A_234 : vector<16xi32>
          tpu.vector_store_idx %arg25[%add3A_235], %mul3A_210 : memref<2176xf32, #tpu.memory_space<vmem>>[vector<16xi32>], vector<16xf32>,
          %add3A_236 = arith.constant 3 : i32
          %add3A_237 = vector.broadcast %add3A_236 : i32 to vector<16xi32>
          %add3A_238 = arith.addi %add3A_217, %add3A_237 : vector<16xi32>
          tpu.vector_store_idx %arg24[%add3A_238], %mul3A_171 : memref<2176xf32, #tpu.memory_space<vmem>>[vector<16xi32>], vector<16xf32>,
          %add3A_239 = arith.constant 3 : i32
          %add3A_240 = vector.broadcast %add3A_239 : i32 to vector<16xi32>
          %add3A_241 = arith.addi %add3A_217, %add3A_240 : vector<16xi32>
          tpu.vector_store_idx %arg25[%add3A_241], %mul3A_210 : memref<2176xf32, #tpu.memory_space<vmem>>[vector<16xi32>], vector<16xf32>,
          %add3A_242 = arith.constant 4 : i32
          %add3A_243 = vector.broadcast %add3A_242 : i32 to vector<16xi32>
          %add3A_244 = arith.addi %add3A_217, %add3A_243 : vector<16xi32>
          tpu.vector_store_idx %arg24[%add3A_244], %mul3A_171 : memref<2176xf32, #tpu.memory_space<vmem>>[vector<16xi32>], vector<16xf32>,
          %add3A_245 = arith.constant 4 : i32
          %add3A_246 = vector.broadcast %add3A_245 : i32 to vector<16xi32>
          %add3A_247 = arith.addi %add3A_217, %add3A_246 : vector<16xi32>
          tpu.vector_store_idx %arg25[%add3A_247], %mul3A_210 : memref<2176xf32, #tpu.memory_space<vmem>>[vector<16xi32>], vector<16xf32>,
          %add3A_248 = arith.constant 5 : i32
          %add3A_249 = vector.broadcast %add3A_248 : i32 to vector<16xi32>
          %add3A_250 = arith.addi %add3A_217, %add3A_249 : vector<16xi32>
          tpu.vector_store_idx %arg24[%add3A_250], %mul3A_171 : memref<2176xf32, #tpu.memory_space<vmem>>[vector<16xi32>], vector<16xf32>,
          %add3A_251 = arith.constant 5 : i32
          %add3A_252 = vector.broadcast %add3A_251 : i32 to vector<16xi32>
          %add3A_253 = arith.addi %add3A_217, %add3A_252 : vector<16xi32>
          tpu.vector_store_idx %arg25[%add3A_253], %mul3A_210 : memref<2176xf32, #tpu.memory_space<vmem>>[vector<16xi32>], vector<16xf32>,
          %add3A_254 = arith.constant 6 : i32
          %add3A_255 = vector.broadcast %add3A_254 : i32 to vector<16xi32>
          %add3A_256 = arith.addi %add3A_217, %add3A_255 : vector<16xi32>
          tpu.vector_store_idx %arg24[%add3A_256], %mul3A_171 : memref<2176xf32, #tpu.memory_space<vmem>>[vector<16xi32>], vector<16xf32>,
          %add3A_257 = arith.constant 6 : i32
          %add3A_258 = vector.broadcast %add3A_257 : i32 to vector<16xi32>
          %add3A_259 = arith.addi %add3A_217, %add3A_258 : vector<16xi32>
          tpu.vector_store_idx %arg25[%add3A_259], %mul3A_210 : memref<2176xf32, #tpu.memory_space<vmem>>[vector<16xi32>], vector<16xf32>,
          %add3A_260 = arith.constant 7 : i32
          %add3A_261 = vector.broadcast %add3A_260 : i32 to vector<16xi32>
          %add3A_262 = arith.addi %add3A_217, %add3A_261 : vector<16xi32>
          tpu.vector_store_idx %arg24[%add3A_262], %mul3A_171 : memref<2176xf32, #tpu.memory_space<vmem>>[vector<16xi32>], vector<16xf32>,
          %add3A_263 = arith.constant 7 : i32
          %add3A_264 = vector.broadcast %add3A_263 : i32 to vector<16xi32>
          %add3A_265 = arith.addi %add3A_217, %add3A_264 : vector<16xi32>
          tpu.vector_store_idx %arg25[%add3A_265], %mul3A_210 : memref<2176xf32, #tpu.memory_space<vmem>>[vector<16xi32>], vector<16xf32>,
          %add3A_266 = arith.constant 8 : i32
          %add3A_267 = vector.broadcast %add3A_266 : i32 to vector<16xi32>
          %add3A_268 = arith.addi %add3A_217, %add3A_267 : vector<16xi32>
          tpu.vector_store_idx %arg24[%add3A_268], %mul3A_171 : memref<2176xf32, #tpu.memory_space<vmem>>[vector<16xi32>], vector<16xf32>,
          %add3A_269 = arith.constant 8 : i32
          %add3A_270 = vector.broadcast %add3A_269 : i32 to vector<16xi32>
          %add3A_271 = arith.addi %add3A_217, %add3A_270 : vector<16xi32>
          tpu.vector_store_idx %arg25[%add3A_271], %mul3A_210 : memref<2176xf32, #tpu.memory_space<vmem>>[vector<16xi32>], vector<16xf32>,
          %add3A_272 = arith.constant 9 : i32
          %add3A_273 = vector.broadcast %add3A_272 : i32 to vector<16xi32>
          %add3A_274 = arith.addi %add3A_217, %add3A_273 : vector<16xi32>
          tpu.vector_store_idx %arg24[%add3A_274], %mul3A_171 : memref<2176xf32, #tpu.memory_space<vmem>>[vector<16xi32>], vector<16xf32>,
          %add3A_275 = arith.constant 9 : i32
          %add3A_276 = vector.broadcast %add3A_275 : i32 to vector<16xi32>
          %add3A_277 = arith.addi %add3A_217, %add3A_276 : vector<16xi32>
          tpu.vector_store_idx %arg25[%add3A_277], %mul3A_210 : memref<2176xf32, #tpu.memory_space<vmem>>[vector<16xi32>], vector<16xf32>,
          %add3A_278 = arith.constant 10 : i32
          %add3A_279 = vector.broadcast %add3A_278 : i32 to vector<16xi32>
          %add3A_280 = arith.addi %add3A_217, %add3A_279 : vector<16xi32>
          tpu.vector_store_idx %arg24[%add3A_280], %mul3A_171 : memref<2176xf32, #tpu.memory_space<vmem>>[vector<16xi32>], vector<16xf32>,
          %add3A_281 = arith.constant 10 : i32
          %add3A_282 = vector.broadcast %add3A_281 : i32 to vector<16xi32>
          %add3A_283 = arith.addi %add3A_217, %add3A_282 : vector<16xi32>
          tpu.vector_store_idx %arg25[%add3A_283], %mul3A_210 : memref<2176xf32, #tpu.memory_space<vmem>>[vector<16xi32>], vector<16xf32>,
          %add3A_284 = arith.constant 11 : i32
          %add3A_285 = vector.broadcast %add3A_284 : i32 to vector<16xi32>
          %add3A_286 = arith.addi %add3A_217, %add3A_285 : vector<16xi32>
          tpu.vector_store_idx %arg24[%add3A_286], %mul3A_171 : memref<2176xf32, #tpu.memory_space<vmem>>[vector<16xi32>], vector<16xf32>,
          %add3A_287 = arith.constant 11 : i32
          %add3A_288 = vector.broadcast %add3A_287 : i32 to vector<16xi32>
          %add3A_289 = arith.addi %add3A_217, %add3A_288 : vector<16xi32>
          tpu.vector_store_idx %arg25[%add3A_289], %mul3A_210 : memref<2176xf32, #tpu.memory_space<vmem>>[vector<16xi32>], vector<16xf32>,
          %add3A_290 = arith.constant 12 : i32
          %add3A_291 = vector.broadcast %add3A_290 : i32 to vector<16xi32>
          %add3A_292 = arith.addi %add3A_217, %add3A_291 : vector<16xi32>
          tpu.vector_store_idx %arg24[%add3A_292], %mul3A_171 : memref<2176xf32, #tpu.memory_space<vmem>>[vector<16xi32>], vector<16xf32>,
          %add3A_293 = arith.constant 12 : i32
          %add3A_294 = vector.broadcast %add3A_293 : i32 to vector<16xi32>
          %add3A_295 = arith.addi %add3A_217, %add3A_294 : vector<16xi32>
          tpu.vector_store_idx %arg25[%add3A_295], %mul3A_210 : memref<2176xf32, #tpu.memory_space<vmem>>[vector<16xi32>], vector<16xf32>,
          %add3A_296 = arith.constant 13 : i32
          %add3A_297 = vector.broadcast %add3A_296 : i32 to vector<16xi32>
          %add3A_298 = arith.addi %add3A_217, %add3A_297 : vector<16xi32>
          tpu.vector_store_idx %arg24[%add3A_298], %mul3A_171 : memref<2176xf32, #tpu.memory_space<vmem>>[vector<16xi32>], vector<16xf32>,
          %add3A_299 = arith.constant 13 : i32
          %add3A_300 = vector.broadcast %add3A_299 : i32 to vector<16xi32>
          %add3A_301 = arith.addi %add3A_217, %add3A_300 : vector<16xi32>
          tpu.vector_store_idx %arg25[%add3A_301], %mul3A_210 : memref<2176xf32, #tpu.memory_space<vmem>>[vector<16xi32>], vector<16xf32>,
          %add3A_302 = arith.constant 14 : i32
          %add3A_303 = vector.broadcast %add3A_302 : i32 to vector<16xi32>
          %add3A_304 = arith.addi %add3A_217, %add3A_303 : vector<16xi32>
          tpu.vector_store_idx %arg24[%add3A_304], %mul3A_171 : memref<2176xf32, #tpu.memory_space<vmem>>[vector<16xi32>], vector<16xf32>,
          %add3A_305 = arith.constant 14 : i32
          %add3A_306 = vector.broadcast %add3A_305 : i32 to vector<16xi32>
          %add3A_307 = arith.addi %add3A_217, %add3A_306 : vector<16xi32>
          tpu.vector_store_idx %arg25[%add3A_307], %mul3A_210 : memref<2176xf32, #tpu.memory_space<vmem>>[vector<16xi32>], vector<16xf32>,
          %add3A_308 = arith.constant 15 : i32
          %add3A_309 = vector.broadcast %add3A_308 : i32 to vector<16xi32>
          %add3A_310 = arith.addi %add3A_217, %add3A_309 : vector<16xi32>
          tpu.vector_store_idx %arg24[%add3A_310], %mul3A_171 : memref<2176xf32, #tpu.memory_space<vmem>>[vector<16xi32>], vector<16xf32>,
          %add3A_311 = arith.constant 15 : i32
          %add3A_312 = vector.broadcast %add3A_311 : i32 to vector<16xi32>
          %add3A_313 = arith.addi %add3A_217, %add3A_312 : vector<16xi32>
          tpu.vector_store_idx %arg25[%add3A_313], %mul3A_210 : memref<2176xf32, #tpu.memory_space<vmem>>[vector<16xi32>], vector<16xf32>,
          %scan3A_314 = arith.constant 0 : i32
          scf.yield %scan3A_314 : i32
        }
        %scan3A_149 = arith.constant 8 : i32
        %parallel_loop3A = arith.constant 0 : i32
        %parallel_loop3A_150 = arith.constant 128 : i32
        %parallel_loop3A_151 = arith.constant 1 : i32
        scf.for %parallel_loop3A_156 = %parallel_loop3A to %parallel_loop3A_150 step %parallel_loop3A_151  : i32 {
          %parallel_loop3A_157 = arith.constant 17 : i32
          %parallel_loop3A_158 = arith.muli %parallel_loop3A_156, %parallel_loop3A_157 : i32
          %parallel_loop3A_159 = arith.index_cast %parallel_loop3A_158 : i32 to index
          %parallel_loop3A_160 = tpu.vector_load %arg24[%parallel_loop3A_159] {strides = array<i32>} : memref<2176xf32, #tpu.memory_space<vmem>>, vector<16xf32>,
          %parallel_loop3A_161 = arith.constant 17 : i32
          %parallel_loop3A_162 = arith.muli %parallel_loop3A_156, %parallel_loop3A_161 : i32
          %parallel_loop3A_163 = arith.index_cast %parallel_loop3A_162 : i32 to index
          %parallel_loop3A_164 = tpu.vector_load %arg25[%parallel_loop3A_163] {strides = array<i32>} : memref<2176xf32, #tpu.memory_space<vmem>>, vector<16xf32>,
          %parallel_loop3A_165 = arith.index_cast %parallel_loop3A_156 : i32 to index
          %parallel_loop3A_166 = arith.constant 0 : index
          %parallel_loop3A_167 = tpu.vector_load %arg20[%parallel_loop3A_165, %parallel_loop3A_166] {strides = array<i32>} : memref<128x128xf32, #tpu.memory_space<vmem>>, vector<16xf32>,
          %parallel_loop3A_168 = arith.subf %parallel_loop3A_167, %parallel_loop3A_160 : vector<16xf32>
          %parallel_loop3A_169 = arith.mulf %parallel_loop3A_168, %parallel_loop3A_164 : vector<16xf32>
          %parallel_loop3A_170 = arith.mulf %parallel_loop3A_169, %get3A_2 : vector<16xf32>
          %parallel_loop3A_171 = arith.addf %parallel_loop3A_170, %get3A_18 : vector<16xf32>
          %parallel_loop3A_172 = arith.index_cast %parallel_loop3A_156 : i32 to index
          %parallel_loop3A_173 = arith.constant 0 : index
          %parallel_loop3A_174 = tpu.vector_load %arg20[%parallel_loop3A_172, %parallel_loop3A_173] {strides = array<i32>} : memref<128x128xf32, #tpu.memory_space<vmem>>, vector<16xf32>,
          tpu.vector_store %arg20[%parallel_loop3A_172, %parallel_loop3A_173], %parallel_loop3A_171 {strides = array<i32>} : memref<128x128xf32, #tpu.memory_space<vmem>>, vector<16xf32>,
          %parallel_loop3A_175 = arith.index_cast %parallel_loop3A_156 : i32 to index
          %parallel_loop3A_176 = arith.constant 16 : index
          %parallel_loop3A_177 = tpu.vector_load %arg20[%parallel_loop3A_175, %parallel_loop3A_176] {strides = array<i32>} : memref<128x128xf32, #tpu.memory_space<vmem>>, vector<16xf32>,
          %parallel_loop3A_178 = arith.subf %parallel_loop3A_177, %parallel_loop3A_160 : vector<16xf32>
          %parallel_loop3A_179 = arith.mulf %parallel_loop3A_178, %parallel_loop3A_164 : vector<16xf32>
          %parallel_loop3A_180 = arith.mulf %parallel_loop3A_179, %get3A_4 : vector<16xf32>
          %parallel_loop3A_181 = arith.addf %parallel_loop3A_180, %get3A_20 : vector<16xf32>
          %parallel_loop3A_182 = arith.index_cast %parallel_loop3A_156 : i32 to index
          %parallel_loop3A_183 = arith.constant 16 : index
          %parallel_loop3A_184 = tpu.vector_load %arg20[%parallel_loop3A_182, %parallel_loop3A_183] {strides = array<i32>} : memref<128x128xf32, #tpu.memory_space<vmem>>, vector<16xf32>,
          tpu.vector_store %arg20[%parallel_loop3A_182, %parallel_loop3A_183], %parallel_loop3A_181 {strides = array<i32>} : memref<128x128xf32, #tpu.memory_space<vmem>>, vector<16xf32>,
          %parallel_loop3A_185 = arith.index_cast %parallel_loop3A_156 : i32 to index
          %parallel_loop3A_186 = arith.constant 32 : index
          %parallel_loop3A_187 = tpu.vector_load %arg20[%parallel_loop3A_185, %parallel_loop3A_186] {strides = array<i32>} : memref<128x128xf32, #tpu.memory_space<vmem>>, vector<16xf32>,
          %parallel_loop3A_188 = arith.subf %parallel_loop3A_187, %parallel_loop3A_160 : vector<16xf32>
          %parallel_loop3A_189 = arith.mulf %parallel_loop3A_188, %parallel_loop3A_164 : vector<16xf32>
          %parallel_loop3A_190 = arith.mulf %parallel_loop3A_189, %get3A_6 : vector<16xf32>
          %parallel_loop3A_191 = arith.addf %parallel_loop3A_190, %get3A_22 : vector<16xf32>
          %parallel_loop3A_192 = arith.index_cast %parallel_loop3A_156 : i32 to index
          %parallel_loop3A_193 = arith.constant 32 : index
          %parallel_loop3A_194 = tpu.vector_load %arg20[%parallel_loop3A_192, %parallel_loop3A_193] {strides = array<i32>} : memref<128x128xf32, #tpu.memory_space<vmem>>, vector<16xf32>,
          tpu.vector_store %arg20[%parallel_loop3A_192, %parallel_loop3A_193], %parallel_loop3A_191 {strides = array<i32>} : memref<128x128xf32, #tpu.memory_space<vmem>>, vector<16xf32>,
          %parallel_loop3A_195 = arith.index_cast %parallel_loop3A_156 : i32 to index
          %parallel_loop3A_196 = arith.constant 48 : index
          %parallel_loop3A_197 = tpu.vector_load %arg20[%parallel_loop3A_195, %parallel_loop3A_196] {strides = array<i32>} : memref<128x128xf32, #tpu.memory_space<vmem>>, vector<16xf32>,
          %parallel_loop3A_198 = arith.subf %parallel_loop3A_197, %parallel_loop3A_160 : vector<16xf32>
          %parallel_loop3A_199 = arith.mulf %parallel_loop3A_198, %parallel_loop3A_164 : vector<16xf32>
          %parallel_loop3A_200 = arith.mulf %parallel_loop3A_199, %get3A_8 : vector<16xf32>
          %parallel_loop3A_201 = arith.addf %parallel_loop3A_200, %get3A_24 : vector<16xf32>
          %parallel_loop3A_202 = arith.index_cast %parallel_loop3A_156 : i32 to index
          %parallel_loop3A_203 = arith.constant 48 : index
          %parallel_loop3A_204 = tpu.vector_load %arg20[%parallel_loop3A_202, %parallel_loop3A_203] {strides = array<i32>} : memref<128x128xf32, #tpu.memory_space<vmem>>, vector<16xf32>,
          tpu.vector_store %arg20[%parallel_loop3A_202, %parallel_loop3A_203], %parallel_loop3A_201 {strides = array<i32>} : memref<128x128xf32, #tpu.memory_space<vmem>>, vector<16xf32>,
          %parallel_loop3A_205 = arith.index_cast %parallel_loop3A_156 : i32 to index
          %parallel_loop3A_206 = arith.constant 64 : index
          %parallel_loop3A_207 = tpu.vector_load %arg20[%parallel_loop3A_205, %parallel_loop3A_206] {strides = array<i32>} : memref<128x128xf32, #tpu.memory_space<vmem>>, vector<16xf32>,
          %parallel_loop3A_208 = arith.subf %parallel_loop3A_207, %parallel_loop3A_160 : vector<16xf32>
          %parallel_loop3A_209 = arith.mulf %parallel_loop3A_208, %parallel_loop3A_164 : vector<16xf32>
          %parallel_loop3A_210 = arith.mulf %parallel_loop3A_209, %get3A_10 : vector<16xf32>
          %parallel_loop3A_211 = arith.addf %parallel_loop3A_210, %get3A_26 : vector<16xf32>
          %parallel_loop3A_212 = arith.index_cast %parallel_loop3A_156 : i32 to index
          %parallel_loop3A_213 = arith.constant 64 : index
          %parallel_loop3A_214 = tpu.vector_load %arg20[%parallel_loop3A_212, %parallel_loop3A_213] {strides = array<i32>} : memref<128x128xf32, #tpu.memory_space<vmem>>, vector<16xf32>,
          tpu.vector_store %arg20[%parallel_loop3A_212, %parallel_loop3A_213], %parallel_loop3A_211 {strides = array<i32>} : memref<128x128xf32, #tpu.memory_space<vmem>>, vector<16xf32>,
          %parallel_loop3A_215 = arith.index_cast %parallel_loop3A_156 : i32 to index
          %parallel_loop3A_216 = arith.constant 80 : index
          %parallel_loop3A_217 = tpu.vector_load %arg20[%parallel_loop3A_215, %parallel_loop3A_216] {strides = array<i32>} : memref<128x128xf32, #tpu.memory_space<vmem>>, vector<16xf32>,
          %parallel_loop3A_218 = arith.subf %parallel_loop3A_217, %parallel_loop3A_160 : vector<16xf32>
          %parallel_loop3A_219 = arith.mulf %parallel_loop3A_218, %parallel_loop3A_164 : vector<16xf32>
          %parallel_loop3A_220 = arith.mulf %parallel_loop3A_219, %get3A_12 : vector<16xf32>
          %parallel_loop3A_221 = arith.addf %parallel_loop3A_220, %get3A_28 : vector<16xf32>
          %parallel_loop3A_222 = arith.index_cast %parallel_loop3A_156 : i32 to index
          %parallel_loop3A_223 = arith.constant 80 : index
          %parallel_loop3A_224 = tpu.vector_load %arg20[%parallel_loop3A_222, %parallel_loop3A_223] {strides = array<i32>} : memref<128x128xf32, #tpu.memory_space<vmem>>, vector<16xf32>,
          tpu.vector_store %arg20[%parallel_loop3A_222, %parallel_loop3A_223], %parallel_loop3A_221 {strides = array<i32>} : memref<128x128xf32, #tpu.memory_space<vmem>>, vector<16xf32>,
          %parallel_loop3A_225 = arith.index_cast %parallel_loop3A_156 : i32 to index
          %parallel_loop3A_226 = arith.constant 96 : index
          %parallel_loop3A_227 = tpu.vector_load %arg20[%parallel_loop3A_225, %parallel_loop3A_226] {strides = array<i32>} : memref<128x128xf32, #tpu.memory_space<vmem>>, vector<16xf32>,
          %parallel_loop3A_228 = arith.subf %parallel_loop3A_227, %parallel_loop3A_160 : vector<16xf32>
          %parallel_loop3A_229 = arith.mulf %parallel_loop3A_228, %parallel_loop3A_164 : vector<16xf32>
          %parallel_loop3A_230 = arith.mulf %parallel_loop3A_229, %get3A_14 : vector<16xf32>
          %parallel_loop3A_231 = arith.addf %parallel_loop3A_230, %get3A_30 : vector<16xf32>
          %parallel_loop3A_232 = arith.index_cast %parallel_loop3A_156 : i32 to index
          %parallel_loop3A_233 = arith.constant 96 : index
          %parallel_loop3A_234 = tpu.vector_load %arg20[%parallel_loop3A_232, %parallel_loop3A_233] {strides = array<i32>} : memref<128x128xf32, #tpu.memory_space<vmem>>, vector<16xf32>,
          tpu.vector_store %arg20[%parallel_loop3A_232, %parallel_loop3A_233], %parallel_loop3A_231 {strides = array<i32>} : memref<128x128xf32, #tpu.memory_space<vmem>>, vector<16xf32>,
          %parallel_loop3A_235 = arith.index_cast %parallel_loop3A_156 : i32 to index
          %parallel_loop3A_236 = arith.constant 112 : index
          %parallel_loop3A_237 = tpu.vector_load %arg20[%parallel_loop3A_235, %parallel_loop3A_236] {strides = array<i32>} : memref<128x128xf32, #tpu.memory_space<vmem>>, vector<16xf32>,
          %parallel_loop3A_238 = arith.subf %parallel_loop3A_237, %parallel_loop3A_160 : vector<16xf32>
          %parallel_loop3A_239 = arith.mulf %parallel_loop3A_238, %parallel_loop3A_164 : vector<16xf32>
          %parallel_loop3A_240 = arith.mulf %parallel_loop3A_239, %get3A_16 : vector<16xf32>
          %parallel_loop3A_241 = arith.addf %parallel_loop3A_240, %get3A_32 : vector<16xf32>
          %parallel_loop3A_242 = arith.index_cast %parallel_loop3A_156 : i32 to index
          %parallel_loop3A_243 = arith.constant 112 : index
          %parallel_loop3A_244 = tpu.vector_load %arg20[%parallel_loop3A_242, %parallel_loop3A_243] {strides = array<i32>} : memref<128x128xf32, #tpu.memory_space<vmem>>, vector<16xf32>,
          tpu.vector_store %arg20[%parallel_loop3A_242, %parallel_loop3A_243], %parallel_loop3A_241 {strides = array<i32>} : memref<128x128xf32, #tpu.memory_space<vmem>>, vector<16xf32>,
        } {sc.loop_unroll_factor = 4 : i64, sc.parallel_access}
        %dma_start3A_152 = arith.constant 0 : i32
        %dma_start3A_153 = tpu.memref_slice %arg8[%add3A_121, %dma_start3A_152] : memref<204800x128xf32, #tpu.memory_space<hbm>> -> memref<128x128xf32, #tpu.memory_space<hbm>>
        %dma_start3A_154 = arith.constant 0 : i32
        %dma_start3A_155 = tpu.memref_slice %arg8[%add3A_121, %dma_start3A_154] : memref<204800x128xf32, #tpu.memory_space<hbm>> -> memref<128x128xf32, #tpu.memory_space<hbm>>
        tpu.enqueue_dma source(%arg20 : memref<128x128xf32, #tpu.memory_space<vmem>>) target(%dma_start3A_155 : memref<128x128xf32, #tpu.memory_space<hbm>>) target_semaphore(%arg27 : memref<!tpu.dma_semaphore, #tpu.memory_space<semaphore_mem>>)
      } else {
      }
      %scan3A_116 = arith.constant 0 : i32
      scf.yield %scan3A_116 : i32
    }
    %scan3A_75 = arith.constant 50 : i32
    %mul3A_76 = arith.constant 6400 : i32
    %mul3A_77 = arith.muli %add3A, %mul3A_76 : i32
    %add3A_78 = arith.constant 6144 : i32
    %add3A_79 = arith.addi %mul3A_77, %add3A_78 : i32
    %dma_wait3A_80 = arith.constant 0 : i32
    %dma_wait3A_81 = tpu.memref_slice %arg8[%add3A_79, %dma_wait3A_80] : memref<204800x128xf32, #tpu.memory_space<hbm>> -> memref<128x128xf32, #tpu.memory_space<hbm>>
    %dma_wait3A_82 = arith.constant 0 : i32
    %dma_wait3A_83 = tpu.memref_slice %arg8[%add3A_79, %dma_wait3A_82] : memref<204800x128xf32, #tpu.memory_space<hbm>> -> memref<128x128xf32, #tpu.memory_space<hbm>>
    tpu.wait_dma2 semaphore(%arg27 : memref<!tpu.dma_semaphore, #tpu.memory_space<semaphore_mem>>) src(%dma_wait3A_83 : memref<128x128xf32, #tpu.memory_space<hbm>>) dst(%arg18 : memref<128x128xf32, #tpu.memory_space<vmem>>)
    %mul3A_84 = arith.constant 6400 : i32
    %mul3A_85 = arith.muli %add3A, %mul3A_84 : i32
    %add3A_86 = arith.constant 6272 : i32
    %add3A_87 = arith.addi %mul3A_85, %add3A_86 : i32
    %dma_wait3A_88 = arith.constant 0 : i32
    %dma_wait3A_89 = tpu.memref_slice %arg8[%add3A_87, %dma_wait3A_88] : memref<204800x128xf32, #tpu.memory_space<hbm>> -> memref<128x128xf32, #tpu.memory_space<hbm>>
    %dma_wait3A_90 = arith.constant 0 : i32
    %dma_wait3A_91 = tpu.memref_slice %arg8[%add3A_87, %dma_wait3A_90] : memref<204800x128xf32, #tpu.memory_space<hbm>> -> memref<128x128xf32, #tpu.memory_space<hbm>>
    tpu.wait_dma2 semaphore(%arg27 : memref<!tpu.dma_semaphore, #tpu.memory_space<semaphore_mem>>) src(%dma_wait3A_91 : memref<128x128xf32, #tpu.memory_space<hbm>>) dst(%arg19 : memref<128x128xf32, #tpu.memory_space<vmem>>)
    return
  }
}

</mosaic_0001>

<sc_bundles>
// kernel: kernel.3.cloned.1.call-start
scs
__scs_entry_jumppad:
0x0: {  	(pc) =	sbr.rel $0x88, $3  }
0x1: {  	(tag) =	ssettag $0x0;
	lr =	simm.s32 $0x1  }
0x2: {  	[smem:$0x3F9A] =	sst lr;
	_ =	strace $0xD0000000  }
0x3: {  	_ = 	snop  }
0x4: {  	_ = 	snop  }
0x5: {  	_ = 	snop  }
0x6: {  	_ = 	snop  }
0x7: {  	_ = 	snop  }
__scs_overlays_trampoline_lowered:
0x8: {  	[smem:$0x3FA9] =	sst s0  }
0x9: {  	[smem:$0x3FAA] =	sst s1  }
0xa: {  	[smem:$0x3FAB] =	sst s2  }
0xb: {  	[smem:$0x3FAC] =	sst s3  }
0xc: {  	[smem:$0x3FAD] =	sst s4  }
0xd: {  	[smem:$0x3FAE] =	sst s5  }
0xe: {  	[smem:$0x3FAF] =	sst s6  }
0xf: {  	[smem:$0x3FB0] =	sst s7  }
0x10: {  	[smem:$0x3FB1] =	sst s8  }
0x11: {  	[smem:$0x3FB2] =	sst s9;
	s0 =	simm.s32 @!p0 $0x0  }
0x12: {  	s1 =	sld [smem:$0x3F98];
	s0 =	simm.s32 @p0 $0x1  }
0x13: {  	[smem:$0x3FB3] =	sst s0;
	s0 =	simm.s32 @!p1 $0x0  }
0x14: {  	s2 =	sld [smem:$0x3F97];
	s0 =	simm.s32 @p1 $0x1  }
0x15: {  	[smem:$0x3FB4] =	sst s0;
	s0 =	simm.s32 @!p2 $0x0  }
0x16: {  	s3 =	sld [smem:$0x3FDB];
	s0 =	simm.s32 @p2 $0x1  }
0x17: {  	s4 =	simm.s32 $0x1BF5;
	[smem:$0x3FB6] =	sst s0  }
0x18: {  	s0 =	sld [smem:$0x3F99];
	_ =	swait.ge [sflag:s4], $0x0  }
0x19: {  	s7 =	sld [smem:$0x3F9A]  }
0x1a: {  	s8 =	sadd.s32 $0xFFFFE003, lr  }
0x1b: {  	s9 =	sadd.s32 $0xFFFFFEF7, lr;
	s5 =	simm.s32 $0xFFFFFFFF;
	p2 =	slt.u32 s8, $0xFFFFF086  }
0x1c: {  	p1 =	slt.u32 s9, $0xF7A;
	s5 =	simm.s32 @!p2 $0x0  }
0x1d: {  	s5 =	simm.s32 @p1 $0x1;
	p0 =	seq.s32 s7, s2  }
0x1e: {  	s7 =	smul.u32 @!p0 $0xF7A, s2;
	p2 =	seq.s32 @!p0 s5, $0x0  }
0x1f: {  	s9 =	smul.u32 $0xF7A, s1;
	s8 =	simm.s32 @!p0 $0x1BF5;
	p2 =	por !p2, p0  }
0x20: {  	[sflag:s8] =	ssyncset.s32 @!p0 $0xFFFFF086;
	s6 =	sadd.s32 @!p0 s3, s7;
	s7 =	simm.s32 @!p0 $0x108  }
0x21: {  	s3 =	sadd.s32 s3, s9;
	s6 =	sadd.s32 @!p0 $0x88, s6;
	s7 =	simm.s32 @p2 $0x1082  }
0x22: {  	[simem:s7], [sflag:s8] =	dma.local @!p0 [hbm:s6], $0xF7A  }
0x23: {  	s9 =	sor.u32 $0xD0000000, s2;
	s6 =	simm.s32 $0x108;
	_ =	swait.ge @!p0 [sflag:s8], $0x0  }
0x24: {  	s3 =	sadd.s32 $0x88, s3;
	s6 =	simm.s32 @!p1 $0x1082;
	[sflag:s4] =	ssyncset.s32 $0xFFFFF086  }
0x25: {  	[simem:s6], [sflag:s4] =	dma.local [hbm:s3], $0xF7A  }
0x26: {  	[smem:$0x3F9A] =	sst s1;
	(tag) =	ssettag s2;
	_ =	strace s9  }
0x27: {  	s1 =	sld [smem:$0x3FAA]  }
0x28: {  	s2 =	sld [smem:$0x3FAB]  }
0x29: {  	s4 =	sld [smem:$0x3FAD]  }
0x2a: {  	p0 =	seq.s32 s5, $0x0;
	s5 =	sld [smem:$0x3FAE]  }
0x2b: {  	s6 =	sld [smem:$0x3FAF]  }
0x2c: {  	s7 =	sld [smem:$0x3FB0]  }
0x2d: {  	s3 =	simm.s32 $0x108;
	s8 =	sld [smem:$0x3FB1]  }
0x2e: {  	s3 =	simm.s32 @!p0 $0x1082;
	s9 =	sld [smem:$0x3FB2]  }
0x2f: {  	lr =	sadd.s32 s0, s3;
	s0 =	sld [smem:$0x3FA9]  }
0x30: {  	s3 =	sld [smem:$0x3FAC]  }
0x31: {  	[smem:$0x3FB5] =	sst s10  }
0x32: {  	s10 =	sld [smem:$0x3FB3];
	_ =	sdelay $0x3  }
0x33: {  	p0 =	seq.s32 s10, $0x1;
	s10 =	sld [smem:$0x3FB5];
	_ =	sdelay $0x3  }
0x34: {  	[smem:$0x3FB5] =	sst s10  }
0x35: {  	s10 =	sld [smem:$0x3FB4];
	_ =	sdelay $0x3  }
0x36: {  	p1 =	seq.s32 s10, $0x1;
	s10 =	sld [smem:$0x3FB5];
	_ =	sdelay $0x3  }
0x37: {  	[smem:$0x3FB5] =	sst s10  }
0x38: {  	s10 =	sld [smem:$0x3FB6]  }
0x39: {  	_ = 	snop;
	(pc) =	sbr.ind lr, $3  }
0x3a: {  	_ = 	snop  }
0x3b: {  	_ = 	snop  }
0x3c: {  	p2 =	seq.s32 s10, $0x1;
	s10 =	sld [smem:$0x3FB5]  }
0x3d: {  	_ =	shalt  }
0x3e: {  	_ =	shalt  }
0x3f: {  	_ =	shalt  }
0x40: {  	_ =	shalt  }
0x41: {  	_ =	shalt  }
0x42: {  	_ =	shalt  }
0x43: {  	_ =	shalt  }
0x44: {  	_ =	shalt  }
0x45: {  	_ =	shalt  }
0x46: {  	_ =	shalt  }
0x47: {  	_ =	shalt  }
0x48: {  	_ =	shalt  }
0x49: {  	_ =	shalt  }
0x4a: {  	_ =	shalt  }
0x4b: {  	_ =	shalt  }
0x4c: {  	_ =	shalt  }
0x4d: {  	_ =	shalt  }
0x4e: {  	_ =	shalt  }
0x4f: {  	_ =	shalt  }
0x50: {  	_ =	shalt  }
0x51: {  	_ =	shalt  }
0x52: {  	_ =	shalt  }
0x53: {  	_ =	shalt  }
0x54: {  	_ =	shalt  }
0x55: {  	_ =	shalt  }
0x56: {  	_ =	shalt  }
0x57: {  	_ =	shalt  }
0x58: {  	_ =	shalt  }
0x59: {  	_ =	shalt  }
0x5a: {  	_ =	shalt  }
0x5b: {  	_ =	shalt  }
0x5c: {  	_ =	shalt  }
0x5d: {  	_ =	shalt  }
0x5e: {  	_ =	shalt  }
0x5f: {  	_ =	shalt  }
0x60: {  	_ =	shalt  }
0x61: {  	_ =	shalt  }
0x62: {  	_ =	shalt  }
0x63: {  	_ =	shalt  }
0x64: {  	_ =	shalt  }
0x65: {  	_ =	shalt  }
0x66: {  	_ =	shalt  }
0x67: {  	_ =	shalt  }
0x68: {  	_ =	shalt  }
0x69: {  	_ =	shalt  }
0x6a: {  	_ =	shalt  }
0x6b: {  	_ =	shalt  }
0x6c: {  	_ =	shalt  }
0x6d: {  	_ =	shalt  }
0x6e: {  	_ =	shalt  }
0x6f: {  	_ =	shalt  }
0x70: {  	_ =	shalt  }
0x71: {  	_ =	shalt  }
0x72: {  	_ =	shalt  }
0x73: {  	_ =	shalt  }
0x74: {  	_ =	shalt  }
0x75: {  	_ =	shalt  }
0x76: {  	_ =	shalt  }
0x77: {  	_ =	shalt  }
0x78: {  	_ =	shalt  }
0x79: {  	_ =	shalt  }
0x7a: {  	_ =	shalt  }
0x7b: {  	_ =	shalt  }
0x7c: {  	_ =	shalt  }
0x7d: {  	_ =	shalt  }
0x7e: {  	_ =	shalt  }
0x7f: {  	_ =	shalt  }
0x80: {  	_ =	shalt  }
0x81: {  	_ =	shalt  }
0x82: {  	_ =	shalt  }
0x83: {  	_ =	shalt  }
0x84: {  	_ =	shalt  }
0x85: {  	_ =	shalt  }
0x86: {  	_ =	shalt  }
0x87: {  	_ =	shalt  }
.Lfunc_end0:
.L_simem_size_0:
called_computation_lowered:
.L_overlay_start_0:
0x88: {  	s2 =	sld [smem:$0x3FD9]  }
0x89: {  	s3 =	sld [smem:$0x3FFE];
	_ =	sdelay $0x1  }
0x8a: {  	s1 =	srdreg.scid  }
0x8b: {  	s0 =	sand.u32 $0x1, s1  }
0x8c: {  	s17 =	sshll.u32 s0, $0xA;
	s2 =	sadd.s32 s3, s2  }
0x8d: {  	s2 =	sadd.s32 s2, s17  }
0x8e: {  	[smem:$0x3FC1] =	sst s2  }
0x8f: {  	_ = 	snop  }
0x90: {  	s2 =	sld [smem:$0x3FC7]  }
0x91: {  	s18 =	sld [smem:$0x3FC4]  }
0x92: {  	s4 =	sld [smem:$0x3FC3]  }
0x93: {  	s5 =	sld [smem:$0x3FD0];
	(tm) =	ssettm $0x1  }
0x94: {  	s6 =	sld [smem:$0x3FFB];
	_ =	sdelay $0x3  }
0x95: {  	_ =	strace s6  }
0x96: {  	s6 =	sld [smem:$0x3FFC];
	_ =	sdelay $0x3  }
0x97: {  	_ =	strace s6  }
0x98: {  	s6 =	sld [smem:$0x3FFD];
	_ =	sdelay $0x3  }
0x99: {  	_ =	strace s6  }
0x9a: {  	_ =	strace $0x8FFFFFFF  }
0x9b: {  	s19 =	sld [smem:$0x3FDB];
	_ =	sdelay $0x1  }
0x9c: {  	s7 =	simm.s32 $_scs_section_size  }
0x9d: {  	s8 =	simm.s32 $_size__tile_overlayer_lowered;
	s9 =	simm.s32 $_tile_overlayer_lowered  }
0x9e: {  	s22 =	simm.s32 $0x1BFF;
	s21 =	sshll.u32 s9, $0x1;
	s6 =	sadd.s32 s7, s19  }
0x9f: {  	s10 =	simm.s32 $0x0;
	s20 =	sshll.u32 s8, $0x1;
	s8 =	sadd.s32 s21, s6  }
0xa0: {  	[timem:s10], [sflag:s22] =	dma.local [hbm:s8], s20  }
0xa1: {  	_ =	swait.ge [sflag:s22], s20  }
0xa2: {  	s7 =	ssub.s32 $0x0, s20;
	[sflag:s22] =	ssyncset.done $0x0  }
0xa3: {  	[sflag:s22] =	ssyncadd.s32 s7;
	_ =	sdelay $0x1  }
0xa4: {  	s23 =	simm.s32 $0x1B8B  }
0xa5: {  	_ =	swait.ge [sflag:s23], $0x1  }
0xa6: {  	[sflag:s23] =	ssyncset.done $0x0  }
0xa7: {  	s25 =	simm.s32 $0x1B8E;
	s24 =	sld [smem:$0x3FFE];
	[sflag:s23] =	ssyncadd.s32 $0xFFFFFFFF  }
0xa8: {  	s26 =	simm.s32 $execute0_lowered;
	[smem:$0x3FD2] =	sst s25  }
0xa9: {  	s8 =	sshll.u32 s26, $0x1;
	_ =	strace $0x80000046;
	[dreg:$0x1] =	wrdreg $0xFFFFFFFF  }
0xaa: {  	s28 =	simm.s32 $_size_execute0_lowered;
	s6 =	sadd.s32 s6, s8;
	[dreg:$0x0] =	wrdreg $0x0  }
0xab: {  	s8 =	sshll.u32 s28, $0x1;
	[dreg:$0x2] =	wrdreg s6  }
0xac: {  	[dreg:$0x3] =	wrdreg s8  }
0xad: {  	[dreg:$0x4] =	wrdreg $0xC0  }
0xae: {  	_ =	task [dreg:s10], $0x5FFFF  }
0xaf: {  	[dreg:$0x1] =	wrdreg $0xFFFFFFFF  }
0xb0: {  	[dreg:$0x0] =	wrdreg $0x60  }
0xb1: {  	[dreg:$0x2] =	wrdreg s24  }
0xb2: {  	[dreg:$0x3] =	wrdreg s2  }
0xb3: {  	[dreg:$0x4] =	wrdreg s18  }
0xb4: {  	[dreg:$0x5] =	wrdreg s4  }
0xb5: {  	[dreg:$0x6] =	wrdreg s5  }
0xb6: {  	[dreg:$0x7] =	wrdreg $0x9  }
0xb7: {  	_ =	task.clear_ibuf [dreg:s10], $0x8FFFF;
	_ =	strace $0x90000046  }
0xb8: {  	s29 =	simm.s32 $0x9;
	_ =	strace $0x80000048  }
0xb9: {  	_ =	swait.ge [sflag:s29], $0x1  }
0xba: {  	[sflag:s29] =	ssyncadd.s32 $0xFFFFFFFF  }
0xbb: {  	_ =	strace $0x90000048  }
0xbc: {  	_ =	sfence  }
0xbd: {  	s30 =	sld [smem:$0x0];
	_ =	sdelay $0x2  }
0xbe: {  	s31 =	sshll.u32 s1, $0xD;
	s1 =	sshrl.u32 s1, $0x2  }
0xbf: {  	s3 =	sand.u32 $0x4000, s31;
	s1 =	sadd.s32 s1, s30  }
0xc0: {  	s0 =	sor.u32 s3, s0;
	s1 =	sshll.u32 s1, $0x11  }
0xc1: {  	s0 =	sor.u32 s1, s0  }
0xc2: {  	s0 =	sadd.s32 $0x8F2B, s0  }
0xc3: {  	[sflag:s0] =	ssyncadd.remote.s32 $0x1  }
0xc4: {  	_ =	sfence.sel $0xFFFF  }
0xc5: {  	[dreg:$0x0] =	wrdreg $0xFFFFFFFF;
	(pc) =	sbr.abs _section_cstart, $3  }
0xc6: {  	[dreg:$0x1] =	wrdreg $0xFFFFFFFF  }
0xc7: {  	_ =	task.clear_ibuf [dreg:s10], $0x2FFFF;
	_ =	strace $0x9FFFFFFF  }
0xc8: {  	(tm) =	ssettm $0x7FFFFFFF  }
0xc9: {  	_ =	shalt  }
tec
execute0_lowered:
.L_overlay_start_1:
0x0: {  	(tag) =	ssettag $0x1  }
0x1: {  	s0 =	rddreg [dreg:$0x0];
	v0 =	vlaneseq.u32  }
0x2: {  	s1 =	rddreg [dreg:$0x1];
	s6 =	simm.s32 $0x0;
	v15 =	vmul.u32 $0x11, v0  }
0x3: {  	[smem:$0x7FF] =	sst s6  }
0x4: {  	s5 =	rddreg [dreg:$0x4];
	s2 =	srdreg.scid;
	_ =	strace $0x80000047;
	v1 =	vadd.s32 $0xE, v15;
	[tilespmem:$0x1FFF0] =	vst v15  }
0x5: {  	s11 =	stileid.u32;
	s19 =	simm.s32 $0xC480;
	s20 =	simm.s32 $0x4;
	v56 =	vadd.s32 $0x1, v15;
	[tilespmem:$0x1FF10] =	vst v1  }
0x6: {  	s29 =	simm.s32 $0x2;
	s30 =	simm.s32 $0x1;
	s31 =	simm.s32 $0x8480;
	v57 =	vadd.s32 $0x2, v15;
	[tilespmem:$0x1FF20] =	vst v56  }
0x7: {  	s2 =	sand.u32 $0x1, s2;
	s3 =	sshll.u32 s11, $0x1;
	s7 =	sadd.s32 $0x2000, s0;
	v58 =	vadd.s32 $0x3, v15;
	[tilespmem:$0x1FF30] =	vst v57  }
0x8: {  	s8 =	sadd.s32 $0x8400, s0;
	s0 =	sadd.s32 $0x400, s0;
	s25 =	smul.u32 $0x3200, s11;
	v59 =	vadd.s32 $0x4, v15;
	[tilespmem:$0x1FF40] =	vst v58  }
0x9: {  	s3 =	sor.u32 s2, s3;
	s9 =	ssub.s32 $0x2, s2;
	s2 =	smul.u32 $0x1900, s2;
	v60 =	vadd.s32 $0x5, v15;
	[tilespmem:$0x1FF50] =	vst v59  }
0xa: {  	s21 =	simm.s32 $0x0;
	[dreg:$0x6] =	wrdreg s0;
	s4 =	smul.u32 $0x1900, s3;
	v61 =	vadd.s32 $0x6, v15;
	[tilespmem:$0x1FF60] =	vst v60  }
0xb: {  	s23 =	sshrl.u32 s9, $0x1;
	s15 =	smul.u32 $0xC8000, s3;
	v62 =	vadd.s32 $0x7, v15;
	s3 =	simm.s32 $0x1A480;
	[tilespmem:$0x1FF70] =	vst v61  }
0xc: {  	v63 =	vadd.s32 $0x8, v15;
	s0 =	ssub.s32 s9, s23;
	s17 =	sadd.s32 s2, s25;
	s25 =	simm.s32 $0x80;
	[tilespmem:$0x1FF80] =	vst v62  }
0xd: {  	v14 =	vadd.s32 $0x9, v15;
	s2 =	simm.s32 $0x4480;
	[tilespmem:$0x1FF90] =	vst v63;
	s10 =	sshrl.u32 s4, $0x3;
	s14 =	sadd.s32 $0x100, s4  }
.Ltmp0:
0xe: {  	v52 =	vadd.s32 $0xA, v15;
	[tilespmem:$0x1FFA0] =	vst v14;
	s16 =	smax.u32 s0, $0x1;
	s23 =	sor.u32 $0x80, s17;
	(pc) =	sbr.rel .LBB2_1-.Ltmp0, $4  }
0xf: {  	v53 =	vadd.s32 $0xB, v15;
	[tilespmem:$0x1FFB0] =	vst v52;
	s0 =	simm.s32 $0x19C00;
	s4 =	simm.s32 $0x100;
	s24 =	sadd.s32 s7, s10  }
0x10: {  	v54 =	vadd.s32 $0xC, v15;
	[tilespmem:$0x1FFC0] =	vst v53;
	s26 =	sadd.s32 s8, s10;
	s10 =	sor.u32 $0x10, s10;
	[dreg:$0x7] =	wrdreg s24  }
0x11: {  	v55 =	vadd.s32 $0xD, v15;
	[tilespmem:$0x1FFD0] =	vst v54;
	[dreg:$0x8] =	wrdreg s26;
	s28 =	sadd.s32 s7, s10;
	s13 =	sadd.s32 s8, s10  }
0x12: {  	v16 =	vadd.s32 $0xF, v15;
	[tilespmem:$0x1FFE0] =	vst v55;
	s24 =	simm.s32 $0x3;
	s26 =	simm.s32 $0x480;
	[dreg:$0x9] =	wrdreg s28  }
.LBB2_40:
0x13: {  	s21 =	sadd.s32 $0x1, s21  }
0x14: {  	_ =	swait.ge [sflag:s29], $0x4000;
	p0 =	sne.s32 s21, s16  }
.Ltmp1:
0x15: {  	[sflag:s29] =	ssyncset.done $0x0;
	(pc) =	sbr.rel @!p0 .LBB2_41-.Ltmp1, $4  }
0x16: {  	[sflag:s29] =	ssyncadd.s32 $0xFFFFC000  }
0x17: {  	_ =	swait.ge [sflag:s29], $0x4000  }
0x18: {  	[sflag:s29] =	ssyncset.done $0x0  }
0x19: {  	[sflag:s29] =	ssyncadd.s32 $0xFFFFC000  }
.LBB2_1:
0x1a: {  	s9 =	rddreg [dreg:$0x6]  }
0x1b: {  	[tilespmem:s19], [sflag:$0x4] =	stream.linear.gather [hbm4b:s9+s6], $0xD680, $0x38;
	[tilespmem:$0x1AD00] =	vst v63  }
0x1c: {  	_ =	swait.ge [sflag:s20], $0xD680  }
0x1d: {  	[sflag:s20] =	ssyncset.done $0x0  }
0x1e: {  	[sflag:s20] =	ssyncadd.s32 $0xFFFF2980  }
0x1f: {  	s10 =	simm.s32 $0x19B00;
	s28 =	rddreg [dreg:$0x2]  }
0x20: {  	[tilespmem:s10], [sflag:$0x4] =	stream.linear.gather [hbm4b:s28+s6], $0x80, $0x38;
	[tilespmem:$0x1AD00] =	vst v63  }
0x21: {  	_ =	swait.ge [sflag:s20], $0x80  }
0x22: {  	[sflag:s20] =	ssyncset.done $0x0  }
0x23: {  	[sflag:s20] =	ssyncadd.s32 $0xFFFFFF80  }
0x24: {  	s12 =	simm.s32 $0x19B80;
	s11 =	rddreg [dreg:$0x3]  }
0x25: {  	[tilespmem:s12], [sflag:$0x4] =	stream.linear.gather [hbm4b:s11+s6], $0x80, $0x38;
	[tilespmem:$0x1AD00] =	vst v63  }
0x26: {  	_ =	swait.ge [sflag:s20], $0x80  }
0x27: {  	[sflag:s20] =	ssyncset.done $0x0  }
0x28: {  	[sflag:s20] =	ssyncadd.s32 $0xFFFFFF80  }
0x29: {  	v17 =	vld [tilespmem:$0x19B00]  }
0x2a: {  	v18 =	vld [tilespmem:$0x19B10]  }
0x2b: {  	v19 =	vld [tilespmem:$0x19B20]  }
0x2c: {  	v20 =	vld [tilespmem:$0x19B30]  }
0x2d: {  	v21 =	vld [tilespmem:$0x19B40]  }
0x2e: {  	v22 =	vld [tilespmem:$0x19B50]  }
0x2f: {  	v23 =	vld [tilespmem:$0x19B60]  }
0x30: {  	v24 =	vld [tilespmem:$0x19B70]  }
0x31: {  	v25 =	vld [tilespmem:$0x19B80]  }
0x32: {  	v26 =	vld [tilespmem:$0x19B90]  }
0x33: {  	v27 =	vld [tilespmem:$0x19BA0]  }
0x34: {  	v28 =	vld [tilespmem:$0x19BB0]  }
0x35: {  	v29 =	vld [tilespmem:$0x19BC0]  }
0x36: {  	v30 =	vld [tilespmem:$0x19BD0]  }
0x37: {  	s18 =	rddreg [dreg:$0x7];
	v31 =	vld [tilespmem:$0x19BE0]  }
0x38: {  	v32 =	vld [tilespmem:$0x19BF0];
	[tilespmem:s6], [sflag:$0x3] =	stream.linear.gather [hbm4b:s18+s6], $0x80, $0x38  }
0x39: {  	s28 =	simm.s32 $0x180;
	s22 =	rddreg [dreg:$0x8]  }
0x3a: {  	[tilespmem:s28], [sflag:$0x3] =	stream.linear.gather [hbm4b:s22+s6], $0x80, $0x38;
	[tilespmem:$0x1AD00] =	vst v63  }
0x3b: {  	_ =	swait.ge [sflag:s24], $0x80  }
0x3c: {  	[sflag:s24] =	ssyncset.done $0x0  }
0x3d: {  	[sflag:s24] =	ssyncadd.s32 $0xFFFFFF80  }
0x3e: {  	v1 =	vor.u32 s17, v0;
	_ =	swait.ge [sflag:s24], $0x80  }
0x3f: {  	v2 =	vmulhi.u32 $0x51EB851F, v1;
	[sflag:s24] =	ssyncset.done $0x0  }
0x40: {  	s9 =	simm.s32 $0x0;
	[sflag:s24] =	ssyncadd.s32 $0xFFFFFF80  }
0x41: {  	v3 =	vshrl.u32 v2, $0x6;
	v2 =	vld [tilespmem:s9+$0x180]  }
0x42: {  	v3 =	vmul.u32 $0xC8, v3  }
0x43: {  	s10 =	simm.s32 $0x40;
	s11 =	sadd.s32 $0x10, s17  }
.LBB2_2:
0x44: {  	p0 =	sne.s32 s10, $0x1C0;
	v3 =	vsub.s32 v1, v3;
	v1 =	vor.u32 s11, v0;
	s12 =	smov.u32 s10;
	s10 =	sadd.s32 $0x40, s10  }
.Ltmp2:
0x45: {  	v4 =	vmulhi.u32 $0x51EB851F, v1;
	v3 =	vshll.u32 v3, $0x1;
	(pc) =	sbr.rel @p0 .LBB2_2-.Ltmp2, $4  }
0x46: {  	s12 =	sshra.s32 s12, $0x2;
	v3 =	vadd.s32 v3, v2  }
0x47: {  	v2 =	vld [tilespmem:s12+$0x180];
	v4 =	vshrl.u32 v4, $0x6;
	v5 =	vmul.u32 $0x89, v3  }
0x48: {  	v3 =	vmul.u32 $0xC8, v4  }
0x49: {  	s11 =	sadd.s32 $0x10, s11;
	[tilespmem:s9+$0x300] =	vst v5;
	s9 =	smov.u32 s12  }
0x4a: {  	v1 =	vsub.s32 v1, v3  }
0x4b: {  	v1 =	vshll.u32 v1, $0x1  }
0x4c: {  	v1 =	vadd.s32 v1, v2  }
0x4d: {  	v1 =	vmul.u32 $0x89, v1;
	_ =	sdelay $0x1  }
0x4e: {  	s22 =	simm.s32 $0x0;
	[tilespmem:s9+$0x300] =	vst v1  }
0x4f: {  	[tilespmem:s26], [sflag:$0x1] =	stream.indirect.gather [hbm4b:s1+s25], $0x80, s22, s25, $0xb8;
	[tilespmem:$0x1AD00] =	vst v63  }
.Ltmp3:
0x50: {  	_ = 	snop;
	(pc) =	sbr.rel .LBB2_4-.Ltmp3, $4  }
0x51: {  	s18 =	rddreg [dreg:$0x9]  }
0x52: {  	[tilespmem:s25], [sflag:$0x3] =	stream.linear.gather [hbm4b:s18+s22], $0x80, $0x38;
	[tilespmem:$0x1AD00] =	vst v63  }
0x53: {  	s28 =	simm.s32 $0x200;
	s18 =	smov.u32 s23  }
0x54: {  	[tilespmem:s28], [sflag:$0x3] =	stream.linear.gather [hbm4b:s13+s22], $0x80, $0x38;
	[tilespmem:$0x1AD00] =	vst v63  }
.LBB2_39:
0x55: {  	v56 =	vld [tilespmem:$0x1FF20]  }
0x56: {  	v57 =	vld [tilespmem:$0x1FF30]  }
0x57: {  	v58 =	vld [tilespmem:$0x1FF40]  }
0x58: {  	v59 =	vld [tilespmem:$0x1FF50]  }
0x59: {  	v60 =	vld [tilespmem:$0x1FF60]  }
0x5a: {  	s10 =	sshll.u32 s22, $0xE;
	s22 =	sadd.s32 $0x1, s22;
	v61 =	vld [tilespmem:$0x1FF70]  }
0x5b: {  	v62 =	vld [tilespmem:$0x1FF80];
	p0 =	sne.s32 s22, $0x32  }
.Ltmp4:
0x5c: {  	v63 =	vld [tilespmem:$0x1FF90];
	(pc) =	sbr.rel @!p0 .LBB2_40-.Ltmp4, $4  }
0x5d: {  	v52 =	vld [tilespmem:$0x1FFB0];
	s10 =	sadd.s32 s15, s10  }
0x5e: {  	v53 =	vld [tilespmem:$0x1FFC0];
	s10 =	sshrl.u32 s10, $0x3  }
0x5f: {  	s18 =	sadd.s32 $0x80, s18;
	v54 =	vld [tilespmem:$0x1FFD0];
	s10 =	sadd.s32 s5, s10  }
0x60: {  	v55 =	vld [tilespmem:$0x1FFE0];
	[hbm4b:s10+s6] =	stream.linear.scatter [tilespmem:s9], [sflag:$0x2], $0x4000, $0x38  }
.LBB2_4:
0x61: {  	s9 =	smul.u32 $0xAB, s22;
	_ =	sdelay $0x1  }
0x62: {  	s9 =	sshrl.u32 s9, $0x9  }
0x63: {  	s9 =	sand.u32 $0x7F, s9  }
0x64: {  	s9 =	smul.u32 $0x3, s9;
	_ =	sdelay $0x1  }
0x65: {  	s9 =	ssub.s32 s22, s9  }
0x66: {  	s9 =	sand.u32 $0xFF, s9  }
0x67: {  	p0 =	seq.s32 s9, $0x2  }
.Ltmp5:
0x68: {  	_ = 	snop;
	(pc) =	sbr.rel @p0 .LBB2_28-.Ltmp5, $1  }
0x69: {  	_ =	sdelay $0x3  }
0x6a: {  	p2 =	seq.s32 s9, $0x1  }
.Ltmp6:
0x6b: {  	_ = 	snop;
	(pc) =	sbr.rel @!p2 .LBB2_6-.Ltmp6, $3  }
0x6c: {  	_ =	sdelay $0x1  }
0x6d: {  	p0 =	slt.u32 s22, $0x2  }
0x6e: {  	p1 =	seq.s32 @!p0 s22, $0x31  }
0x6f: {  	p1 =	por p0, !p1  }
.Ltmp7:
0x70: {  	_ = 	snop;
	(pc) =	sbr.rel @!p1 .LBB2_21-.Ltmp7, $4  }
0x71: {  	s9 =	simm.s32 @!p0 $0x2  }
0x72: {  	_ =	swait.ge @!p0 [sflag:s9], $0x4000  }
0x73: {  	[sflag:s9] =	ssyncset.done @!p0 $0x0  }
0x74: {  	[sflag:s9] =	ssyncadd.s32 @!p0 $0xFFFFC000  }
0x75: {  	_ =	swait.ge [sflag:s24], $0x80  }
0x76: {  	[sflag:s24] =	ssyncset.done $0x0  }
0x77: {  	[sflag:s24] =	ssyncadd.s32 $0xFFFFFF80  }
0x78: {  	v1 =	vor.u32 s18, v0;
	_ =	swait.ge [sflag:s24], $0x80  }
0x79: {  	v2 =	vmulhi.u32 $0x51EB851F, v1;
	[sflag:s24] =	ssyncset.done $0x0  }
0x7a: {  	s10 =	simm.s32 $0x0;
	[sflag:s24] =	ssyncadd.s32 $0xFFFFFF80  }
0x7b: {  	v3 =	vshrl.u32 v2, $0x6;
	v2 =	vld [tilespmem:s10+$0x280]  }
0x7c: {  	v3 =	vmul.u32 $0xC8, v3  }
0x7d: {  	s9 =	sshll.u32 s22, $0x7;
	s11 =	simm.s32 $0x40;
	s12 =	sadd.s32 $0x10, s18  }
.LBB2_19:
0x7e: {  	p0 =	sne.s32 s11, $0x1C0;
	v3 =	vsub.s32 v1, v3;
	v1 =	vor.u32 s12, v0;
	s28 =	smov.u32 s11;
	s11 =	sadd.s32 $0x40, s11  }
.Ltmp8:
0x7f: {  	v4 =	vmulhi.u32 $0x51EB851F, v1;
	v3 =	vshll.u32 v3, $0x1;
	(pc) =	sbr.rel @p0 .LBB2_19-.Ltmp8, $4  }
0x80: {  	s28 =	sshra.s32 s28, $0x2;
	v3 =	vadd.s32 v3, v2  }
0x81: {  	v2 =	vld [tilespmem:s28+$0x280];
	v4 =	vshrl.u32 v4, $0x6;
	v5 =	vmul.u32 $0x89, v3  }
0x82: {  	v3 =	vmul.u32 $0xC8, v4  }
0x83: {  	s12 =	sadd.s32 $0x10, s12;
	[tilespmem:s10+$0x400] =	vst v5;
	s10 =	smov.u32 s28  }
0x84: {  	v1 =	vsub.s32 v1, v3  }
0x85: {  	v1 =	vshll.u32 v1, $0x1  }
0x86: {  	v1 =	vadd.s32 v1, v2  }
0x87: {  	p0 =	sgt.u32 s22, $0x2F;
	v1 =	vmul.u32 $0x89, v1  }
0x88: {  	s9 =	sadd.s32 @!p0 s9, s14  }
0x89: {  	s9 =	sshrl.u32 @!p0 s9, $0x3;
	[tilespmem:s10+$0x400] =	vst v1  }
0x8a: {  	[tilespmem:s31], [sflag:$0x1] =	stream.indirect.gather [hbm4b:s1+s25], $0x80, s4, s25, $0xb8;
	[tilespmem:$0x1AD00] =	vst v63  }
0x8b: {  	s11 =	simm.s32 @!p0 $0x0;
	s10 =	sadd.s32 @!p0 s7, s9  }
0x8c: {  	[tilespmem:s11], [sflag:$0x3] =	stream.linear.gather @!p0 [hbm4b:s10+s11], $0x80, $0x38;
	[tilespmem:$0x1AD00] =	vst v63  }
0x8d: {  	s9 =	sadd.s32 @!p0 s8, s9;
	s10 =	simm.s32 @!p0 $0x180  }
0x8e: {  	[tilespmem:s10], [sflag:$0x3] =	stream.linear.gather @!p0 [hbm4b:s9+s11], $0x80, $0x38;
	[tilespmem:$0x1AD00] =	vst v63  }
.LBB2_21:
0x8f: {  	_ =	swait.ge [sflag:s30], $0x4000  }
0x90: {  	[sflag:s30] =	ssyncset.done $0x0  }
0x91: {  	s28 =	simm.s32 $0x0;
	[sflag:s30] =	ssyncadd.s32 $0xFFFFC000  }
.LBB2_22:
0x92: {  	s9 =	sshll.u32 s28, $0x4;
	v1 =	vlaneseq.u32  }
0x93: {  	v2 =	vmov s9;
	v3 =	vmul.u32 $0x80, v1  }
0x94: {  	v33 =	vld [tilespmem:s9+$0x380];
	v2 =	vshll.u32 v2, $0x7  }
0x95: {  	v6 =	vadd.s32 $0x2, v1;
	v35 =	vor.u32 v3, v2  }
0x96: {  	v6 =	vand.u32 $0x7F, v6;
	v2 =	vadd.s32 $0x1, v1;
	v3 =	vor.u32 v35, v1  }
0x97: {  	v2 =	vand.u32 $0x7F, v2;
	v8 =	vor.u32 v35, v6  }
0x98: {  	v5 =	vor.u32 v35, v2  }
0x99: {  	v4 =	vadd.s32 v33, v1  }
0x9a: {  	v7 =	vadd.s32 $0x3, v1;
	v2 =	vadd.s32 v33, v2  }
0x9b: {  	v7 =	vand.u32 $0x7F, v7;
	v6 =	vadd.s32 v33, v6;
	v9 =	vld.idx.msk [tilespmem:v3+s2+$0x0], $0xffff  }
0x9c: {  	v11 =	vadd.s32 v33, v7;
	v36 =	vld.idx.msk [tilespmem:v8+s2+$0x0], $0xffff  }
0x9d: {  	v7 =	vor.u32 v35, v7;
	v12 =	vld.idx.msk [tilespmem:v5+s2+$0x0], $0xffff  }
0x9e: {  	v10 =	vadd.s32 $0x4, v1;
	v4 =	vld.idx.msk [tilespmem:v4+s19+$0x0], $0xffff  }
0x9f: {  	v10 =	vand.u32 $0x7F, v10;
	v2 =	vld.idx.msk [tilespmem:v2+s19+$0x0], $0xffff  }
0xa0: {  	v13 =	vor.u32 v35, v10;
	v6 =	vld.idx.msk [tilespmem:v6+s19+$0x0], $0xffff  }
0xa1: {  	v10 =	vadd.s32 v33, v10;
	v11 =	vld.idx.msk [tilespmem:v11+s19+$0x0], $0xffff  }
0xa2: {  	v41 =	vld.idx.msk [tilespmem:v7+s2+$0x0], $0xffff  }
0xa3: {  	v34 =	vadd.s32 $0x5, v1  }
0xa4: {  	v37 =	vimm.f32 $0.0e+00;
	v38 =	vadd.s32 $0x8, v1;
	v39 =	vand.u32 $0x7F, v34  }
0xa5: {  	v34 =	vor.u32 v35, v39;
	v40 =	vld.idx.msk [tilespmem:v13+s2+$0x0], $0xffff;
	v4 =	vadd.f32 v4, v9;
	v9 =	vadd.s32 v33, v39  }
0xa6: {  	v10 =	vld.idx.msk [tilespmem:v10+s19+$0x0], $0xffff;
	v2 =	vadd.f32 v2, v12;
	v12 =	vadd.s32 $0x6, v1;
	v1 =	vadd.s32 $0x7, v1  }
0xa7: {  	v6 =	vadd.f32 v6, v36;
	v11 =	vadd.f32 v11, v41;
	v12 =	vand.u32 $0x7F, v12  }
0xa8: {  	v1 =	vand.u32 $0x7F, v1;
	v50 =	vmul.f32 v4, v4;
	v42 =	vmul.f32 v2, v2  }
0xa9: {  	v44 =	vadd.s32 v33, v12;
	v43 =	vadd.f32 v4, v37;
	v39 =	vor.u32 v35, v1  }
0xaa: {  	[tilespmem:v5+s2+$0x0] =	vst.idx.msk $0xffff, v2;
	v51 =	vadd.f32 v50, v37;
	v37 =	vor.u32 v35, v12  }
0xab: {  	v12 =	vadd.s32 v33, v1;
	v1 =	vadd.f32 v2, v43;
	v2 =	vadd.f32 v10, v40  }
0xac: {  	v46 =	vmul.f32 v6, v6;
	[tilespmem:v3+s2+$0x0] =	vst.idx.msk $0xffff, v4;
	v10 =	vld.idx.msk [tilespmem:v34+s2+$0x0], $0xffff;
	v45 =	vadd.f32 v42, v51  }
0xad: {  	v42 =	vand.u32 $0x7F, v38;
	[tilespmem:v13+s2+$0x0] =	vst.idx.msk $0xffff, v2;
	v13 =	vmul.f32 v11, v11;
	v1 =	vadd.f32 v6, v1  }
0xae: {  	v9 =	vld.idx.msk [tilespmem:v9+s19+$0x0], $0xffff;
	v36 =	vor.u32 v35, v42;
	v41 =	vadd.s32 v33, v42;
	v3 =	vadd.s32 $0x1, v42  }
0xaf: {  	[tilespmem:v7+s2+$0x0] =	vst.idx.msk $0xffff, v11;
	v43 =	vadd.s32 $0x8, v42;
	v4 =	vld.idx.msk [tilespmem:v44+s19+$0x0], $0xffff;
	v5 =	vadd.s32 $0x2, v42;
	v3 =	vand.u32 $0x7F, v3  }
0xb0: {  	[tilespmem:v8+s2+$0x0] =	vst.idx.msk $0xffff, v6;
	v50 =	vadd.s32 $0x3, v42;
	v6 =	vadd.s32 $0x4, v42;
	v47 =	vld.idx.msk [tilespmem:v37+s2+$0x0], $0xffff;
	v40 =	vor.u32 v35, v3  }
0xb1: {  	v49 =	vadd.f32 v46, v45;
	v7 =	vand.u32 $0x7F, v5;
	v46 =	vadd.s32 v33, v3;
	v3 =	vld.idx.msk [tilespmem:v39+s2+$0x0], $0xffff  }
0xb2: {  	v5 =	vmul.f32 v2, v2;
	v51 =	vadd.f32 v11, v1;
	v38 =	vor.u32 v35, v7;
	v48 =	vld.idx.msk [tilespmem:v12+s19+$0x0], $0xffff  }
0xb3: {  	v1 =	vand.u32 $0x7F, v50;
	v45 =	vadd.s32 v33, v7;
	v7 =	vadd.f32 v13, v49;
	v44 =	vld.idx.msk [tilespmem:v36+s2+$0x0], $0xffff  }
0xb4: {  	s9 =	simm.s32 $0x8;
	v50 =	vadd.s32 v33, v1;
	v49 =	vld.idx.msk [tilespmem:v41+s19+$0x0], $0xffff;
	v41 =	vor.u32 v35, v1;
	v1 =	vadd.f32 v9, v10  }
.LBB2_23:
0xb5: {  	s9 =	sadd.s32 $0x8, s9;
	v8 =	vld.idx.msk [tilespmem:v40+s2+$0x0], $0xffff;
	v6 =	vand.u32 $0x7F, v6;
	v5 =	vadd.f32 v5, v7;
	v4 =	vadd.f32 v4, v47  }
0xb6: {  	p0 =	slt.u32 s9, $0x78;
	v7 =	vld.idx.msk [tilespmem:v46+s19+$0x0], $0xffff;
	v9 =	vor.u32 v35, v6;
	v6 =	vadd.s32 v33, v6;
	[tilespmem:v34+s2+$0x0] =	vst.idx.msk $0xffff, v1  }
0xb7: {  	v11 =	vadd.s32 $0x5, v42;
	v2 =	vadd.f32 v2, v51;
	v12 =	vmul.f32 v1, v1;
	v10 =	vld.idx.msk [tilespmem:v38+s2+$0x0], $0xffff  }
0xb8: {  	v11 =	vand.u32 $0x7F, v11;
	v3 =	vadd.f32 v48, v3;
	v13 =	vld.idx.msk [tilespmem:v45+s19+$0x0], $0xffff;
	v45 =	vmul.f32 v4, v4  }
0xb9: {  	v34 =	vor.u32 v35, v11;
	v11 =	vadd.s32 v33, v11;
	v5 =	vadd.f32 v12, v5;
	v46 =	vld.idx.msk [tilespmem:v50+s19+$0x0], $0xffff  }
0xba: {  	v1 =	vadd.f32 v1, v2;
	v12 =	vadd.f32 v49, v44;
	v2 =	vmul.f32 v3, v3;
	v44 =	vld.idx.msk [tilespmem:v41+s2+$0x0], $0xffff  }
0xbb: {  	v48 =	vadd.s32 $0x6, v42;
	v42 =	vadd.s32 $0x7, v42;
	v5 =	vadd.f32 v45, v5;
	v47 =	vld.idx.msk [tilespmem:v9+s2+$0x0], $0xffff;
	[tilespmem:v39+s2+$0x0] =	vst.idx.msk $0xffff, v3  }
0xbc: {  	v1 =	vadd.f32 v4, v1;
	v39 =	vmul.f32 v12, v12;
	v7 =	vadd.f32 v7, v8;
	v6 =	vld.idx.msk [tilespmem:v6+s19+$0x0], $0xffff  }
0xbd: {  	v42 =	vand.u32 $0x7F, v42;
	v8 =	vand.u32 $0x7F, v48;
	v2 =	vadd.f32 v2, v5;
	[tilespmem:v37+s2+$0x0] =	vst.idx.msk $0xffff, v4  }
0xbe: {  	v1 =	vadd.f32 v3, v1;
	v4 =	vmul.f32 v7, v7;
	v5 =	vadd.f32 v13, v10;
	v10 =	vld.idx.msk [tilespmem:v34+s2+$0x0], $0xffff  }
0xbf: {  	v3 =	vadd.s32 v33, v8;
	v2 =	vadd.f32 v39, v2;
	[tilespmem:v40+s2+$0x0] =	vst.idx.msk $0xffff, v7;
	v11 =	vld.idx.msk [tilespmem:v11+s19+$0x0], $0xffff  }
0xc0: {  	v1 =	vadd.f32 v12, v1;
	v37 =	vor.u32 v35, v8;
	v8 =	vadd.s32 v33, v42  }
0xc1: {  	v39 =	vor.u32 v35, v42;
	v13 =	vmul.f32 v5, v5;
	v4 =	vadd.f32 v4, v2  }
0xc2: {  	v42 =	vand.u32 $0x7F, v43;
	v1 =	vadd.f32 v7, v1;
	v2 =	vadd.f32 v6, v47;
	[tilespmem:v36+s2+$0x0] =	vst.idx.msk $0xffff, v12  }
0xc3: {  	v6 =	vadd.f32 v46, v44;
	v36 =	vor.u32 v35, v42;
	v7 =	vadd.f32 v13, v4  }
0xc4: {  	v43 =	vadd.s32 $0x8, v42;
	v12 =	vadd.s32 v33, v42;
	v13 =	vadd.s32 $0x1, v42;
	[tilespmem:v9+s2+$0x0] =	vst.idx.msk $0xffff, v2;
	v4 =	vld.idx.msk [tilespmem:v3+s19+$0x0], $0xffff  }
0xc5: {  	v3 =	vand.u32 $0x7F, v13;
	v9 =	vadd.s32 $0x2, v42;
	v13 =	vmul.f32 v6, v6;
	[tilespmem:v41+s2+$0x0] =	vst.idx.msk $0xffff, v6;
	v47 =	vld.idx.msk [tilespmem:v37+s2+$0x0], $0xffff  }
.Ltmp9:
0xc6: {  	v1 =	vadd.f32 v5, v1;
	v40 =	vor.u32 v35, v3;
	v46 =	vadd.s32 v33, v3;
	v3 =	vld.idx.msk [tilespmem:v39+s2+$0x0], $0xffff;
	(pc) =	sbr.rel @p0 .LBB2_23-.Ltmp9, $4  }
0xc7: {  	v9 =	vand.u32 $0x7F, v9;
	v41 =	vadd.s32 $0x3, v42;
	[tilespmem:v38+s2+$0x0] =	vst.idx.msk $0xffff, v5;
	v5 =	vmul.f32 v2, v2  }
0xc8: {  	v51 =	vadd.f32 v6, v1;
	v45 =	vadd.s32 v33, v9;
	v38 =	vor.u32 v35, v9;
	v48 =	vld.idx.msk [tilespmem:v8+s19+$0x0], $0xffff  }
0xc9: {  	v6 =	vadd.s32 $0x4, v42;
	v1 =	vand.u32 $0x7F, v41;
	v7 =	vadd.f32 v13, v7;
	v44 =	vld.idx.msk [tilespmem:v36+s2+$0x0], $0xffff  }
0xca: {  	v41 =	vor.u32 v35, v1;
	v50 =	vadd.s32 v33, v1;
	v1 =	vadd.f32 v11, v10;
	v49 =	vld.idx.msk [tilespmem:v12+s19+$0x0], $0xffff  }
0xcb: {  	_ =	sdelay $0x2  }
0xcc: {  	v6 =	vand.u32 $0x7F, v6;
	v5 =	vadd.f32 v5, v7  }
0xcd: {  	v7 =	vld.idx.msk [tilespmem:v40+s2+$0x0], $0xffff;
	v4 =	vadd.f32 v4, v47;
	v10 =	vadd.s32 $0x5, v42;
	v2 =	vadd.f32 v2, v51  }
0xce: {  	v9 =	vld.idx.msk [tilespmem:v46+s19+$0x0], $0xffff;
	v8 =	vor.u32 v35, v6;
	v6 =	vadd.s32 v33, v6;
	v11 =	vmul.f32 v1, v1  }
0xcf: {  	v10 =	vand.u32 $0x7F, v10;
	v12 =	vmul.f32 v4, v4;
	v3 =	vadd.f32 v48, v3  }
0xd0: {  	v43 =	vor.u32 v35, v10;
	v2 =	vadd.f32 v1, v2;
	v10 =	vadd.s32 v33, v10  }
0xd1: {  	v13 =	vld.idx.msk [tilespmem:v38+s2+$0x0], $0xffff;
	v5 =	vadd.f32 v11, v5;
	v44 =	vadd.f32 v49, v44;
	v48 =	vmul.f32 v3, v3  }
0xd2: {  	v11 =	vld.idx.msk [tilespmem:v45+s19+$0x0], $0xffff;
	v49 =	vadd.s32 $0x6, v42;
	v2 =	vadd.f32 v4, v2;
	v42 =	vadd.s32 $0x7, v42  }
0xd3: {  	v46 =	vld.idx.msk [tilespmem:v41+s2+$0x0], $0xffff;
	v5 =	vadd.f32 v12, v5;
	v7 =	vadd.f32 v9, v7;
	v9 =	vand.u32 $0x7F, v49  }
0xd4: {  	v12 =	vld.idx.msk [tilespmem:v50+s19+$0x0], $0xffff;
	v42 =	vand.u32 $0x7F, v42;
	v2 =	vadd.f32 v3, v2;
	v45 =	vadd.s32 v33, v9  }
0xd5: {  	v47 =	vld.idx.msk [tilespmem:v8+s2+$0x0], $0xffff;
	v9 =	vor.u32 v35, v9;
	v33 =	vadd.s32 v33, v42  }
0xd6: {  	v6 =	vld.idx.msk [tilespmem:v6+s19+$0x0], $0xffff;
	v5 =	vadd.f32 v48, v5;
	v48 =	vmul.f32 v44, v44;
	v2 =	vadd.f32 v44, v2  }
0xd7: {  	v10 =	vld.idx.msk [tilespmem:v10+s19+$0x0], $0xffff;
	v11 =	vadd.f32 v11, v13;
	v13 =	vor.u32 v35, v42  }
0xd8: {  	v50 =	vmul.f32 v7, v7;
	v42 =	vld.idx.msk [tilespmem:v43+s2+$0x0], $0xffff;
	v5 =	vadd.f32 v48, v5;
	v2 =	vadd.f32 v7, v2  }
0xd9: {  	v12 =	vadd.f32 v12, v46;
	v45 =	vld.idx.msk [tilespmem:v45+s19+$0x0], $0xffff  }
0xda: {  	v51 =	vmul.f32 v11, v11;
	v5 =	vadd.f32 v50, v5;
	v48 =	vld.idx.msk [tilespmem:v9+s2+$0x0], $0xffff;
	v2 =	vadd.f32 v11, v2  }
0xdb: {  	v6 =	vadd.f32 v6, v47;
	v33 =	vld.idx.msk [tilespmem:v33+s19+$0x0], $0xffff  }
0xdc: {  	v49 =	vmul.f32 v12, v12;
	v5 =	vadd.f32 v51, v5;
	v50 =	vld.idx.msk [tilespmem:v13+s2+$0x0], $0xffff;
	v2 =	vadd.f32 v12, v2  }
0xdd: {  	v10 =	vadd.f32 v10, v42  }
0xde: {  	v51 =	vmul.f32 v6, v6;
	v5 =	vadd.f32 v49, v5;
	v2 =	vadd.f32 v6, v2  }
0xdf: {  	v35 =	vadd.f32 v45, v48  }
0xe0: {  	v42 =	vmul.f32 v10, v10;
	v5 =	vadd.f32 v51, v5;
	v2 =	vadd.f32 v10, v2  }
0xe1: {  	v33 =	vadd.f32 v33, v50  }
0xe2: {  	v45 =	vmul.f32 v35, v35;
	v5 =	vadd.f32 v42, v5;
	v2 =	vadd.f32 v35, v2;
	_ =	sdelay $0x1  }
0xe3: {  	v48 =	vmul.f32 v33, v33;
	v5 =	vadd.f32 v45, v5;
	v2 =	vadd.f32 v33, v2;
	_ =	sdelay $0x1  }
0xe4: {  	v5 =	vadd.f32 v48, v5;
	v2 =	vmul.f32 $7.812500000e-03, v2;
	_ =	sdelay $0x1  }
0xe5: {  	v5 =	vmul.f32 $7.812500000e-03, v5;
	v49 =	vmul.f32 v2, v2;
	_ =	sdelay $0x1  }
0xe6: {  	v5 =	vsub.f32 v5, v49;
	_ =	sdelay $0x1  }
0xe7: {  	v5 =	vadd.f32 $9.999999960e-13, v5;
	_ =	sdelay $0x1  }
0xe8: {  	v50 =	vshra.s32 v5, $0x1;
	v5 =	vmul.f32 $5.000000000e-01, v5  }
0xe9: {  	v42 =	vsub.s32 $0x5F3759DF, v50  }
0xea: {  	v51 =	vmul.f32 v42, v5;
	_ =	sdelay $0x1  }
0xeb: {  	v45 =	vmul.f32 v42, v51;
	_ =	sdelay $0x1  }
0xec: {  	v45 =	vsub.f32 $1.500000000e+00, v45;
	_ =	sdelay $0x1  }
0xed: {  	v42 =	vmul.f32 v42, v45;
	_ =	sdelay $0x1  }
0xee: {  	v45 =	vmul.f32 v42, v5;
	_ =	sdelay $0x1  }
0xef: {  	v45 =	vmul.f32 v45, v42;
	_ =	sdelay $0x1  }
0xf0: {  	[tilespmem:v34+s2+$0x0] =	vst.idx.msk $0xffff, v1;
	v1 =	vsub.f32 $1.500000000e+00, v45  }
0xf1: {  	[tilespmem:v37+s2+$0x0] =	vst.idx.msk $0xffff, v4  }
0xf2: {  	[tilespmem:v39+s2+$0x0] =	vst.idx.msk $0xffff, v3;
	v1 =	vmul.f32 v1, v42  }
0xf3: {  	[tilespmem:v36+s2+$0x0] =	vst.idx.msk $0xffff, v44  }
0xf4: {  	s9 =	smul.u32 $0x110, s28;
	[tilespmem:v40+s2+$0x0] =	vst.idx.msk $0xffff, v7;
	v3 =	vmul.f32 v1, v5  }
0xf5: {  	[tilespmem:v38+s2+$0x0] =	vst.idx.msk $0xffff, v11  }
0xf6: {  	[tilespmem:v41+s2+$0x0] =	vst.idx.msk $0xffff, v12;
	v41 =	vadd.s32 s9, v15;
	v3 =	vmul.f32 v3, v1  }
0xf7: {  	[tilespmem:v8+s2+$0x0] =	vst.idx.msk $0xffff, v6  }
0xf8: {  	[tilespmem:v43+s2+$0x0] =	vst.idx.msk $0xffff, v10;
	v42 =	vadd.s32 s9, v56;
	v3 =	vsub.f32 $1.500000000e+00, v3  }
0xf9: {  	[tilespmem:v9+s2+$0x0] =	vst.idx.msk $0xffff, v35  }
0xfa: {  	[tilespmem:v13+s2+$0x0] =	vst.idx.msk $0xffff, v33;
	v1 =	vmul.f32 v3, v1;
	v3 =	vadd.s32 s9, v57  }
0xfb: {  	[tilespmem:v41+s0+$0x0] =	vst.idx.msk $0xffff, v2  }
0xfc: {  	v43 =	vadd.s32 s9, v58;
	[tilespmem:v41+s3+$0x0] =	vst.idx.msk $0xffff, v1  }
0xfd: {  	[tilespmem:v42+s0+$0x0] =	vst.idx.msk $0xffff, v2  }
0xfe: {  	v44 =	vadd.s32 s9, v59;
	[tilespmem:v42+s3+$0x0] =	vst.idx.msk $0xffff, v1  }
0xff: {  	[tilespmem:v3+s0+$0x0] =	vst.idx.msk $0xffff, v2  }
0x100: {  	[tilespmem:v3+s3+$0x0] =	vst.idx.msk $0xffff, v1;
	v3 =	vadd.s32 s9, v60  }
0x101: {  	[tilespmem:v43+s0+$0x0] =	vst.idx.msk $0xffff, v2  }
0x102: {  	v45 =	vadd.s32 s9, v61;
	[tilespmem:v43+s3+$0x0] =	vst.idx.msk $0xffff, v1  }
0x103: {  	[tilespmem:v44+s0+$0x0] =	vst.idx.msk $0xffff, v2  }
0x104: {  	v46 =	vadd.s32 s9, v62;
	[tilespmem:v44+s3+$0x0] =	vst.idx.msk $0xffff, v1  }
0x105: {  	[tilespmem:v3+s0+$0x0] =	vst.idx.msk $0xffff, v2  }
0x106: {  	[tilespmem:v3+s3+$0x0] =	vst.idx.msk $0xffff, v1;
	v3 =	vadd.s32 s9, v63  }
0x107: {  	[tilespmem:v45+s0+$0x0] =	vst.idx.msk $0xffff, v2  }
0x108: {  	v47 =	vadd.s32 s9, v14;
	[tilespmem:v45+s3+$0x0] =	vst.idx.msk $0xffff, v1  }
0x109: {  	[tilespmem:v46+s0+$0x0] =	vst.idx.msk $0xffff, v2  }
0x10a: {  	v48 =	vadd.s32 s9, v52;
	[tilespmem:v46+s3+$0x0] =	vst.idx.msk $0xffff, v1  }
0x10b: {  	[tilespmem:v3+s0+$0x0] =	vst.idx.msk $0xffff, v2  }
0x10c: {  	[tilespmem:v3+s3+$0x0] =	vst.idx.msk $0xffff, v1;
	v3 =	vadd.s32 s9, v53  }
0x10d: {  	[tilespmem:v47+s0+$0x0] =	vst.idx.msk $0xffff, v2  }
0x10e: {  	[tilespmem:v47+s3+$0x0] =	vst.idx.msk $0xffff, v1  }
0x10f: {  	[tilespmem:v48+s0+$0x0] =	vst.idx.msk $0xffff, v2  }
0x110: {  	[tilespmem:v48+s3+$0x0] =	vst.idx.msk $0xffff, v1  }
0x111: {  	[tilespmem:v3+s0+$0x0] =	vst.idx.msk $0xffff, v2  }
0x112: {  	[tilespmem:v3+s3+$0x0] =	vst.idx.msk $0xffff, v1;
	v3 =	vld [tilespmem:$0x1FF10]  }
0x113: {  	v49 =	vadd.s32 s9, v54;
	_ =	sdelay $0x1  }
0x114: {  	v50 =	vadd.s32 s9, v55;
	_ =	sdelay $0x1  }
0x115: {  	v3 =	vadd.s32 s9, v3  }
0x116: {  	[tilespmem:v49+s0+$0x0] =	vst.idx.msk $0xffff, v2  }
0x117: {  	s28 =	sadd.s32 $0x1, s28;
	v51 =	vadd.s32 s9, v16;
	[tilespmem:v49+s3+$0x0] =	vst.idx.msk $0xffff, v1  }
0x118: {  	p0 =	sne.s32 s28, $0x8;
	[tilespmem:v50+s0+$0x0] =	vst.idx.msk $0xffff, v2  }
.Ltmp10:
0x119: {  	[tilespmem:v50+s3+$0x0] =	vst.idx.msk $0xffff, v1;
	(pc) =	sbr.rel @p0 .LBB2_22-.Ltmp10, $4  }
0x11a: {  	[tilespmem:v3+s0+$0x0] =	vst.idx.msk $0xffff, v2  }
0x11b: {  	[tilespmem:v3+s3+$0x0] =	vst.idx.msk $0xffff, v1  }
0x11c: {  	[tilespmem:v51+s0+$0x0] =	vst.idx.msk $0xffff, v2  }
0x11d: {  	[tilespmem:v51+s3+$0x0] =	vst.idx.msk $0xffff, v1  }
0x11e: {  	s10 =	simm.s32 $0x19C22  }
0x11f: {  	s28 =	simm.s32 $0x4580;
	v40 =	vld [tilespmem:s10+$0x11]  }
0x120: {  	v1 =	vld [tilespmem:s28+$0xFFFFFF10]  }
0x121: {  	v2 =	vld [tilespmem:s28+$0xFFFFFF30]  }
0x122: {  	v5 =	vld [tilespmem:s28+$0xFFFFFF40]  }
0x123: {  	v3 =	vld [tilespmem:s28+$0xFFFFFF70]  }
0x124: {  	v37 =	vld [tilespmem:s10+$0xFFFFFFEF]  }
0x125: {  	v4 =	vld [tilespmem:s28+$0xE0]  }
0x126: {  	v6 =	vld [tilespmem:s28+$0xFFFFFF80]  }
0x127: {  	v7 =	vld [tilespmem:s28+$0xF0]  }
0x128: {  	v9 =	vld [tilespmem:s28+$0xFFFFFFA0]  }
0x129: {  	v10 =	vld [tilespmem:s28+$0xFFFFFFD0]  }
0x12a: {  	v11 =	vld [tilespmem:s28+$0xFFFFFFE0]  }
0x12b: {  	v12 =	vld [tilespmem:s28+$0xC0]  }
0x12c: {  	v13 =	vld [tilespmem:s28+$0x80]  }
0x12d: {  	v33 =	vld [tilespmem:s28+$0x90]  }
0x12e: {  	v41 =	vld [tilespmem:s28+$0xFFFFFFF0]  }
0x12f: {  	s9 =	simm.s32 $0x1A4A2;
	v59 =	vld [tilespmem:s10+$0x0]  }
0x130: {  	v38 =	vld [tilespmem:s9+$0x11]  }
0x131: {  	v43 =	vld [tilespmem:s28+$0x10]  }
0x132: {  	v42 =	vld [tilespmem:s28+$0x0]  }
0x133: {  	v61 =	vld [tilespmem:s10+$0xFFFFFFDE];
	v36 =	vsub.f32 v33, v40  }
0x134: {  	v35 =	vld [tilespmem:s9+$0xFFFFFFEF];
	v4 =	vsub.f32 v4, v40;
	v12 =	vsub.f32 v12, v40  }
0x135: {  	v39 =	vld [tilespmem:s9+$0x0];
	v33 =	vsub.f32 v7, v40;
	v34 =	vsub.f32 v9, v37  }
0x136: {  	v46 =	vld [tilespmem:s28+$0x50];
	v6 =	vsub.f32 v6, v37;
	v43 =	vsub.f32 v43, v59  }
0x137: {  	v7 =	vld [tilespmem:s28+$0x40];
	v41 =	vsub.f32 v41, v37;
	v10 =	vsub.f32 v10, v37;
	v9 =	vmul.f32 v36, v38  }
0x138: {  	v8 =	vld [tilespmem:s28+$0xFFFFFFB0];
	v11 =	vsub.f32 v11, v37;
	v1 =	vsub.f32 v1, v61  }
0x139: {  	v48 =	vld [tilespmem:s28+$0x60];
	v36 =	vsub.f32 v13, v40;
	v4 =	vmul.f32 v4, v38;
	v9 =	vmul.f32 v9, v18  }
0x13a: {  	v55 =	vld [tilespmem:s9+$0xFFFFFFDE];
	v13 =	vsub.f32 v42, v59;
	v12 =	vmul.f32 v12, v38;
	v47 =	vmul.f32 v6, v35  }
0x13b: {  	v45 =	vmul.f32 v41, v35;
	v44 =	vmul.f32 v4, v23;
	v6 =	vadd.f32 v9, v26;
	v9 =	vld [tilespmem:s28+$0xFFFFFF00]  }
0x13c: {  	v41 =	vmul.f32 v13, v39;
	v13 =	vsub.f32 v46, v59;
	v46 =	vld [tilespmem:s28+$0xFFFFFFC0];
	v4 =	vsub.f32 v7, v59  }
0x13d: {  	v2 =	vsub.f32 v2, v61;
	v42 =	vmul.f32 v12, v21;
	v12 =	vmul.f32 v43, v39;
	v7 =	vld [tilespmem:s28+$0xFFFFFF60]  }
0x13e: {  	v8 =	vsub.f32 v8, v37;
	v49 =	vmul.f32 v4, v39;
	v4 =	vmul.f32 v10, v35;
	v10 =	vld [tilespmem:s28+$0x70]  }
0x13f: {  	v62 =	vld [tilespmem:s28+$0xFFFFFF50];
	v58 =	vmul.f32 v1, v55;
	v1 =	vsub.f32 v5, v61;
	v53 =	vmul.f32 v2, v55  }
0x140: {  	v56 =	vmul.f32 v13, v39;
	v43 =	vmul.f32 v12, v18;
	v12 =	vld [tilespmem:s28+$0x30];
	v9 =	vsub.f32 v9, v61  }
0x141: {  	v13 =	vsub.f32 v3, v61;
	v3 =	vmul.f32 v11, v35;
	v11 =	vld [tilespmem:s28+$0x20];
	v2 =	vsub.f32 v46, v37  }
0x142: {  	v57 =	vmul.f32 v1, v55;
	v5 =	vsub.f32 v7, v61;
	v7 =	vmul.f32 v9, v55  }
0x143: {  	v54 =	vld [tilespmem:s28+$0xFFFFFF20];
	v50 =	vmul.f32 v13, v55;
	v46 =	vmul.f32 v2, v35;
	v1 =	vsub.f32 v10, v59  }
0x144: {  	v51 =	vld [tilespmem:s28+$0xB0];
	v63 =	vsub.f32 v48, v59;
	[tilespmem:s28+$0x90] =	vst v6;
	v5 =	vmul.f32 v5, v55;
	v6 =	vmul.f32 v7, v17  }
0x145: {  	v2 =	vld [tilespmem:s28+$0xD0];
	v9 =	vsub.f32 v62, v61;
	v7 =	vmul.f32 v8, v35;
	v8 =	vmul.f32 v1, v39  }
0x146: {  	v52 =	vsub.f32 v12, v59;
	v59 =	vsub.f32 v11, v59;
	v48 =	vmul.f32 v5, v23;
	v5 =	vld [tilespmem:s28+$0xFFFFFF90]  }
0x147: {  	s11 =	simm.s32 $0x19C66;
	s12 =	simm.s32 $0x4780;
	s10 =	simm.s32 $0x0;
	v60 =	vmul.f32 v9, v55;
	v1 =	vadd.f32 v6, v25;
	v8 =	vmul.f32 v8, v24;
	v6 =	vld [tilespmem:s28+$0xA0]  }
.LBB2_26:
0x148: {  	v62 =	vld [tilespmem:s11+$0x11];
	s10 =	sadd.s32 $0x4, s10;
	v9 =	vsub.f32 v54, v61;
	v7 =	vmul.f32 v7, v20;
	v10 =	vmul.f32 v52, v39;
	s9 =	sadd.s32 $0x44, s9  }
0x149: {  	v11 =	vmul.f32 v53, v20;
	v12 =	vmul.f32 v63, v39;
	v54 =	vld [tilespmem:s12+$0xFFFFFF10];
	p0 =	slt.u32 s10, $0x7C;
	v8 =	vadd.f32 v8, v32  }
0x14a: {  	v4 =	vmul.f32 v4, v22;
	v52 =	vld [tilespmem:s12+$0xFFFFFF30];
	v7 =	vadd.f32 v7, v28;
	v13 =	vsub.f32 v51, v40  }
0x14b: {  	v61 =	vmul.f32 v57, v21;
	v11 =	vadd.f32 v11, v28;
	v53 =	vld [tilespmem:s12+$0xFFFFFF40];
	v5 =	vsub.f32 v5, v37;
	[tilespmem:s28+$0x70] =	vst v8  }
0x14c: {  	v8 =	vmul.f32 v9, v55;
	v51 =	vld [tilespmem:s12+$0xFFFFFF50];
	[tilespmem:s28+$0xFFFFFFB0] =	vst v7;
	v6 =	vsub.f32 v6, v40;
	v7 =	vmul.f32 v13, v38  }
0x14d: {  	v3 =	vmul.f32 v3, v23;
	v9 =	vadd.f32 v61, v29;
	v57 =	vld [tilespmem:s12+$0xFFFFFF70];
	[tilespmem:s28+$0xFFFFFF30] =	vst v11;
	v5 =	vmul.f32 v5, v35  }
0x14e: {  	v4 =	vadd.f32 v4, v30;
	v8 =	vmul.f32 v8, v19;
	v11 =	vmul.f32 v56, v22;
	v37 =	vld [tilespmem:s11+$0xFFFFFFEF]  }
0x14f: {  	v3 =	vadd.f32 v3, v31;
	v55 =	vmul.f32 v58, v18;
	v6 =	vmul.f32 v6, v38;
	v13 =	vld [tilespmem:s12+$0xE0];
	[tilespmem:s28+$0xFFFFFF40] =	vst v9  }
0x150: {  	v8 =	vadd.f32 v8, v27;
	v5 =	vmul.f32 v5, v18;
	v9 =	vld [tilespmem:s12+$0xFFFFFF80];
	[tilespmem:s28+$0xFFFFFFD0] =	vst v4;
	v4 =	vmul.f32 v7, v20  }
0x151: {  	v2 =	vsub.f32 v2, v40;
	v58 =	vmul.f32 v60, v22;
	v7 =	vld [tilespmem:s12+$0xF0];
	[tilespmem:s28+$0xFFFFFFE0] =	vst v3;
	v3 =	vmul.f32 v6, v19  }
0x152: {  	v5 =	vadd.f32 v5, v26;
	v6 =	vadd.f32 v11, v30;
	v56 =	vld [tilespmem:s12+$0xFFFFFFB0];
	[tilespmem:s28+$0xFFFFFF20] =	vst v8;
	v8 =	vmul.f32 v12, v23  }
0x153: {  	v2 =	vmul.f32 v2, v38;
	v11 =	vld [tilespmem:s12+$0xFFFFFFA0];
	[tilespmem:s28+$0xFFFFFF00] =	vst v1;
	v1 =	vmul.f32 v10, v20;
	v3 =	vadd.f32 v3, v27  }
0x154: {  	v4 =	vadd.f32 v4, v28;
	v10 =	vld [tilespmem:s12+$0xFFFFFFD0];
	[tilespmem:s28+$0xFFFFFF90] =	vst v5;
	v5 =	vmul.f32 v49, v21;
	v8 =	vadd.f32 v8, v31  }
0x155: {  	v39 =	vmul.f32 v59, v39;
	v2 =	vmul.f32 v2, v22;
	v12 =	vld [tilespmem:s12+$0xFFFFFFE0];
	v1 =	vadd.f32 v1, v28;
	[tilespmem:s28+$0xA0] =	vst v3  }
0x156: {  	v40 =	vmul.f32 v47, v17;
	v58 =	vadd.f32 v58, v30;
	v49 =	vadd.f32 v55, v26;
	v3 =	vld [tilespmem:s12+$0xC0];
	[tilespmem:s28+$0xB0] =	vst v4  }
0x157: {  	v39 =	vmul.f32 v39, v19;
	v2 =	vadd.f32 v2, v30;
	v5 =	vadd.f32 v5, v29;
	v4 =	vld [tilespmem:s12+$0x80];
	[tilespmem:s28+$0x60] =	vst v8  }
0x158: {  	v45 =	vmul.f32 v45, v24;
	v8 =	vld [tilespmem:s12+$0x90];
	[tilespmem:s28+$0x30] =	vst v1;
	v1 =	vadd.f32 v42, v29;
	v42 =	vadd.f32 v44, v31  }
0x159: {  	v41 =	vmul.f32 v41, v17;
	v47 =	vadd.f32 v39, v27;
	v13 =	vsub.f32 v13, v62;
	v44 =	vld [tilespmem:s12+$0xFFFFFFF0];
	[tilespmem:s28+$0xD0] =	vst v2  }
0x15a: {  	v43 =	vadd.f32 v43, v26;
	v2 =	vsub.f32 v7, v62;
	v7 =	vmul.f32 v34, v35;
	v59 =	vld [tilespmem:s11+$0x0];
	[tilespmem:s28+$0xE0] =	vst v42  }
0x15b: {  	v39 =	vadd.f32 v45, v32;
	v35 =	vadd.f32 v40, v25;
	v40 =	vmul.f32 v36, v38;
	v42 =	vld [tilespmem:s12+$0x0];
	[tilespmem:s28+$0xC0] =	vst v1  }
0x15c: {  	v41 =	vadd.f32 v41, v25;
	v3 =	vsub.f32 v3, v62;
	v7 =	vmul.f32 v7, v19;
	v1 =	vld [tilespmem:s9+$0x11];
	[tilespmem:s28+$0x50] =	vst v6  }
0x15d: {  	v34 =	vsub.f32 v11, v37;
	v11 =	vmul.f32 v50, v24;
	v6 =	vld [tilespmem:s12+$0x10];
	v8 =	vsub.f32 v8, v62;
	[tilespmem:s28+$0xFFFFFF80] =	vst v35  }
0x15e: {  	v36 =	vsub.f32 v4, v62;
	v4 =	vadd.f32 v7, v27;
	v35 =	vld [tilespmem:s9+$0xFFFFFFEF];
	[tilespmem:s28+$0x40] =	vst v5;
	v5 =	vmul.f32 v40, v17  }
0x15f: {  	v7 =	vadd.f32 v11, v32;
	v11 =	vmul.f32 v33, v38;
	v33 =	vmovc v2;
	v40 =	vmov v62;
	v14 =	vld [tilespmem:s12+$0x20];
	[tilespmem:s28+$0xFFFFFFF0] =	vst v39  }
0x160: {  	v38 =	vmul.f32 v46, v21;
	v39 =	vld [tilespmem:s9+$0x0];
	v2 =	vsub.f32 v42, v59;
	[tilespmem:s28+$0xFFFFFF10] =	vst v49;
	v5 =	vadd.f32 v5, v25  }
0x161: {  	v48 =	vadd.f32 v48, v31;
	v46 =	vld [tilespmem:s12+$0x40];
	v8 =	vmul.f32 v8, v1;
	v3 =	vmul.f32 v3, v1;
	[tilespmem:s28+$0x20] =	vst v47  }
0x162: {  	v11 =	vmul.f32 v11, v24;
	v13 =	vmul.f32 v13, v1;
	v6 =	vsub.f32 v6, v59;
	v49 =	vld [tilespmem:s12+$0x50];
	[tilespmem:s28+$0x0] =	vst v41  }
0x163: {  	v9 =	vsub.f32 v9, v37;
	v38 =	vadd.f32 v38, v29;
	v50 =	vld [tilespmem:s12+$0x60];
	v8 =	vmul.f32 v8, v18;
	[tilespmem:s28+$0x80] =	vst v5  }
0x164: {  	v5 =	vsub.f32 v44, v37;
	v42 =	vmul.f32 v3, v21;
	v3 =	vadd.f32 v11, v32;
	v55 =	vld [tilespmem:s9+$0xFFFFFFDE];
	[tilespmem:s28+$0xFFFFFFA0] =	vst v4  }
0x165: {  	v47 =	vmul.f32 v9, v35;
	v44 =	vmul.f32 v13, v23;
	v61 =	vld [tilespmem:s11+$0xFFFFFFDE];
	v8 =	vadd.f32 v8, v26;
	[tilespmem:s28+$0xFFFFFF50] =	vst v58  }
0x166: {  	v45 =	vmul.f32 v5, v35;
	v41 =	vmul.f32 v2, v39;
	v9 =	vld [tilespmem:s12+$0xFFFFFF00];
	v2 =	vsub.f32 v46, v59;
	[tilespmem:s28+$0xFFFFFF70] =	vst v7  }
0x167: {  	v4 =	vsub.f32 v10, v37;
	v6 =	vmul.f32 v6, v39;
	v5 =	vld [tilespmem:s12+$0xFFFFFF60];
	v7 =	vsub.f32 v49, v59;
	[tilespmem:s28+$0xF0] =	vst v3  }
0x168: {  	v3 =	vsub.f32 v12, v37;
	v10 =	vld [tilespmem:s12+$0xFFFFFFC0];
	v49 =	vmul.f32 v2, v39;
	v63 =	vsub.f32 v50, v59;
	[tilespmem:s28+$0x10] =	vst v43  }
0x169: {  	v11 =	vsub.f32 v56, v37;
	v4 =	vmul.f32 v4, v35;
	v56 =	vmul.f32 v7, v39;
	v2 =	vld [tilespmem:s12+$0x70];
	[tilespmem:s28+$0xFFFFFF60] =	vst v48  }
0x16a: {  	v43 =	vmul.f32 v6, v18;
	v7 =	vsub.f32 v54, v61;
	v12 =	vsub.f32 v57, v61;
	v6 =	vld [tilespmem:s12+$0x30];
	[tilespmem:s28+$0xFFFFFFC0] =	vst v38;
	s28 =	smov.u32 s12  }
0x16b: {  	v3 =	vmul.f32 v3, v35;
	v13 =	vsub.f32 v52, v61;
	v9 =	vsub.f32 v9, v61;
	[tilespmem:s12+$0x90] =	vst v8  }
0x16c: {  	v38 =	vmovc v1;
	v58 =	vmul.f32 v7, v55;
	v7 =	vsub.f32 v53, v61;
	v5 =	vsub.f32 v5, v61  }
0x16d: {  	v53 =	vmul.f32 v13, v55;
	v1 =	vmul.f32 v9, v55;
	v8 =	vsub.f32 v10, v37  }
.Ltmp11:
0x16e: {  	v54 =	vld [tilespmem:s12+$0xFFFFFF20];
	v57 =	vmul.f32 v7, v55;
	v5 =	vmul.f32 v5, v55;
	v9 =	vsub.f32 v2, v59;
	(pc) =	sbr.rel @p0 .LBB2_26-.Ltmp11, $4  }
0x16f: {  	v1 =	vmul.f32 v1, v17;
	v46 =	vmul.f32 v8, v35;
	v52 =	vsub.f32 v6, v59;
	v2 =	vld [tilespmem:s12+$0xD0]  }
0x170: {  	v7 =	vmul.f32 v11, v35;
	v6 =	vsub.f32 v51, v61;
	v8 =	vmul.f32 v9, v39;
	v51 =	vld [tilespmem:s12+$0xB0]  }
0x171: {  	v50 =	vmul.f32 v12, v55;
	v48 =	vmul.f32 v5, v23;
	v1 =	vadd.f32 v1, v25;
	v5 =	vld [tilespmem:s12+$0xFFFFFF90]  }
0x172: {  	s11 =	sadd.s32 $0x44, s11;
	v59 =	vsub.f32 v14, v59;
	v60 =	vmul.f32 v6, v55;
	s12 =	sadd.s32 $0x200, s12;
	v8 =	vmul.f32 v8, v24;
	v6 =	vld [tilespmem:s28+$0xA0]  }
0x173: {  	v7 =	vmul.f32 v7, v20  }
0x174: {  	v9 =	vsub.f32 v54, v61;
	v10 =	vmul.f32 v53, v20;
	v53 =	vadd.f32 v42, v29  }
0x175: {  	v12 =	vmul.f32 v57, v21;
	[tilespmem:s28+$0xFFFFFF00] =	vst v1;
	v8 =	vadd.f32 v8, v32;
	v2 =	vsub.f32 v2, v40  }
0x176: {  	v4 =	vmul.f32 v4, v22;
	v7 =	vadd.f32 v7, v28;
	v11 =	vsub.f32 v51, v40;
	[tilespmem:s28+$0xC0] =	vst v53  }
0x177: {  	v3 =	vmul.f32 v3, v23;
	v10 =	vadd.f32 v10, v28;
	v61 =	vadd.f32 v12, v29;
	[tilespmem:s28+$0x70] =	vst v8  }
0x178: {  	v57 =	vmul.f32 v9, v55;
	v4 =	vadd.f32 v4, v30;
	[tilespmem:s28+$0xFFFFFFB0] =	vst v7;
	v6 =	vsub.f32 v6, v40  }
0x179: {  	v55 =	vmul.f32 v58, v18;
	v5 =	vsub.f32 v5, v37;
	v37 =	vmul.f32 v63, v39;
	[tilespmem:s28+$0xFFFFFF30] =	vst v10  }
0x17a: {  	v3 =	vadd.f32 v3, v31;
	v8 =	vmul.f32 v57, v19;
	[tilespmem:s28+$0xFFFFFF40] =	vst v61;
	v6 =	vmul.f32 v6, v38  }
0x17b: {  	v62 =	vmul.f32 v11, v38;
	[tilespmem:s28+$0xFFFFFFD0] =	vst v4;
	v57 =	vadd.f32 v55, v26;
	v4 =	vmul.f32 v37, v23  }
0x17c: {  	[tilespmem:s28+$0xFFFFFFE0] =	vst v3;
	v5 =	vmul.f32 v5, v35;
	v8 =	vadd.f32 v8, v27;
	v3 =	vmul.f32 v6, v19  }
0x17d: {  	v40 =	vmul.f32 v52, v39;
	v7 =	vmul.f32 v62, v20;
	[tilespmem:s28+$0xFFFFFF10] =	vst v57;
	v4 =	vadd.f32 v4, v31  }
0x17e: {  	v2 =	vmul.f32 v2, v38;
	v5 =	vmul.f32 v5, v18;
	[tilespmem:s28+$0xFFFFFF20] =	vst v8;
	v1 =	vadd.f32 v3, v27  }
0x17f: {  	v51 =	vadd.f32 v7, v28;
	[tilespmem:s28+$0x60] =	vst v4;
	v3 =	vmul.f32 v40, v20  }
0x180: {  	v5 =	vadd.f32 v5, v26;
	[tilespmem:s28+$0xA0] =	vst v1;
	v1 =	vmul.f32 v2, v22  }
0x181: {  	[tilespmem:s28+$0xB0] =	vst v51;
	v2 =	vadd.f32 v3, v28  }
0x182: {  	v52 =	vmul.f32 v47, v17;
	[tilespmem:s28+$0xFFFFFF90] =	vst v5;
	v1 =	vadd.f32 v1, v30  }
0x183: {  	v3 =	vmul.f32 v56, v22;
	[tilespmem:s28+$0x30] =	vst v2;
	v2 =	vadd.f32 v44, v31  }
0x184: {  	v58 =	vmul.f32 v41, v17;
	v4 =	vadd.f32 v52, v25;
	[tilespmem:s28+$0xD0] =	vst v1  }
0x185: {  	v1 =	vadd.f32 v3, v30;
	v3 =	vmul.f32 v49, v21;
	[tilespmem:s28+$0xE0] =	vst v2;
	v2 =	vmul.f32 v59, v39  }
0x186: {  	v54 =	vmul.f32 v45, v24;
	[tilespmem:s28+$0xFFFFFF80] =	vst v4;
	v5 =	vadd.f32 v58, v25  }
0x187: {  	v56 =	vmul.f32 v36, v38;
	v3 =	vadd.f32 v3, v29;
	[tilespmem:s28+$0x50] =	vst v1;
	v1 =	vmul.f32 v2, v19  }
0x188: {  	v60 =	vmul.f32 v60, v22;
	[tilespmem:s28+$0x0] =	vst v5;
	v59 =	vmul.f32 v34, v35;
	v2 =	vadd.f32 v54, v32  }
0x189: {  	[tilespmem:s28+$0x40] =	vst v3;
	v1 =	vadd.f32 v1, v27;
	v3 =	vmul.f32 v56, v17  }
0x18a: {  	v61 =	vmul.f32 v33, v38;
	v4 =	vadd.f32 v60, v30;
	[tilespmem:s28+$0xFFFFFFF0] =	vst v2;
	v2 =	vmul.f32 v59, v19  }
0x18b: {  	v3 =	vadd.f32 v3, v25;
	[tilespmem:s28+$0x20] =	vst v1;
	v1 =	vmul.f32 v50, v24  }
0x18c: {  	v62 =	vmul.f32 v61, v24;
	[tilespmem:s28+$0xFFFFFF50] =	vst v4;
	v2 =	vadd.f32 v2, v27  }
0x18d: {  	[tilespmem:s28+$0x80] =	vst v3;
	v1 =	vadd.f32 v1, v32  }
0x18e: {  	[tilespmem:s28+$0xFFFFFFA0] =	vst v2;
	v2 =	vadd.f32 v62, v32  }
0x18f: {  	v63 =	vmul.f32 v46, v21;
	v3 =	vadd.f32 v43, v26;
	[tilespmem:s28+$0xFFFFFF70] =	vst v1  }
.Ltmp12:
0x190: {  	v1 =	vadd.f32 v48, v31;
	[tilespmem:s28+$0xF0] =	vst v2;
	(pc) =	sbr.rel .LBB2_39-.Ltmp12, $4  }
0x191: {  	v2 =	vadd.f32 v63, v29;
	[tilespmem:s28+$0x10] =	vst v3  }
0x192: {  	[tilespmem:s28+$0xFFFFFF60] =	vst v1  }
0x193: {  	[tilespmem:s28+$0xFFFFFFC0] =	vst v2  }
0x194: {  	s9 =	simm.s32 $0x4480;
	v14 =	vld [tilespmem:$0x1FFA0]  }
.LBB2_28:
0x195: {  	p0 =	seq.s32 s22, $0x31  }
.Ltmp13:
0x196: {  	_ = 	snop;
	(pc) =	sbr.rel @p0 .LBB2_32-.Ltmp13, $4  }
0x197: {  	_ = 	snop  }
0x198: {  	_ =	swait.ge [sflag:s29], $0x4000  }
0x199: {  	[sflag:s29] =	ssyncset.done $0x0  }
0x19a: {  	[sflag:s29] =	ssyncadd.s32 $0xFFFFC000  }
0x19b: {  	_ =	swait.ge [sflag:s24], $0x80  }
0x19c: {  	[sflag:s24] =	ssyncset.done $0x0  }
0x19d: {  	[sflag:s24] =	ssyncadd.s32 $0xFFFFFF80  }
0x19e: {  	v1 =	vor.u32 s18, v0;
	_ =	swait.ge [sflag:s24], $0x80  }
0x19f: {  	v2 =	vmulhi.u32 $0x51EB851F, v1;
	[sflag:s24] =	ssyncset.done $0x0  }
0x1a0: {  	s10 =	simm.s32 $0x0;
	[sflag:s24] =	ssyncadd.s32 $0xFFFFFF80  }
0x1a1: {  	v3 =	vshrl.u32 v2, $0x6;
	v2 =	vld [tilespmem:s10+$0x180]  }
0x1a2: {  	v3 =	vmul.u32 $0xC8, v3  }
0x1a3: {  	s9 =	sshll.u32 s22, $0x7;
	s11 =	simm.s32 $0x40;
	s12 =	sadd.s32 $0x10, s18  }
.LBB2_30:
0x1a4: {  	p0 =	sne.s32 s11, $0x1C0;
	v3 =	vsub.s32 v1, v3;
	v1 =	vor.u32 s12, v0;
	s28 =	smov.u32 s11;
	s11 =	sadd.s32 $0x40, s11  }
.Ltmp14:
0x1a5: {  	v4 =	vmulhi.u32 $0x51EB851F, v1;
	v3 =	vshll.u32 v3, $0x1;
	(pc) =	sbr.rel @p0 .LBB2_30-.Ltmp14, $4  }
0x1a6: {  	s28 =	sshra.s32 s28, $0x2;
	v3 =	vadd.s32 v3, v2  }
0x1a7: {  	v2 =	vld [tilespmem:s28+$0x180];
	v4 =	vshrl.u32 v4, $0x6;
	v5 =	vmul.u32 $0x89, v3  }
0x1a8: {  	v3 =	vmul.u32 $0xC8, v4  }
0x1a9: {  	s12 =	sadd.s32 $0x10, s12;
	[tilespmem:s10+$0x300] =	vst v5;
	s10 =	smov.u32 s28  }
0x1aa: {  	v1 =	vsub.s32 v1, v3  }
0x1ab: {  	v1 =	vshll.u32 v1, $0x1  }
0x1ac: {  	v1 =	vadd.s32 v1, v2  }
0x1ad: {  	p0 =	sgt.u32 s22, $0x2F;
	v1 =	vmul.u32 $0x89, v1  }
0x1ae: {  	s9 =	sadd.s32 @!p0 s9, s14  }
0x1af: {  	s9 =	sshrl.u32 @!p0 s9, $0x3;
	[tilespmem:s10+$0x300] =	vst v1  }
0x1b0: {  	[tilespmem:s26], [sflag:$0x1] =	stream.indirect.gather [hbm4b:s1+s25], $0x80, s6, s25, $0xb8;
	[tilespmem:$0x1AD00] =	vst v63  }
0x1b1: {  	s11 =	simm.s32 @!p0 $0x0;
	s12 =	simm.s32 @!p0 $0x80;
	s10 =	sadd.s32 @!p0 s7, s9  }
0x1b2: {  	[tilespmem:s12], [sflag:$0x3] =	stream.linear.gather @!p0 [hbm4b:s10+s11], $0x80, $0x38;
	[tilespmem:$0x1AD00] =	vst v63  }
0x1b3: {  	s9 =	sadd.s32 @!p0 s8, s9;
	s10 =	simm.s32 @!p0 $0x200  }
0x1b4: {  	[tilespmem:s10], [sflag:$0x3] =	stream.linear.gather @!p0 [hbm4b:s9+s11], $0x80, $0x38;
	[tilespmem:$0x1AD00] =	vst v63  }
.LBB2_32:
0x1b5: {  	_ =	swait.ge [sflag:s30], $0x4000  }
0x1b6: {  	[sflag:s30] =	ssyncset.done $0x0  }
0x1b7: {  	s28 =	simm.s32 $0x0;
	[sflag:s30] =	ssyncadd.s32 $0xFFFFC000  }
.LBB2_33:
0x1b8: {  	s9 =	sshll.u32 s28, $0x4;
	v1 =	vlaneseq.u32  }
0x1b9: {  	v2 =	vmov s9;
	v3 =	vmul.u32 $0x80, v1  }
0x1ba: {  	v33 =	vld [tilespmem:s9+$0x400];
	v2 =	vshll.u32 v2, $0x7  }
0x1bb: {  	v6 =	vadd.s32 $0x2, v1;
	v35 =	vor.u32 v3, v2  }
0x1bc: {  	v6 =	vand.u32 $0x7F, v6;
	v2 =	vadd.s32 $0x1, v1;
	v3 =	vor.u32 v35, v1  }
0x1bd: {  	v2 =	vand.u32 $0x7F, v2;
	v8 =	vor.u32 v35, v6  }
0x1be: {  	v5 =	vor.u32 v35, v2  }
0x1bf: {  	v4 =	vadd.s32 v33, v1  }
0x1c0: {  	v7 =	vadd.s32 $0x3, v1;
	v2 =	vadd.s32 v33, v2  }
0x1c1: {  	v7 =	vand.u32 $0x7F, v7;
	v6 =	vadd.s32 v33, v6;
	v9 =	vld.idx.msk [tilespmem:v3+s31+$0x0], $0xffff  }
0x1c2: {  	v11 =	vadd.s32 v33, v7;
	v14 =	vld.idx.msk [tilespmem:v8+s31+$0x0], $0xffff  }
0x1c3: {  	v7 =	vor.u32 v35, v7;
	v12 =	vld.idx.msk [tilespmem:v5+s31+$0x0], $0xffff  }
0x1c4: {  	v4 =	vld.idx.msk [tilespmem:v4+s19+$0x0], $0xffff  }
0x1c5: {  	v2 =	vld.idx.msk [tilespmem:v2+s19+$0x0], $0xffff  }
0x1c6: {  	v10 =	vadd.s32 $0x4, v1;
	v6 =	vld.idx.msk [tilespmem:v6+s19+$0x0], $0xffff  }
0x1c7: {  	v10 =	vand.u32 $0x7F, v10;
	v11 =	vld.idx.msk [tilespmem:v11+s19+$0x0], $0xffff  }
0x1c8: {  	v34 =	vadd.s32 $0x5, v1;
	v13 =	vor.u32 v35, v10;
	v41 =	vld.idx.msk [tilespmem:v7+s31+$0x0], $0xffff  }
0x1c9: {  	v38 =	vadd.s32 $0x8, v1;
	v37 =	vand.u32 $0x7F, v34;
	v10 =	vadd.s32 v33, v10  }
0x1ca: {  	v36 =	vimm.f32 $0.0e+00;
	v42 =	vand.u32 $0x7F, v38;
	v34 =	vor.u32 v35, v37  }
0x1cb: {  	v50 =	vadd.s32 v33, v37;
	v4 =	vadd.f32 v4, v9;
	v2 =	vadd.f32 v2, v12  }
0x1cc: {  	v12 =	vadd.s32 $0x6, v1;
	v1 =	vadd.s32 $0x7, v1;
	v6 =	vadd.f32 v6, v14  }
0x1cd: {  	v40 =	vld.idx.msk [tilespmem:v13+s31+$0x0], $0xffff;
	v11 =	vadd.f32 v11, v41;
	v41 =	vadd.s32 v33, v42;
	v12 =	vand.u32 $0x7F, v12  }
0x1ce: {  	v10 =	vld.idx.msk [tilespmem:v10+s19+$0x0], $0xffff;
	v1 =	vand.u32 $0x7F, v1;
	v51 =	vmul.f32 v4, v4;
	v39 =	vmul.f32 v2, v2  }
0x1cf: {  	v44 =	vadd.s32 v33, v12;
	v37 =	vor.u32 v35, v12;
	v12 =	vadd.s32 v33, v1  }
0x1d0: {  	v49 =	vadd.s32 $0x3, v42;
	v43 =	vmul.f32 v6, v6;
	[tilespmem:v5+s31+$0x0] =	vst.idx.msk $0xffff, v2;
	v14 =	vadd.f32 v51, v36  }
0x1d1: {  	[tilespmem:v3+s31+$0x0] =	vst.idx.msk $0xffff, v4;
	v3 =	vadd.s32 $0x1, v42;
	v5 =	vadd.s32 $0x2, v42;
	v36 =	vadd.f32 v4, v36  }
0x1d2: {  	v9 =	vld.idx.msk [tilespmem:v50+s19+$0x0], $0xffff;
	[tilespmem:v7+s31+$0x0] =	vst.idx.msk $0xffff, v11;
	v3 =	vand.u32 $0x7F, v3;
	v7 =	vand.u32 $0x7F, v5;
	v14 =	vadd.f32 v39, v14  }
0x1d3: {  	v39 =	vor.u32 v35, v1;
	v1 =	vadd.f32 v2, v36;
	v2 =	vadd.f32 v10, v40;
	v10 =	vld.idx.msk [tilespmem:v34+s31+$0x0], $0xffff  }
0x1d4: {  	v46 =	vadd.s32 v33, v3;
	v38 =	vor.u32 v35, v7;
	v36 =	vor.u32 v35, v42;
	v4 =	vld.idx.msk [tilespmem:v44+s19+$0x0], $0xffff  }
0x1d5: {  	v45 =	vadd.s32 v33, v7;
	v40 =	vor.u32 v35, v3;
	v47 =	vld.idx.msk [tilespmem:v37+s31+$0x0], $0xffff;
	v1 =	vadd.f32 v6, v1  }
0x1d6: {  	v48 =	vld.idx.msk [tilespmem:v12+s19+$0x0], $0xffff;
	v14 =	vadd.f32 v43, v14;
	[tilespmem:v13+s31+$0x0] =	vst.idx.msk $0xffff, v2;
	v13 =	vmul.f32 v11, v11  }
0x1d7: {  	[tilespmem:v8+s31+$0x0] =	vst.idx.msk $0xffff, v6;
	v43 =	vadd.s32 $0x8, v42;
	v51 =	vadd.f32 v11, v1;
	v1 =	vand.u32 $0x7F, v49;
	v49 =	vld.idx.msk [tilespmem:v41+s19+$0x0], $0xffff  }
0x1d8: {  	v5 =	vmul.f32 v2, v2;
	v6 =	vadd.s32 $0x4, v42;
	v7 =	vadd.f32 v13, v14;
	v3 =	vld.idx.msk [tilespmem:v39+s31+$0x0], $0xffff  }
0x1d9: {  	s9 =	simm.s32 $0x8;
	v44 =	vld.idx.msk [tilespmem:v36+s31+$0x0], $0xffff;
	v41 =	vor.u32 v35, v1;
	v50 =	vadd.s32 v33, v1;
	v1 =	vadd.f32 v9, v10  }
.LBB2_34:
0x1da: {  	s9 =	sadd.s32 $0x8, s9;
	v8 =	vld.idx.msk [tilespmem:v40+s31+$0x0], $0xffff;
	v6 =	vand.u32 $0x7F, v6;
	v5 =	vadd.f32 v5, v7;
	v4 =	vadd.f32 v4, v47  }
0x1db: {  	p0 =	slt.u32 s9, $0x78;
	v7 =	vld.idx.msk [tilespmem:v46+s19+$0x0], $0xffff;
	v9 =	vor.u32 v35, v6;
	v6 =	vadd.s32 v33, v6;
	[tilespmem:v34+s31+$0x0] =	vst.idx.msk $0xffff, v1  }
0x1dc: {  	v11 =	vadd.s32 $0x5, v42;
	v2 =	vadd.f32 v2, v51;
	v12 =	vmul.f32 v1, v1;
	v10 =	vld.idx.msk [tilespmem:v38+s31+$0x0], $0xffff  }
0x1dd: {  	v11 =	vand.u32 $0x7F, v11;
	v14 =	vmul.f32 v4, v4;
	v3 =	vadd.f32 v48, v3;
	v13 =	vld.idx.msk [tilespmem:v45+s19+$0x0], $0xffff  }
0x1de: {  	v34 =	vor.u32 v35, v11;
	v11 =	vadd.s32 v33, v11;
	v5 =	vadd.f32 v12, v5;
	v45 =	vld.idx.msk [tilespmem:v50+s19+$0x0], $0xffff  }
0x1df: {  	v1 =	vadd.f32 v1, v2;
	v12 =	vadd.f32 v49, v44;
	v2 =	vmul.f32 v3, v3;
	v44 =	vld.idx.msk [tilespmem:v41+s31+$0x0], $0xffff  }
0x1e0: {  	v47 =	vadd.s32 $0x6, v42;
	v42 =	vadd.s32 $0x7, v42;
	v5 =	vadd.f32 v14, v5;
	v46 =	vld.idx.msk [tilespmem:v9+s31+$0x0], $0xffff;
	[tilespmem:v39+s31+$0x0] =	vst.idx.msk $0xffff, v3  }
0x1e1: {  	v1 =	vadd.f32 v4, v1;
	v14 =	vmul.f32 v12, v12;
	v7 =	vadd.f32 v7, v8;
	v6 =	vld.idx.msk [tilespmem:v6+s19+$0x0], $0xffff  }
0x1e2: {  	v8 =	vand.u32 $0x7F, v47;
	v39 =	vand.u32 $0x7F, v42;
	v2 =	vadd.f32 v2, v5;
	[tilespmem:v37+s31+$0x0] =	vst.idx.msk $0xffff, v4  }
0x1e3: {  	v1 =	vadd.f32 v3, v1;
	v4 =	vmul.f32 v7, v7;
	v5 =	vadd.f32 v13, v10;
	v10 =	vld.idx.msk [tilespmem:v34+s31+$0x0], $0xffff  }
0x1e4: {  	v3 =	vadd.s32 v33, v8;
	v2 =	vadd.f32 v14, v2;
	[tilespmem:v40+s31+$0x0] =	vst.idx.msk $0xffff, v7;
	v11 =	vld.idx.msk [tilespmem:v11+s19+$0x0], $0xffff  }
0x1e5: {  	v1 =	vadd.f32 v12, v1;
	v37 =	vor.u32 v35, v8;
	v8 =	vadd.s32 v33, v39  }
0x1e6: {  	v39 =	vor.u32 v35, v39;
	v13 =	vmul.f32 v5, v5;
	v4 =	vadd.f32 v4, v2  }
0x1e7: {  	v42 =	vand.u32 $0x7F, v43;
	v1 =	vadd.f32 v7, v1;
	v2 =	vadd.f32 v6, v46;
	[tilespmem:v36+s31+$0x0] =	vst.idx.msk $0xffff, v12  }
0x1e8: {  	v6 =	vadd.f32 v45, v44;
	v36 =	vor.u32 v35, v42;
	v7 =	vadd.f32 v13, v4  }
0x1e9: {  	v43 =	vadd.s32 $0x8, v42;
	v12 =	vadd.s32 v33, v42;
	v13 =	vadd.s32 $0x1, v42;
	[tilespmem:v9+s31+$0x0] =	vst.idx.msk $0xffff, v2;
	v4 =	vld.idx.msk [tilespmem:v3+s19+$0x0], $0xffff  }
0x1ea: {  	v3 =	vand.u32 $0x7F, v13;
	v9 =	vadd.s32 $0x2, v42;
	v13 =	vmul.f32 v6, v6;
	[tilespmem:v41+s31+$0x0] =	vst.idx.msk $0xffff, v6;
	v47 =	vld.idx.msk [tilespmem:v37+s31+$0x0], $0xffff  }
.Ltmp15:
0x1eb: {  	v1 =	vadd.f32 v5, v1;
	v40 =	vor.u32 v35, v3;
	v46 =	vadd.s32 v33, v3;
	v3 =	vld.idx.msk [tilespmem:v39+s31+$0x0], $0xffff;
	(pc) =	sbr.rel @p0 .LBB2_34-.Ltmp15, $4  }
0x1ec: {  	v14 =	vadd.s32 $0x3, v42;
	v9 =	vand.u32 $0x7F, v9;
	[tilespmem:v38+s31+$0x0] =	vst.idx.msk $0xffff, v5;
	v5 =	vmul.f32 v2, v2  }
0x1ed: {  	v51 =	vadd.f32 v6, v1;
	v45 =	vadd.s32 v33, v9;
	v38 =	vor.u32 v35, v9;
	v48 =	vld.idx.msk [tilespmem:v8+s19+$0x0], $0xffff  }
0x1ee: {  	v1 =	vand.u32 $0x7F, v14;
	v6 =	vadd.s32 $0x4, v42;
	v7 =	vadd.f32 v13, v7;
	v44 =	vld.idx.msk [tilespmem:v36+s31+$0x0], $0xffff  }
0x1ef: {  	v50 =	vadd.s32 v33, v1;
	v41 =	vor.u32 v35, v1;
	v1 =	vadd.f32 v11, v10;
	v49 =	vld.idx.msk [tilespmem:v12+s19+$0x0], $0xffff  }
0x1f0: {  	_ =	sdelay $0x2  }
0x1f1: {  	v6 =	vand.u32 $0x7F, v6;
	v5 =	vadd.f32 v5, v7  }
0x1f2: {  	v7 =	vld.idx.msk [tilespmem:v40+s31+$0x0], $0xffff;
	v4 =	vadd.f32 v4, v47;
	v10 =	vadd.s32 $0x5, v42;
	v2 =	vadd.f32 v2, v51  }
0x1f3: {  	v9 =	vld.idx.msk [tilespmem:v46+s19+$0x0], $0xffff;
	v51 =	vadd.s32 $0x6, v42;
	v8 =	vor.u32 v35, v6;
	v11 =	vmul.f32 v1, v1  }
0x1f4: {  	v6 =	vadd.s32 v33, v6;
	v10 =	vand.u32 $0x7F, v10;
	v3 =	vadd.f32 v48, v3  }
0x1f5: {  	v12 =	vmul.f32 v4, v4;
	v2 =	vadd.f32 v1, v2;
	v5 =	vadd.f32 v11, v5  }
0x1f6: {  	v13 =	vld.idx.msk [tilespmem:v38+s31+$0x0], $0xffff;
	v14 =	vor.u32 v35, v10;
	v10 =	vadd.s32 v33, v10;
	v43 =	vadd.f32 v49, v44  }
0x1f7: {  	v11 =	vld.idx.msk [tilespmem:v45+s19+$0x0], $0xffff;
	v49 =	vmul.f32 v3, v3;
	v2 =	vadd.f32 v4, v2;
	v5 =	vadd.f32 v12, v5  }
0x1f8: {  	v42 =	vadd.s32 $0x7, v42;
	v48 =	vand.u32 $0x7F, v51;
	v45 =	vld.idx.msk [tilespmem:v41+s31+$0x0], $0xffff;
	v7 =	vadd.f32 v9, v7  }
0x1f9: {  	v12 =	vld.idx.msk [tilespmem:v50+s19+$0x0], $0xffff;
	v2 =	vadd.f32 v3, v2;
	v5 =	vadd.f32 v49, v5;
	v49 =	vadd.s32 v33, v48  }
0x1fa: {  	v42 =	vand.u32 $0x7F, v42;
	v9 =	vor.u32 v35, v48;
	v50 =	vld.idx.msk [tilespmem:v8+s31+$0x0], $0xffff;
	v51 =	vmul.f32 v43, v43  }
0x1fb: {  	v6 =	vld.idx.msk [tilespmem:v6+s19+$0x0], $0xffff;
	v47 =	vmul.f32 v7, v7;
	v33 =	vadd.s32 v33, v42;
	v2 =	vadd.f32 v43, v2  }
0x1fc: {  	v10 =	vld.idx.msk [tilespmem:v10+s19+$0x0], $0xffff;
	v11 =	vadd.f32 v11, v13;
	v13 =	vor.u32 v35, v42;
	v5 =	vadd.f32 v51, v5  }
0x1fd: {  	v42 =	vld.idx.msk [tilespmem:v14+s31+$0x0], $0xffff;
	v2 =	vadd.f32 v7, v2  }
0x1fe: {  	v48 =	vmul.f32 v11, v11;
	v12 =	vadd.f32 v12, v45;
	v5 =	vadd.f32 v47, v5;
	v44 =	vld.idx.msk [tilespmem:v49+s19+$0x0], $0xffff  }
0x1ff: {  	v49 =	vld.idx.msk [tilespmem:v9+s31+$0x0], $0xffff;
	v2 =	vadd.f32 v11, v2  }
0x200: {  	v6 =	vadd.f32 v6, v50;
	v50 =	vmul.f32 v12, v12;
	v33 =	vld.idx.msk [tilespmem:v33+s19+$0x0], $0xffff;
	v5 =	vadd.f32 v48, v5  }
0x201: {  	v51 =	vld.idx.msk [tilespmem:v13+s31+$0x0], $0xffff;
	v2 =	vadd.f32 v12, v2  }
0x202: {  	v47 =	vmul.f32 v6, v6;
	v5 =	vadd.f32 v50, v5  }
0x203: {  	v10 =	vadd.f32 v10, v42;
	v2 =	vadd.f32 v6, v2  }
0x204: {  	v5 =	vadd.f32 v47, v5  }
0x205: {  	v42 =	vmul.f32 v10, v10;
	v35 =	vadd.f32 v44, v49;
	v2 =	vadd.f32 v10, v2  }
0x206: {  	v33 =	vadd.f32 v33, v51  }
0x207: {  	v44 =	vmul.f32 v35, v35;
	v5 =	vadd.f32 v42, v5;
	v2 =	vadd.f32 v35, v2;
	_ =	sdelay $0x1  }
0x208: {  	v48 =	vmul.f32 v33, v33;
	v5 =	vadd.f32 v44, v5;
	v2 =	vadd.f32 v33, v2;
	_ =	sdelay $0x1  }
0x209: {  	v5 =	vadd.f32 v48, v5;
	v2 =	vmul.f32 $7.812500000e-03, v2;
	_ =	sdelay $0x1  }
0x20a: {  	v5 =	vmul.f32 $7.812500000e-03, v5;
	v49 =	vmul.f32 v2, v2;
	_ =	sdelay $0x1  }
0x20b: {  	v5 =	vsub.f32 v5, v49;
	_ =	sdelay $0x1  }
0x20c: {  	v5 =	vadd.f32 $9.999999960e-13, v5;
	_ =	sdelay $0x1  }
0x20d: {  	v50 =	vshra.s32 v5, $0x1;
	v5 =	vmul.f32 $5.000000000e-01, v5  }
0x20e: {  	v42 =	vsub.s32 $0x5F3759DF, v50  }
0x20f: {  	v51 =	vmul.f32 v42, v5;
	_ =	sdelay $0x1  }
0x210: {  	v44 =	vmul.f32 v42, v51;
	_ =	sdelay $0x1  }
0x211: {  	v44 =	vsub.f32 $1.500000000e+00, v44;
	_ =	sdelay $0x1  }
0x212: {  	v42 =	vmul.f32 v42, v44;
	_ =	sdelay $0x1  }
0x213: {  	v44 =	vmul.f32 v42, v5;
	_ =	sdelay $0x1  }
0x214: {  	v44 =	vmul.f32 v44, v42;
	_ =	sdelay $0x1  }
0x215: {  	[tilespmem:v34+s31+$0x0] =	vst.idx.msk $0xffff, v1;
	v1 =	vsub.f32 $1.500000000e+00, v44  }
0x216: {  	[tilespmem:v37+s31+$0x0] =	vst.idx.msk $0xffff, v4  }
0x217: {  	[tilespmem:v39+s31+$0x0] =	vst.idx.msk $0xffff, v3;
	v1 =	vmul.f32 v1, v42  }
0x218: {  	[tilespmem:v36+s31+$0x0] =	vst.idx.msk $0xffff, v43  }
0x219: {  	s9 =	smul.u32 $0x110, s28;
	[tilespmem:v40+s31+$0x0] =	vst.idx.msk $0xffff, v7;
	v3 =	vmul.f32 v1, v5  }
0x21a: {  	[tilespmem:v38+s31+$0x0] =	vst.idx.msk $0xffff, v11  }
0x21b: {  	[tilespmem:v41+s31+$0x0] =	vst.idx.msk $0xffff, v12;
	v41 =	vadd.s32 s9, v15;
	v3 =	vmul.f32 v3, v1  }
0x21c: {  	[tilespmem:v8+s31+$0x0] =	vst.idx.msk $0xffff, v6  }
0x21d: {  	[tilespmem:v14+s31+$0x0] =	vst.idx.msk $0xffff, v10;
	v42 =	vadd.s32 s9, v56;
	v3 =	vsub.f32 $1.500000000e+00, v3  }
0x21e: {  	[tilespmem:v9+s31+$0x0] =	vst.idx.msk $0xffff, v35  }
0x21f: {  	[tilespmem:v13+s31+$0x0] =	vst.idx.msk $0xffff, v33;
	v1 =	vmul.f32 v3, v1;
	v3 =	vadd.s32 s9, v57  }
0x220: {  	[tilespmem:v41+s0+$0x0] =	vst.idx.msk $0xffff, v2  }
0x221: {  	v43 =	vadd.s32 s9, v58;
	[tilespmem:v41+s3+$0x0] =	vst.idx.msk $0xffff, v1  }
0x222: {  	[tilespmem:v42+s0+$0x0] =	vst.idx.msk $0xffff, v2  }
0x223: {  	v44 =	vadd.s32 s9, v59;
	[tilespmem:v42+s3+$0x0] =	vst.idx.msk $0xffff, v1  }
0x224: {  	[tilespmem:v3+s0+$0x0] =	vst.idx.msk $0xffff, v2  }
0x225: {  	[tilespmem:v3+s3+$0x0] =	vst.idx.msk $0xffff, v1;
	v3 =	vadd.s32 s9, v60  }
0x226: {  	[tilespmem:v43+s0+$0x0] =	vst.idx.msk $0xffff, v2  }
0x227: {  	v45 =	vadd.s32 s9, v61;
	[tilespmem:v43+s3+$0x0] =	vst.idx.msk $0xffff, v1  }
0x228: {  	v47 =	vld [tilespmem:$0x1FFA0];
	[tilespmem:v44+s0+$0x0] =	vst.idx.msk $0xffff, v2  }
0x229: {  	v46 =	vadd.s32 s9, v62;
	[tilespmem:v44+s3+$0x0] =	vst.idx.msk $0xffff, v1  }
0x22a: {  	[tilespmem:v3+s0+$0x0] =	vst.idx.msk $0xffff, v2  }
0x22b: {  	[tilespmem:v3+s3+$0x0] =	vst.idx.msk $0xffff, v1;
	v3 =	vadd.s32 s9, v63  }
0x22c: {  	[tilespmem:v45+s0+$0x0] =	vst.idx.msk $0xffff, v2  }
0x22d: {  	v4 =	vadd.s32 s9, v47;
	[tilespmem:v45+s3+$0x0] =	vst.idx.msk $0xffff, v1  }
0x22e: {  	[tilespmem:v46+s0+$0x0] =	vst.idx.msk $0xffff, v2  }
0x22f: {  	v48 =	vadd.s32 s9, v52;
	[tilespmem:v46+s3+$0x0] =	vst.idx.msk $0xffff, v1  }
0x230: {  	[tilespmem:v3+s0+$0x0] =	vst.idx.msk $0xffff, v2  }
0x231: {  	[tilespmem:v3+s3+$0x0] =	vst.idx.msk $0xffff, v1;
	v3 =	vadd.s32 s9, v53  }
0x232: {  	[tilespmem:v4+s0+$0x0] =	vst.idx.msk $0xffff, v2  }
0x233: {  	[tilespmem:v4+s3+$0x0] =	vst.idx.msk $0xffff, v1  }
0x234: {  	[tilespmem:v48+s0+$0x0] =	vst.idx.msk $0xffff, v2  }
0x235: {  	[tilespmem:v48+s3+$0x0] =	vst.idx.msk $0xffff, v1  }
0x236: {  	[tilespmem:v3+s0+$0x0] =	vst.idx.msk $0xffff, v2  }
0x237: {  	[tilespmem:v3+s3+$0x0] =	vst.idx.msk $0xffff, v1;
	v3 =	vld [tilespmem:$0x1FF10]  }
0x238: {  	v49 =	vadd.s32 s9, v54;
	_ =	sdelay $0x1  }
0x239: {  	v50 =	vadd.s32 s9, v55;
	_ =	sdelay $0x1  }
0x23a: {  	v3 =	vadd.s32 s9, v3  }
0x23b: {  	[tilespmem:v49+s0+$0x0] =	vst.idx.msk $0xffff, v2  }
0x23c: {  	s28 =	sadd.s32 $0x1, s28;
	v51 =	vadd.s32 s9, v16;
	[tilespmem:v49+s3+$0x0] =	vst.idx.msk $0xffff, v1  }
0x23d: {  	p0 =	sne.s32 s28, $0x8;
	[tilespmem:v50+s0+$0x0] =	vst.idx.msk $0xffff, v2  }
.Ltmp16:
0x23e: {  	[tilespmem:v50+s3+$0x0] =	vst.idx.msk $0xffff, v1;
	(pc) =	sbr.rel @p0 .LBB2_33-.Ltmp16, $4  }
0x23f: {  	[tilespmem:v3+s0+$0x0] =	vst.idx.msk $0xffff, v2  }
0x240: {  	[tilespmem:v3+s3+$0x0] =	vst.idx.msk $0xffff, v1  }
0x241: {  	[tilespmem:v51+s0+$0x0] =	vst.idx.msk $0xffff, v2  }
0x242: {  	[tilespmem:v51+s3+$0x0] =	vst.idx.msk $0xffff, v1  }
0x243: {  	s10 =	simm.s32 $0x19C22  }
0x244: {  	s28 =	simm.s32 $0x8580;
	v40 =	vld [tilespmem:s10+$0x11]  }
0x245: {  	v1 =	vld [tilespmem:s28+$0xFFFFFF10]  }
0x246: {  	v2 =	vld [tilespmem:s28+$0xFFFFFF30]  }
0x247: {  	v5 =	vld [tilespmem:s28+$0xFFFFFF40]  }
0x248: {  	v37 =	vld [tilespmem:s10+$0xFFFFFFEF]  }
0x249: {  	v4 =	vld [tilespmem:s28+$0xE0]  }
0x24a: {  	v6 =	vld [tilespmem:s28+$0xFFFFFF80]  }
0x24b: {  	v7 =	vld [tilespmem:s28+$0xF0]  }
0x24c: {  	v8 =	vld [tilespmem:s28+$0xFFFFFFB0]  }
0x24d: {  	v9 =	vld [tilespmem:s28+$0xFFFFFFA0]  }
0x24e: {  	v10 =	vld [tilespmem:s28+$0xFFFFFFD0]  }
0x24f: {  	v11 =	vld [tilespmem:s28+$0xFFFFFFE0]  }
0x250: {  	v12 =	vld [tilespmem:s28+$0xC0]  }
0x251: {  	v13 =	vld [tilespmem:s28+$0x80]  }
0x252: {  	v14 =	vld [tilespmem:s28+$0x90]  }
0x253: {  	v41 =	vld [tilespmem:s28+$0xFFFFFFF0]  }
0x254: {  	s9 =	simm.s32 $0x1A4A2;
	v59 =	vld [tilespmem:s10+$0x0]  }
0x255: {  	v38 =	vld [tilespmem:s9+$0x11]  }
0x256: {  	v42 =	vld [tilespmem:s28+$0x0]  }
0x257: {  	v43 =	vld [tilespmem:s28+$0x10]  }
0x258: {  	v35 =	vld [tilespmem:s9+$0xFFFFFFEF];
	v14 =	vsub.f32 v14, v40  }
0x259: {  	v51 =	vld [tilespmem:s28+$0x50];
	v4 =	vsub.f32 v4, v40;
	v12 =	vsub.f32 v12, v40  }
0x25a: {  	v46 =	vld [tilespmem:s28+$0x60];
	v33 =	vsub.f32 v7, v40;
	v34 =	vsub.f32 v9, v37  }
0x25b: {  	v39 =	vld [tilespmem:s9+$0x0];
	v36 =	vsub.f32 v13, v40;
	v50 =	vsub.f32 v42, v59  }
0x25c: {  	v7 =	vld [tilespmem:s28+$0x40];
	v6 =	vsub.f32 v6, v37;
	v43 =	vsub.f32 v43, v59;
	v9 =	vmul.f32 v14, v38  }
0x25d: {  	v61 =	vld [tilespmem:s10+$0xFFFFFFDE];
	v41 =	vsub.f32 v41, v37;
	v10 =	vsub.f32 v10, v37  }
0x25e: {  	v3 =	vld [tilespmem:s28+$0xFFFFFF70];
	v58 =	vsub.f32 v51, v59;
	v11 =	vsub.f32 v11, v37;
	v9 =	vmul.f32 v9, v18  }
0x25f: {  	v55 =	vld [tilespmem:s9+$0xFFFFFFDE];
	v63 =	vsub.f32 v46, v59;
	v8 =	vsub.f32 v8, v37;
	v4 =	vmul.f32 v4, v38  }
0x260: {  	v12 =	vmul.f32 v12, v38;
	v47 =	vmul.f32 v6, v35;
	v6 =	vadd.f32 v9, v26;
	v9 =	vld [tilespmem:s28+$0xFFFFFF00]  }
0x261: {  	v45 =	vmul.f32 v41, v35;
	v14 =	vld [tilespmem:s28+$0xFFFFFFC0];
	v44 =	vmul.f32 v4, v23;
	v4 =	vsub.f32 v7, v59  }
0x262: {  	v1 =	vsub.f32 v1, v61;
	v41 =	vmul.f32 v50, v39;
	v53 =	vmul.f32 v43, v39;
	v7 =	vld [tilespmem:s28+$0xFFFFFF60]  }
0x263: {  	v60 =	vsub.f32 v3, v61;
	v49 =	vmul.f32 v4, v39;
	v4 =	vmul.f32 v10, v35;
	v10 =	vld [tilespmem:s28+$0x70]  }
0x264: {  	v62 =	vld [tilespmem:s28+$0x30];
	v2 =	vsub.f32 v2, v61;
	v56 =	vmul.f32 v58, v39;
	v3 =	vmul.f32 v11, v35  }
0x265: {  	v48 =	vld [tilespmem:s28+$0xFFFFFF50];
	v58 =	vmul.f32 v1, v55;
	v1 =	vsub.f32 v5, v61;
	v9 =	vsub.f32 v9, v61  }
0x266: {  	v11 =	vld [tilespmem:s28+$0x20];
	v43 =	vmul.f32 v53, v18;
	v53 =	vmul.f32 v2, v55;
	v2 =	vsub.f32 v14, v37  }
0x267: {  	v50 =	vmul.f32 v60, v55;
	v5 =	vsub.f32 v7, v61;
	v7 =	vmul.f32 v9, v55  }
0x268: {  	v54 =	vld [tilespmem:s28+$0xFFFFFF20];
	v57 =	vmul.f32 v1, v55;
	v46 =	vmul.f32 v2, v35;
	v1 =	vsub.f32 v10, v59  }
0x269: {  	v52 =	vsub.f32 v62, v59;
	v51 =	vld [tilespmem:s28+$0xB0];
	[tilespmem:s28+$0x90] =	vst v6;
	v5 =	vmul.f32 v5, v55;
	v6 =	vmul.f32 v7, v17  }
0x26a: {  	v2 =	vld [tilespmem:s28+$0xD0];
	v9 =	vsub.f32 v48, v61;
	v7 =	vmul.f32 v8, v35;
	v8 =	vmul.f32 v1, v39  }
0x26b: {  	v42 =	vmul.f32 v12, v21;
	v59 =	vsub.f32 v11, v59;
	v48 =	vmul.f32 v5, v23;
	v5 =	vld [tilespmem:s28+$0xFFFFFF90]  }
0x26c: {  	s11 =	simm.s32 $0x19C66;
	s12 =	simm.s32 $0x8780;
	s10 =	simm.s32 $0x0;
	v60 =	vmul.f32 v9, v55;
	v1 =	vadd.f32 v6, v25;
	v8 =	vmul.f32 v8, v24;
	v6 =	vld [tilespmem:s28+$0xA0]  }
.LBB2_37:
0x26d: {  	v62 =	vld [tilespmem:s11+$0x11];
	s10 =	sadd.s32 $0x4, s10;
	v9 =	vsub.f32 v54, v61;
	v7 =	vmul.f32 v7, v20;
	v10 =	vmul.f32 v52, v39;
	s9 =	sadd.s32 $0x44, s9  }
0x26e: {  	v11 =	vmul.f32 v53, v20;
	v12 =	vmul.f32 v63, v39;
	v54 =	vld [tilespmem:s12+$0xFFFFFF10];
	p0 =	slt.u32 s10, $0x7C;
	v8 =	vadd.f32 v8, v32  }
0x26f: {  	v4 =	vmul.f32 v4, v22;
	v52 =	vld [tilespmem:s12+$0xFFFFFF30];
	v7 =	vadd.f32 v7, v28;
	v13 =	vsub.f32 v51, v40  }
0x270: {  	v14 =	vmul.f32 v57, v21;
	v11 =	vadd.f32 v11, v28;
	v53 =	vld [tilespmem:s12+$0xFFFFFF40];
	v5 =	vsub.f32 v5, v37;
	[tilespmem:s28+$0x70] =	vst v8  }
0x271: {  	v8 =	vmul.f32 v9, v55;
	v51 =	vld [tilespmem:s12+$0xFFFFFF50];
	[tilespmem:s28+$0xFFFFFFB0] =	vst v7;
	v6 =	vsub.f32 v6, v40;
	v7 =	vmul.f32 v13, v38  }
0x272: {  	v3 =	vmul.f32 v3, v23;
	v9 =	vadd.f32 v14, v29;
	v57 =	vld [tilespmem:s12+$0xFFFFFF70];
	[tilespmem:s28+$0xFFFFFF30] =	vst v11;
	v5 =	vmul.f32 v5, v35  }
0x273: {  	v4 =	vadd.f32 v4, v30;
	v8 =	vmul.f32 v8, v19;
	v11 =	vmul.f32 v56, v22;
	v37 =	vld [tilespmem:s11+$0xFFFFFFEF]  }
0x274: {  	v3 =	vadd.f32 v3, v31;
	v14 =	vmul.f32 v58, v18;
	v6 =	vmul.f32 v6, v38;
	v13 =	vld [tilespmem:s12+$0xE0];
	[tilespmem:s28+$0xFFFFFF40] =	vst v9  }
0x275: {  	v8 =	vadd.f32 v8, v27;
	v5 =	vmul.f32 v5, v18;
	v9 =	vld [tilespmem:s12+$0xFFFFFF80];
	[tilespmem:s28+$0xFFFFFFD0] =	vst v4;
	v4 =	vmul.f32 v7, v20  }
0x276: {  	v2 =	vsub.f32 v2, v40;
	v55 =	vmul.f32 v60, v22;
	v7 =	vld [tilespmem:s12+$0xF0];
	[tilespmem:s28+$0xFFFFFFE0] =	vst v3;
	v3 =	vmul.f32 v6, v19  }
0x277: {  	v5 =	vadd.f32 v5, v26;
	v6 =	vadd.f32 v11, v30;
	v56 =	vld [tilespmem:s12+$0xFFFFFFB0];
	[tilespmem:s28+$0xFFFFFF20] =	vst v8;
	v8 =	vmul.f32 v12, v23  }
0x278: {  	v2 =	vmul.f32 v2, v38;
	v11 =	vld [tilespmem:s12+$0xFFFFFFA0];
	[tilespmem:s28+$0xFFFFFF00] =	vst v1;
	v1 =	vmul.f32 v10, v20;
	v3 =	vadd.f32 v3, v27  }
0x279: {  	v4 =	vadd.f32 v4, v28;
	v10 =	vld [tilespmem:s12+$0xFFFFFFD0];
	[tilespmem:s28+$0xFFFFFF90] =	vst v5;
	v5 =	vmul.f32 v49, v21;
	v8 =	vadd.f32 v8, v31  }
0x27a: {  	v39 =	vmul.f32 v59, v39;
	v2 =	vmul.f32 v2, v22;
	v12 =	vld [tilespmem:s12+$0xFFFFFFE0];
	v1 =	vadd.f32 v1, v28;
	[tilespmem:s28+$0xA0] =	vst v3  }
0x27b: {  	v40 =	vmul.f32 v47, v17;
	v14 =	vadd.f32 v14, v26;
	v49 =	vadd.f32 v55, v30;
	v3 =	vld [tilespmem:s12+$0xC0];
	[tilespmem:s28+$0xB0] =	vst v4  }
0x27c: {  	v39 =	vmul.f32 v39, v19;
	v2 =	vadd.f32 v2, v30;
	v5 =	vadd.f32 v5, v29;
	v4 =	vld [tilespmem:s12+$0x80];
	[tilespmem:s28+$0x60] =	vst v8  }
0x27d: {  	v45 =	vmul.f32 v45, v24;
	v8 =	vld [tilespmem:s12+$0x90];
	[tilespmem:s28+$0x30] =	vst v1;
	v1 =	vadd.f32 v42, v29;
	v42 =	vadd.f32 v44, v31  }
0x27e: {  	v41 =	vmul.f32 v41, v17;
	v47 =	vadd.f32 v39, v27;
	v13 =	vsub.f32 v13, v62;
	v44 =	vld [tilespmem:s12+$0xFFFFFFF0];
	[tilespmem:s28+$0xD0] =	vst v2  }
0x27f: {  	v43 =	vadd.f32 v43, v26;
	v2 =	vsub.f32 v7, v62;
	v7 =	vmul.f32 v34, v35;
	v59 =	vld [tilespmem:s11+$0x0];
	[tilespmem:s28+$0xE0] =	vst v42  }
0x280: {  	v39 =	vadd.f32 v45, v32;
	v35 =	vadd.f32 v40, v25;
	v40 =	vmul.f32 v36, v38;
	v42 =	vld [tilespmem:s12+$0x0];
	[tilespmem:s28+$0xC0] =	vst v1  }
0x281: {  	v41 =	vadd.f32 v41, v25;
	v3 =	vsub.f32 v3, v62;
	v7 =	vmul.f32 v7, v19;
	v1 =	vld [tilespmem:s9+$0x11];
	[tilespmem:s28+$0x50] =	vst v6  }
0x282: {  	v34 =	vsub.f32 v11, v37;
	v11 =	vmul.f32 v50, v24;
	v6 =	vld [tilespmem:s12+$0x10];
	v8 =	vsub.f32 v8, v62;
	[tilespmem:s28+$0xFFFFFF80] =	vst v35  }
0x283: {  	v36 =	vsub.f32 v4, v62;
	v4 =	vadd.f32 v7, v27;
	v35 =	vld [tilespmem:s9+$0xFFFFFFEF];
	[tilespmem:s28+$0x40] =	vst v5;
	v5 =	vmul.f32 v40, v17  }
0x284: {  	v7 =	vadd.f32 v11, v32;
	v11 =	vmul.f32 v33, v38;
	v33 =	vmovc v2;
	v40 =	vmov v62;
	v15 =	vld [tilespmem:s12+$0x20];
	[tilespmem:s28+$0xFFFFFFF0] =	vst v39  }
0x285: {  	v39 =	vld [tilespmem:s9+$0x0];
	v2 =	vsub.f32 v42, v59;
	[tilespmem:s28+$0xFFFFFF10] =	vst v14;
	v14 =	vmul.f32 v46, v21;
	v5 =	vadd.f32 v5, v25  }
0x286: {  	v46 =	vadd.f32 v48, v31;
	v38 =	vld [tilespmem:s12+$0x40];
	v8 =	vmul.f32 v8, v1;
	v3 =	vmul.f32 v3, v1;
	[tilespmem:s28+$0x20] =	vst v47  }
0x287: {  	v11 =	vmul.f32 v11, v24;
	v13 =	vmul.f32 v13, v1;
	v6 =	vsub.f32 v6, v59;
	v48 =	vld [tilespmem:s12+$0x50];
	[tilespmem:s28+$0x0] =	vst v41  }
0x288: {  	v9 =	vsub.f32 v9, v37;
	v14 =	vadd.f32 v14, v29;
	v50 =	vld [tilespmem:s12+$0x60];
	v8 =	vmul.f32 v8, v18;
	[tilespmem:s28+$0x80] =	vst v5  }
0x289: {  	v5 =	vsub.f32 v44, v37;
	v42 =	vmul.f32 v3, v21;
	v3 =	vadd.f32 v11, v32;
	v55 =	vld [tilespmem:s9+$0xFFFFFFDE];
	[tilespmem:s28+$0xFFFFFFA0] =	vst v4  }
0x28a: {  	v47 =	vmul.f32 v9, v35;
	v44 =	vmul.f32 v13, v23;
	v61 =	vld [tilespmem:s11+$0xFFFFFFDE];
	v8 =	vadd.f32 v8, v26;
	[tilespmem:s28+$0xFFFFFF50] =	vst v49  }
0x28b: {  	v45 =	vmul.f32 v5, v35;
	v41 =	vmul.f32 v2, v39;
	v9 =	vld [tilespmem:s12+$0xFFFFFF00];
	v2 =	vsub.f32 v38, v59;
	[tilespmem:s28+$0xFFFFFF70] =	vst v7  }
0x28c: {  	v4 =	vsub.f32 v10, v37;
	v6 =	vmul.f32 v6, v39;
	v5 =	vld [tilespmem:s12+$0xFFFFFF60];
	v7 =	vsub.f32 v48, v59;
	[tilespmem:s28+$0xF0] =	vst v3  }
0x28d: {  	v3 =	vsub.f32 v12, v37;
	v10 =	vld [tilespmem:s12+$0xFFFFFFC0];
	v49 =	vmul.f32 v2, v39;
	v63 =	vsub.f32 v50, v59;
	[tilespmem:s28+$0x10] =	vst v43  }
0x28e: {  	v11 =	vsub.f32 v56, v37;
	v4 =	vmul.f32 v4, v35;
	v56 =	vmul.f32 v7, v39;
	v2 =	vld [tilespmem:s12+$0x70];
	[tilespmem:s28+$0xFFFFFF60] =	vst v46  }
0x28f: {  	v43 =	vmul.f32 v6, v18;
	v7 =	vsub.f32 v54, v61;
	v12 =	vsub.f32 v57, v61;
	v6 =	vld [tilespmem:s12+$0x30];
	[tilespmem:s28+$0xFFFFFFC0] =	vst v14;
	s28 =	smov.u32 s12  }
0x290: {  	v3 =	vmul.f32 v3, v35;
	v13 =	vsub.f32 v52, v61;
	v9 =	vsub.f32 v9, v61;
	[tilespmem:s12+$0x90] =	vst v8  }
0x291: {  	v38 =	vmovc v1;
	v58 =	vmul.f32 v7, v55;
	v7 =	vsub.f32 v53, v61;
	v5 =	vsub.f32 v5, v61  }
0x292: {  	v53 =	vmul.f32 v13, v55;
	v1 =	vmul.f32 v9, v55;
	v8 =	vsub.f32 v10, v37  }
.Ltmp17:
0x293: {  	v54 =	vld [tilespmem:s12+$0xFFFFFF20];
	v57 =	vmul.f32 v7, v55;
	v5 =	vmul.f32 v5, v55;
	v9 =	vsub.f32 v2, v59;
	(pc) =	sbr.rel @p0 .LBB2_37-.Ltmp17, $4  }
0x294: {  	v1 =	vmul.f32 v1, v17;
	v46 =	vmul.f32 v8, v35;
	v52 =	vsub.f32 v6, v59;
	v2 =	vld [tilespmem:s12+$0xD0]  }
0x295: {  	v7 =	vmul.f32 v11, v35;
	v6 =	vsub.f32 v51, v61;
	v8 =	vmul.f32 v9, v39;
	v51 =	vld [tilespmem:s12+$0xB0]  }
0x296: {  	v50 =	vmul.f32 v12, v55;
	v48 =	vmul.f32 v5, v23;
	v1 =	vadd.f32 v1, v25;
	v5 =	vld [tilespmem:s12+$0xFFFFFF90]  }
0x297: {  	s11 =	sadd.s32 $0x44, s11;
	v59 =	vsub.f32 v15, v59;
	v60 =	vmul.f32 v6, v55;
	s12 =	sadd.s32 $0x200, s12;
	v8 =	vmul.f32 v8, v24;
	v6 =	vld [tilespmem:s28+$0xA0]  }
0x298: {  	v7 =	vmul.f32 v7, v20  }
0x299: {  	v9 =	vsub.f32 v54, v61;
	v10 =	vmul.f32 v53, v20;
	v53 =	vadd.f32 v42, v29  }
0x29a: {  	v12 =	vmul.f32 v57, v21;
	[tilespmem:s28+$0xFFFFFF00] =	vst v1;
	v8 =	vadd.f32 v8, v32;
	v2 =	vsub.f32 v2, v40  }
0x29b: {  	v4 =	vmul.f32 v4, v22;
	v7 =	vadd.f32 v7, v28;
	v11 =	vsub.f32 v51, v40;
	[tilespmem:s28+$0xC0] =	vst v53  }
0x29c: {  	v3 =	vmul.f32 v3, v23;
	v10 =	vadd.f32 v10, v28;
	v61 =	vadd.f32 v12, v29;
	[tilespmem:s28+$0x70] =	vst v8  }
0x29d: {  	v57 =	vmul.f32 v9, v55;
	v4 =	vadd.f32 v4, v30;
	[tilespmem:s28+$0xFFFFFFB0] =	vst v7;
	v6 =	vsub.f32 v6, v40  }
0x29e: {  	v55 =	vmul.f32 v58, v18;
	v5 =	vsub.f32 v5, v37;
	v37 =	vmul.f32 v63, v39;
	[tilespmem:s28+$0xFFFFFF30] =	vst v10  }
0x29f: {  	v3 =	vadd.f32 v3, v31;
	v8 =	vmul.f32 v57, v19;
	[tilespmem:s28+$0xFFFFFF40] =	vst v61;
	v6 =	vmul.f32 v6, v38  }
0x2a0: {  	v62 =	vmul.f32 v11, v38;
	[tilespmem:s28+$0xFFFFFFD0] =	vst v4;
	v57 =	vadd.f32 v55, v26;
	v4 =	vmul.f32 v37, v23  }
0x2a1: {  	[tilespmem:s28+$0xFFFFFFE0] =	vst v3;
	v5 =	vmul.f32 v5, v35;
	v8 =	vadd.f32 v8, v27;
	v3 =	vmul.f32 v6, v19  }
0x2a2: {  	v40 =	vmul.f32 v52, v39;
	v7 =	vmul.f32 v62, v20;
	[tilespmem:s28+$0xFFFFFF10] =	vst v57;
	v4 =	vadd.f32 v4, v31  }
0x2a3: {  	v2 =	vmul.f32 v2, v38;
	v5 =	vmul.f32 v5, v18;
	[tilespmem:s28+$0xFFFFFF20] =	vst v8;
	v1 =	vadd.f32 v3, v27  }
0x2a4: {  	v51 =	vadd.f32 v7, v28;
	[tilespmem:s28+$0x60] =	vst v4;
	v3 =	vmul.f32 v40, v20  }
0x2a5: {  	v5 =	vadd.f32 v5, v26;
	[tilespmem:s28+$0xA0] =	vst v1;
	v1 =	vmul.f32 v2, v22  }
0x2a6: {  	[tilespmem:s28+$0xB0] =	vst v51;
	v2 =	vadd.f32 v3, v28  }
0x2a7: {  	v52 =	vmul.f32 v47, v17;
	[tilespmem:s28+$0xFFFFFF90] =	vst v5;
	v1 =	vadd.f32 v1, v30  }
0x2a8: {  	v3 =	vmul.f32 v56, v22;
	[tilespmem:s28+$0x30] =	vst v2;
	v2 =	vadd.f32 v44, v31  }
0x2a9: {  	v58 =	vmul.f32 v41, v17;
	v4 =	vadd.f32 v52, v25;
	[tilespmem:s28+$0xD0] =	vst v1  }
0x2aa: {  	v1 =	vadd.f32 v3, v30;
	v3 =	vmul.f32 v49, v21;
	[tilespmem:s28+$0xE0] =	vst v2;
	v2 =	vmul.f32 v59, v39  }
0x2ab: {  	v54 =	vmul.f32 v45, v24;
	[tilespmem:s28+$0xFFFFFF80] =	vst v4;
	v5 =	vadd.f32 v58, v25  }
0x2ac: {  	v56 =	vmul.f32 v36, v38;
	v3 =	vadd.f32 v3, v29;
	[tilespmem:s28+$0x50] =	vst v1;
	v1 =	vmul.f32 v2, v19  }
0x2ad: {  	v60 =	vmul.f32 v60, v22;
	[tilespmem:s28+$0x0] =	vst v5;
	v59 =	vmul.f32 v34, v35;
	v2 =	vadd.f32 v54, v32  }
0x2ae: {  	[tilespmem:s28+$0x40] =	vst v3;
	v1 =	vadd.f32 v1, v27;
	v3 =	vmul.f32 v56, v17  }
0x2af: {  	v61 =	vmul.f32 v33, v38;
	v4 =	vadd.f32 v60, v30;
	[tilespmem:s28+$0xFFFFFFF0] =	vst v2;
	v2 =	vmul.f32 v59, v19  }
0x2b0: {  	v3 =	vadd.f32 v3, v25;
	[tilespmem:s28+$0x20] =	vst v1;
	v1 =	vmul.f32 v50, v24  }
0x2b1: {  	v62 =	vmul.f32 v61, v24;
	[tilespmem:s28+$0xFFFFFF50] =	vst v4;
	v2 =	vadd.f32 v2, v27  }
0x2b2: {  	[tilespmem:s28+$0x80] =	vst v3;
	v1 =	vadd.f32 v1, v32  }
0x2b3: {  	[tilespmem:s28+$0xFFFFFFA0] =	vst v2;
	v2 =	vadd.f32 v62, v32  }
0x2b4: {  	v63 =	vmul.f32 v46, v21;
	v3 =	vadd.f32 v43, v26;
	[tilespmem:s28+$0xFFFFFF70] =	vst v1  }
0x2b5: {  	v1 =	vadd.f32 v48, v31;
	[tilespmem:s28+$0xF0] =	vst v2  }
.Ltmp18:
0x2b6: {  	v2 =	vadd.f32 v63, v29;
	[tilespmem:s28+$0x10] =	vst v3;
	(pc) =	sbr.rel .LBB2_39-.Ltmp18, $4  }
0x2b7: {  	[tilespmem:s28+$0xFFFFFF60] =	vst v1  }
0x2b8: {  	[tilespmem:s28+$0xFFFFFFC0] =	vst v2  }
0x2b9: {  	v15 =	vld [tilespmem:$0x1FFF0]  }
0x2ba: {  	s9 =	simm.s32 $0x8480;
	v14 =	vld [tilespmem:$0x1FFA0]  }
.LBB2_6:
0x2bb: {  	p1 =	por p0, !p1  }
.Ltmp19:
0x2bc: {  	_ = 	snop;
	(pc) =	sbr.rel @!p1 .LBB2_10-.Ltmp19, $4  }
0x2bd: {  	s9 =	simm.s32 @!p0 $0x2  }
0x2be: {  	_ =	swait.ge @!p0 [sflag:s9], $0x4000  }
0x2bf: {  	[sflag:s9] =	ssyncset.done @!p0 $0x0  }
0x2c0: {  	[sflag:s9] =	ssyncadd.s32 @!p0 $0xFFFFC000  }
0x2c1: {  	_ =	swait.ge [sflag:s24], $0x80  }
0x2c2: {  	[sflag:s24] =	ssyncset.done $0x0  }
0x2c3: {  	[sflag:s24] =	ssyncadd.s32 $0xFFFFFF80  }
0x2c4: {  	v1 =	vor.u32 s18, v0;
	_ =	swait.ge [sflag:s24], $0x80  }
0x2c5: {  	v2 =	vmulhi.u32 $0x51EB851F, v1;
	[sflag:s24] =	ssyncset.done $0x0  }
0x2c6: {  	s10 =	simm.s32 $0x0;
	[sflag:s24] =	ssyncadd.s32 $0xFFFFFF80  }
0x2c7: {  	v3 =	vshrl.u32 v2, $0x6;
	v2 =	vld [tilespmem:s10+$0x200]  }
0x2c8: {  	v3 =	vmul.u32 $0xC8, v3  }
0x2c9: {  	s9 =	sshll.u32 s22, $0x7;
	s11 =	simm.s32 $0x40;
	s12 =	sadd.s32 $0x10, s18  }
.LBB2_8:
0x2ca: {  	p0 =	sne.s32 s11, $0x1C0;
	v3 =	vsub.s32 v1, v3;
	v1 =	vor.u32 s12, v0;
	s28 =	smov.u32 s11;
	s11 =	sadd.s32 $0x40, s11  }
.Ltmp20:
0x2cb: {  	v4 =	vmulhi.u32 $0x51EB851F, v1;
	v3 =	vshll.u32 v3, $0x1;
	(pc) =	sbr.rel @p0 .LBB2_8-.Ltmp20, $4  }
0x2cc: {  	s28 =	sshra.s32 s28, $0x2;
	v3 =	vadd.s32 v3, v2  }
0x2cd: {  	v2 =	vld [tilespmem:s28+$0x200];
	v4 =	vshrl.u32 v4, $0x6;
	v5 =	vmul.u32 $0x89, v3  }
0x2ce: {  	v3 =	vmul.u32 $0xC8, v4  }
0x2cf: {  	s12 =	sadd.s32 $0x10, s12;
	[tilespmem:s10+$0x380] =	vst v5;
	s10 =	smov.u32 s28  }
0x2d0: {  	v1 =	vsub.s32 v1, v3  }
0x2d1: {  	v1 =	vshll.u32 v1, $0x1  }
0x2d2: {  	v1 =	vadd.s32 v1, v2  }
0x2d3: {  	p0 =	sgt.u32 s22, $0x2F;
	v1 =	vmul.u32 $0x89, v1  }
0x2d4: {  	s9 =	sadd.s32 @!p0 s9, s14  }
0x2d5: {  	s9 =	sshrl.u32 @!p0 s9, $0x3;
	[tilespmem:s10+$0x380] =	vst v1  }
0x2d6: {  	[tilespmem:s2], [sflag:$0x1] =	stream.indirect.gather [hbm4b:s1+s25], $0x80, s25, s25, $0xb8;
	[tilespmem:$0x1AD00] =	vst v63  }
0x2d7: {  	s11 =	simm.s32 @!p0 $0x0;
	s12 =	simm.s32 @!p0 $0x100;
	s10 =	sadd.s32 @!p0 s7, s9  }
0x2d8: {  	[tilespmem:s12], [sflag:$0x3] =	stream.linear.gather @!p0 [hbm4b:s10+s11], $0x80, $0x38;
	[tilespmem:$0x1AD00] =	vst v63  }
0x2d9: {  	s9 =	sadd.s32 @!p0 s8, s9;
	s10 =	simm.s32 @!p0 $0x280  }
0x2da: {  	[tilespmem:s10], [sflag:$0x3] =	stream.linear.gather @!p0 [hbm4b:s9+s11], $0x80, $0x38;
	[tilespmem:$0x1AD00] =	vst v63  }
.LBB2_10:
0x2db: {  	_ =	swait.ge [sflag:s30], $0x4000  }
0x2dc: {  	[sflag:s30] =	ssyncset.done $0x0  }
0x2dd: {  	s28 =	simm.s32 $0x0;
	[sflag:s30] =	ssyncadd.s32 $0xFFFFC000  }
.LBB2_11:
0x2de: {  	s9 =	sshll.u32 s28, $0x4;
	v1 =	vlaneseq.u32  }
0x2df: {  	v2 =	vmov s9;
	v3 =	vmul.u32 $0x80, v1  }
0x2e0: {  	v33 =	vld [tilespmem:s9+$0x300];
	v2 =	vshll.u32 v2, $0x7  }
0x2e1: {  	v6 =	vadd.s32 $0x2, v1;
	v35 =	vor.u32 v3, v2  }
0x2e2: {  	v6 =	vand.u32 $0x7F, v6;
	v2 =	vadd.s32 $0x1, v1;
	v3 =	vor.u32 v35, v1  }
0x2e3: {  	v2 =	vand.u32 $0x7F, v2;
	v8 =	vor.u32 v35, v6  }
0x2e4: {  	v5 =	vor.u32 v35, v2  }
0x2e5: {  	v4 =	vadd.s32 v33, v1  }
0x2e6: {  	v7 =	vadd.s32 $0x3, v1;
	v2 =	vadd.s32 v33, v2  }
0x2e7: {  	v7 =	vand.u32 $0x7F, v7;
	v6 =	vadd.s32 v33, v6;
	v34 =	vld.idx.msk [tilespmem:v3+s26+$0x0], $0xffff  }
0x2e8: {  	v37 =	vadd.s32 v33, v7;
	v39 =	vld.idx.msk [tilespmem:v8+s26+$0x0], $0xffff  }
0x2e9: {  	v7 =	vor.u32 v35, v7;
	v38 =	vld.idx.msk [tilespmem:v5+s26+$0x0], $0xffff  }
0x2ea: {  	v4 =	vld.idx.msk [tilespmem:v4+s19+$0x0], $0xffff  }
0x2eb: {  	v36 =	vadd.s32 $0x4, v1;
	v2 =	vld.idx.msk [tilespmem:v2+s19+$0x0], $0xffff  }
0x2ec: {  	v36 =	vand.u32 $0x7F, v36;
	v6 =	vld.idx.msk [tilespmem:v6+s19+$0x0], $0xffff  }
0x2ed: {  	v42 =	vadd.s32 $0x5, v1;
	v43 =	vadd.s32 $0x8, v1;
	v40 =	vor.u32 v35, v36;
	v44 =	vld.idx.msk [tilespmem:v37+s19+$0x0], $0xffff  }
0x2ee: {  	v54 =	vadd.s32 $0x6, v1;
	v36 =	vadd.s32 v33, v36;
	v1 =	vadd.s32 $0x7, v1;
	v46 =	vld.idx.msk [tilespmem:v7+s26+$0x0], $0xffff  }
0x2ef: {  	v42 =	vand.u32 $0x7F, v42;
	v1 =	vand.u32 $0x7F, v1  }
0x2f0: {  	v45 =	vadd.s32 v33, v42;
	v49 =	vadd.s32 v33, v1;
	v37 =	vand.u32 $0x7F, v54  }
0x2f1: {  	v48 =	vadd.s32 v33, v37;
	v37 =	vor.u32 v35, v37;
	v4 =	vadd.f32 v4, v34  }
0x2f2: {  	v53 =	vld.idx.msk [tilespmem:v40+s26+$0x0], $0xffff;
	v34 =	vor.u32 v35, v42;
	v2 =	vadd.f32 v2, v38;
	v6 =	vadd.f32 v6, v39  }
0x2f3: {  	v36 =	vld.idx.msk [tilespmem:v36+s19+$0x0], $0xffff;
	v39 =	vor.u32 v35, v1;
	v42 =	vand.u32 $0x7F, v43;
	v11 =	vadd.f32 v44, v46  }
0x2f4: {  	v50 =	vadd.s32 v33, v42;
	v55 =	vmul.f32 v4, v4;
	[tilespmem:v5+s26+$0x0] =	vst.idx.msk $0xffff, v2  }
0x2f5: {  	v41 =	vimm.f32 $0.0e+00;
	v47 =	vmul.f32 v2, v2;
	v9 =	vmul.f32 v6, v6;
	[tilespmem:v3+s26+$0x0] =	vst.idx.msk $0xffff, v4  }
0x2f6: {  	v43 =	vadd.s32 $0x8, v42;
	[tilespmem:v7+s26+$0x0] =	vst.idx.msk $0xffff, v11;
	v38 =	vadd.f32 v55, v41;
	v41 =	vadd.f32 v4, v41  }
0x2f7: {  	v3 =	vadd.s32 $0x1, v42;
	v5 =	vadd.s32 $0x2, v42;
	v54 =	vmul.f32 v11, v11;
	[tilespmem:v8+s26+$0x0] =	vst.idx.msk $0xffff, v6;
	v4 =	vld.idx.msk [tilespmem:v48+s19+$0x0], $0xffff  }
0x2f8: {  	v3 =	vand.u32 $0x7F, v3;
	v52 =	vld.idx.msk [tilespmem:v34+s26+$0x0], $0xffff;
	v1 =	vadd.f32 v2, v41;
	v2 =	vadd.f32 v36, v53  }
0x2f9: {  	v46 =	vadd.s32 v33, v3;
	v38 =	vadd.f32 v47, v38;
	v36 =	vor.u32 v35, v42;
	v53 =	vld.idx.msk [tilespmem:v45+s19+$0x0], $0xffff  }
0x2fa: {  	v7 =	vand.u32 $0x7F, v5;
	v55 =	vadd.s32 $0x3, v42;
	v47 =	vld.idx.msk [tilespmem:v37+s26+$0x0], $0xffff;
	[tilespmem:v40+s26+$0x0] =	vst.idx.msk $0xffff, v2;
	v40 =	vor.u32 v35, v3  }
0x2fb: {  	v48 =	vld.idx.msk [tilespmem:v49+s19+$0x0], $0xffff;
	v45 =	vadd.s32 v33, v7;
	v10 =	vadd.f32 v9, v38;
	v1 =	vadd.f32 v6, v1  }
0x2fc: {  	v49 =	vld.idx.msk [tilespmem:v50+s19+$0x0], $0xffff;
	v5 =	vmul.f32 v2, v2;
	v38 =	vor.u32 v35, v7;
	v6 =	vadd.s32 $0x4, v42  }
0x2fd: {  	v3 =	vld.idx.msk [tilespmem:v39+s26+$0x0], $0xffff;
	v51 =	vadd.f32 v11, v1;
	v1 =	vand.u32 $0x7F, v55;
	v7 =	vadd.f32 v54, v10  }
0x2fe: {  	s9 =	simm.s32 $0x8;
	v44 =	vld.idx.msk [tilespmem:v36+s26+$0x0], $0xffff;
	v41 =	vor.u32 v35, v1;
	v50 =	vadd.s32 v33, v1;
	v1 =	vadd.f32 v53, v52  }
.LBB2_12:
0x2ff: {  	s9 =	sadd.s32 $0x8, s9;
	v8 =	vld.idx.msk [tilespmem:v40+s26+$0x0], $0xffff;
	v6 =	vand.u32 $0x7F, v6;
	v5 =	vadd.f32 v5, v7;
	v4 =	vadd.f32 v4, v47  }
0x300: {  	p0 =	slt.u32 s9, $0x78;
	v7 =	vld.idx.msk [tilespmem:v46+s19+$0x0], $0xffff;
	v46 =	vor.u32 v35, v6;
	v6 =	vadd.s32 v33, v6;
	[tilespmem:v34+s26+$0x0] =	vst.idx.msk $0xffff, v1  }
0x301: {  	v2 =	vadd.f32 v2, v51;
	v34 =	vadd.s32 $0x5, v42;
	v51 =	vmul.f32 v1, v1;
	v47 =	vld.idx.msk [tilespmem:v38+s26+$0x0], $0xffff  }
0x302: {  	v52 =	vand.u32 $0x7F, v34;
	v53 =	vmul.f32 v4, v4;
	v3 =	vadd.f32 v48, v3;
	v45 =	vld.idx.msk [tilespmem:v45+s19+$0x0], $0xffff  }
0x303: {  	v34 =	vor.u32 v35, v52;
	v5 =	vadd.f32 v51, v5;
	v48 =	vld.idx.msk [tilespmem:v50+s19+$0x0], $0xffff;
	v50 =	vadd.s32 v33, v52  }
0x304: {  	v1 =	vadd.f32 v1, v2;
	v44 =	vadd.f32 v49, v44;
	v2 =	vmul.f32 v3, v3;
	v49 =	vld.idx.msk [tilespmem:v41+s26+$0x0], $0xffff  }
0x305: {  	v52 =	vadd.s32 $0x6, v42;
	v42 =	vadd.s32 $0x7, v42;
	v5 =	vadd.f32 v53, v5;
	v51 =	vld.idx.msk [tilespmem:v46+s26+$0x0], $0xffff;
	[tilespmem:v39+s26+$0x0] =	vst.idx.msk $0xffff, v3  }
0x306: {  	v1 =	vadd.f32 v4, v1;
	v39 =	vmul.f32 v44, v44;
	v7 =	vadd.f32 v7, v8;
	v6 =	vld.idx.msk [tilespmem:v6+s19+$0x0], $0xffff  }
0x307: {  	v42 =	vand.u32 $0x7F, v42;
	v8 =	vand.u32 $0x7F, v52;
	v2 =	vadd.f32 v2, v5;
	[tilespmem:v37+s26+$0x0] =	vst.idx.msk $0xffff, v4  }
0x308: {  	v1 =	vadd.f32 v3, v1;
	v4 =	vmul.f32 v7, v7;
	v5 =	vadd.f32 v45, v47;
	v52 =	vld.idx.msk [tilespmem:v34+s26+$0x0], $0xffff  }
0x309: {  	v3 =	vadd.s32 v33, v8;
	v2 =	vadd.f32 v39, v2;
	[tilespmem:v40+s26+$0x0] =	vst.idx.msk $0xffff, v7;
	v53 =	vld.idx.msk [tilespmem:v50+s19+$0x0], $0xffff  }
0x30a: {  	v1 =	vadd.f32 v44, v1;
	v37 =	vor.u32 v35, v8;
	v8 =	vadd.s32 v33, v42  }
0x30b: {  	v39 =	vor.u32 v35, v42;
	v40 =	vmul.f32 v5, v5;
	v4 =	vadd.f32 v4, v2  }
0x30c: {  	v42 =	vand.u32 $0x7F, v43;
	v1 =	vadd.f32 v7, v1;
	v2 =	vadd.f32 v6, v51;
	[tilespmem:v36+s26+$0x0] =	vst.idx.msk $0xffff, v44  }
0x30d: {  	v6 =	vadd.f32 v48, v49;
	v36 =	vor.u32 v35, v42;
	v7 =	vadd.f32 v40, v4  }
0x30e: {  	v43 =	vadd.s32 $0x8, v42;
	v49 =	vadd.s32 v33, v42;
	v40 =	vadd.s32 $0x1, v42;
	[tilespmem:v46+s26+$0x0] =	vst.idx.msk $0xffff, v2;
	v4 =	vld.idx.msk [tilespmem:v3+s19+$0x0], $0xffff  }
0x30f: {  	v44 =	vadd.s32 $0x2, v42;
	v3 =	vand.u32 $0x7F, v40;
	[tilespmem:v41+s26+$0x0] =	vst.idx.msk $0xffff, v6;
	v41 =	vmul.f32 v6, v6;
	v47 =	vld.idx.msk [tilespmem:v37+s26+$0x0], $0xffff  }
.Ltmp21:
0x310: {  	v1 =	vadd.f32 v5, v1;
	v40 =	vor.u32 v35, v3;
	v46 =	vadd.s32 v33, v3;
	v3 =	vld.idx.msk [tilespmem:v39+s26+$0x0], $0xffff;
	(pc) =	sbr.rel @p0 .LBB2_12-.Ltmp21, $4  }
0x311: {  	v50 =	vadd.s32 $0x3, v42;
	v44 =	vand.u32 $0x7F, v44;
	[tilespmem:v38+s26+$0x0] =	vst.idx.msk $0xffff, v5;
	v5 =	vmul.f32 v2, v2  }
0x312: {  	v51 =	vadd.f32 v6, v1;
	v45 =	vadd.s32 v33, v44;
	v38 =	vor.u32 v35, v44;
	v48 =	vld.idx.msk [tilespmem:v8+s19+$0x0], $0xffff  }
0x313: {  	v1 =	vand.u32 $0x7F, v50;
	v6 =	vadd.s32 $0x4, v42;
	v7 =	vadd.f32 v41, v7;
	v44 =	vld.idx.msk [tilespmem:v36+s26+$0x0], $0xffff  }
0x314: {  	v50 =	vadd.s32 v33, v1;
	v41 =	vor.u32 v35, v1;
	v1 =	vadd.f32 v53, v52;
	v49 =	vld.idx.msk [tilespmem:v49+s19+$0x0], $0xffff  }
0x315: {  	_ = 	snop  }
0x316: {  	v6 =	vand.u32 $0x7F, v6  }
0x317: {  	v5 =	vadd.f32 v5, v7;
	v4 =	vadd.f32 v4, v47;
	v9 =	vadd.s32 $0x5, v42  }
0x318: {  	v2 =	vadd.f32 v2, v51;
	v8 =	vor.u32 v35, v6;
	v6 =	vadd.s32 v33, v6  }
0x319: {  	v43 =	vld.idx.msk [tilespmem:v46+s19+$0x0], $0xffff;
	v10 =	vmul.f32 v1, v1;
	v46 =	vand.u32 $0x7F, v9;
	v9 =	vadd.s32 $0x6, v42  }
0x31a: {  	v7 =	vld.idx.msk [tilespmem:v40+s26+$0x0], $0xffff;
	v11 =	vmul.f32 v4, v4;
	v3 =	vadd.f32 v48, v3;
	v2 =	vadd.f32 v1, v2  }
0x31b: {  	v45 =	vld.idx.msk [tilespmem:v45+s19+$0x0], $0xffff;
	v52 =	vor.u32 v35, v46;
	v46 =	vadd.s32 v33, v46;
	v5 =	vadd.f32 v10, v5  }
0x31c: {  	v48 =	vld.idx.msk [tilespmem:v38+s26+$0x0], $0xffff;
	v10 =	vadd.s32 $0x7, v42;
	v44 =	vadd.f32 v49, v44;
	v2 =	vadd.f32 v4, v2  }
0x31d: {  	v50 =	vld.idx.msk [tilespmem:v50+s19+$0x0], $0xffff;
	v55 =	vmul.f32 v3, v3;
	v5 =	vadd.f32 v11, v5;
	v11 =	vand.u32 $0x7F, v9  }
0x31e: {  	v49 =	vld.idx.msk [tilespmem:v41+s26+$0x0], $0xffff;
	v42 =	vand.u32 $0x7F, v10;
	v2 =	vadd.f32 v3, v2;
	v47 =	vadd.s32 v33, v11  }
0x31f: {  	v7 =	vadd.f32 v43, v7;
	v9 =	vld.idx.msk [tilespmem:v8+s26+$0x0], $0xffff;
	v53 =	vmul.f32 v44, v44;
	v43 =	vor.u32 v35, v11  }
0x320: {  	v6 =	vld.idx.msk [tilespmem:v6+s19+$0x0], $0xffff;
	v35 =	vor.u32 v35, v42;
	v5 =	vadd.f32 v55, v5;
	v2 =	vadd.f32 v44, v2  }
0x321: {  	v11 =	vadd.s32 v33, v42;
	v45 =	vadd.f32 v45, v48;
	v42 =	vld.idx.msk [tilespmem:v52+s26+$0x0], $0xffff  }
0x322: {  	v10 =	vmul.f32 v7, v7;
	v46 =	vld.idx.msk [tilespmem:v46+s19+$0x0], $0xffff;
	v5 =	vadd.f32 v53, v5;
	v2 =	vadd.f32 v7, v2  }
0x323: {  	v49 =	vadd.f32 v50, v49;
	v47 =	vld.idx.msk [tilespmem:v47+s19+$0x0], $0xffff  }
0x324: {  	v54 =	vmul.f32 v45, v45;
	v5 =	vadd.f32 v10, v5;
	v55 =	vld.idx.msk [tilespmem:v43+s26+$0x0], $0xffff;
	v2 =	vadd.f32 v45, v2  }
0x325: {  	v6 =	vadd.f32 v6, v9;
	v10 =	vld.idx.msk [tilespmem:v35+s26+$0x0], $0xffff  }
0x326: {  	v9 =	vmul.f32 v49, v49;
	v33 =	vld.idx.msk [tilespmem:v11+s19+$0x0], $0xffff;
	v5 =	vadd.f32 v54, v5;
	v2 =	vadd.f32 v49, v2  }
0x327: {  	v42 =	vadd.f32 v46, v42  }
0x328: {  	v11 =	vmul.f32 v6, v6;
	v5 =	vadd.f32 v9, v5;
	v2 =	vadd.f32 v6, v2  }
0x329: {  	v46 =	vadd.f32 v47, v55  }
0x32a: {  	v53 =	vmul.f32 v42, v42;
	v5 =	vadd.f32 v11, v5;
	v2 =	vadd.f32 v42, v2  }
0x32b: {  	v33 =	vadd.f32 v33, v10  }
0x32c: {  	v54 =	vmul.f32 v46, v46;
	v5 =	vadd.f32 v53, v5;
	v2 =	vadd.f32 v46, v2;
	_ =	sdelay $0x1  }
0x32d: {  	v55 =	vmul.f32 v33, v33;
	v5 =	vadd.f32 v54, v5;
	v2 =	vadd.f32 v33, v2;
	_ =	sdelay $0x1  }
0x32e: {  	v5 =	vadd.f32 v55, v5;
	v2 =	vmul.f32 $7.812500000e-03, v2;
	_ =	sdelay $0x1  }
0x32f: {  	v5 =	vmul.f32 $7.812500000e-03, v5;
	v9 =	vmul.f32 v2, v2;
	_ =	sdelay $0x1  }
0x330: {  	v5 =	vsub.f32 v5, v9;
	_ =	sdelay $0x1  }
0x331: {  	v5 =	vadd.f32 $9.999999960e-13, v5;
	_ =	sdelay $0x1  }
0x332: {  	v10 =	vshra.s32 v5, $0x1;
	v5 =	vmul.f32 $5.000000000e-01, v5  }
0x333: {  	v47 =	vsub.s32 $0x5F3759DF, v10  }
0x334: {  	v11 =	vmul.f32 v47, v5;
	_ =	sdelay $0x1  }
0x335: {  	v48 =	vmul.f32 v47, v11;
	_ =	sdelay $0x1  }
0x336: {  	v48 =	vsub.f32 $1.500000000e+00, v48;
	_ =	sdelay $0x1  }
0x337: {  	v47 =	vmul.f32 v47, v48;
	_ =	sdelay $0x1  }
0x338: {  	v48 =	vmul.f32 v47, v5;
	_ =	sdelay $0x1  }
0x339: {  	v48 =	vmul.f32 v48, v47;
	_ =	sdelay $0x1  }
0x33a: {  	[tilespmem:v34+s26+$0x0] =	vst.idx.msk $0xffff, v1;
	v1 =	vsub.f32 $1.500000000e+00, v48  }
0x33b: {  	[tilespmem:v37+s26+$0x0] =	vst.idx.msk $0xffff, v4  }
0x33c: {  	[tilespmem:v39+s26+$0x0] =	vst.idx.msk $0xffff, v3;
	v1 =	vmul.f32 v1, v47  }
0x33d: {  	[tilespmem:v36+s26+$0x0] =	vst.idx.msk $0xffff, v44  }
0x33e: {  	s9 =	smul.u32 $0x110, s28;
	[tilespmem:v40+s26+$0x0] =	vst.idx.msk $0xffff, v7;
	v3 =	vmul.f32 v1, v5  }
0x33f: {  	[tilespmem:v38+s26+$0x0] =	vst.idx.msk $0xffff, v45  }
0x340: {  	v44 =	vadd.s32 s9, v15;
	[tilespmem:v41+s26+$0x0] =	vst.idx.msk $0xffff, v49;
	v3 =	vmul.f32 v3, v1  }
0x341: {  	[tilespmem:v8+s26+$0x0] =	vst.idx.msk $0xffff, v6  }
0x342: {  	v45 =	vadd.s32 s9, v56;
	[tilespmem:v52+s26+$0x0] =	vst.idx.msk $0xffff, v42;
	v3 =	vsub.f32 $1.500000000e+00, v3  }
0x343: {  	[tilespmem:v35+s26+$0x0] =	vst.idx.msk $0xffff, v33  }
0x344: {  	[tilespmem:v43+s26+$0x0] =	vst.idx.msk $0xffff, v46;
	v1 =	vmul.f32 v3, v1;
	v3 =	vadd.s32 s9, v57  }
0x345: {  	[tilespmem:v44+s0+$0x0] =	vst.idx.msk $0xffff, v2  }
0x346: {  	v47 =	vadd.s32 s9, v58;
	[tilespmem:v44+s3+$0x0] =	vst.idx.msk $0xffff, v1  }
0x347: {  	[tilespmem:v45+s0+$0x0] =	vst.idx.msk $0xffff, v2  }
0x348: {  	v48 =	vadd.s32 s9, v59;
	[tilespmem:v45+s3+$0x0] =	vst.idx.msk $0xffff, v1  }
0x349: {  	[tilespmem:v3+s0+$0x0] =	vst.idx.msk $0xffff, v2  }
0x34a: {  	[tilespmem:v3+s3+$0x0] =	vst.idx.msk $0xffff, v1;
	v3 =	vadd.s32 s9, v60  }
0x34b: {  	[tilespmem:v47+s0+$0x0] =	vst.idx.msk $0xffff, v2  }
0x34c: {  	v49 =	vadd.s32 s9, v61;
	[tilespmem:v47+s3+$0x0] =	vst.idx.msk $0xffff, v1  }
0x34d: {  	[tilespmem:v48+s0+$0x0] =	vst.idx.msk $0xffff, v2  }
0x34e: {  	v50 =	vadd.s32 s9, v62;
	[tilespmem:v48+s3+$0x0] =	vst.idx.msk $0xffff, v1  }
0x34f: {  	[tilespmem:v3+s0+$0x0] =	vst.idx.msk $0xffff, v2  }
0x350: {  	[tilespmem:v3+s3+$0x0] =	vst.idx.msk $0xffff, v1;
	v3 =	vadd.s32 s9, v63  }
0x351: {  	[tilespmem:v49+s0+$0x0] =	vst.idx.msk $0xffff, v2  }
0x352: {  	[tilespmem:v49+s3+$0x0] =	vst.idx.msk $0xffff, v1  }
0x353: {  	[tilespmem:v50+s0+$0x0] =	vst.idx.msk $0xffff, v2  }
0x354: {  	v52 =	vld [tilespmem:$0x1FFB0];
	[tilespmem:v50+s3+$0x0] =	vst.idx.msk $0xffff, v1  }
0x355: {  	[tilespmem:v3+s0+$0x0] =	vst.idx.msk $0xffff, v2  }
0x356: {  	[tilespmem:v3+s3+$0x0] =	vst.idx.msk $0xffff, v1;
	v3 =	vld [tilespmem:$0x1FFC0]  }
0x357: {  	v51 =	vadd.s32 s9, v14;
	_ =	sdelay $0x1  }
0x358: {  	v5 =	vadd.s32 s9, v52;
	_ =	sdelay $0x1  }
0x359: {  	v3 =	vadd.s32 s9, v3  }
0x35a: {  	[tilespmem:v51+s0+$0x0] =	vst.idx.msk $0xffff, v2  }
0x35b: {  	v53 =	vld [tilespmem:$0x1FFD0];
	[tilespmem:v51+s3+$0x0] =	vst.idx.msk $0xffff, v1  }
0x35c: {  	[tilespmem:v5+s0+$0x0] =	vst.idx.msk $0xffff, v2  }
0x35d: {  	v54 =	vld [tilespmem:$0x1FFE0];
	[tilespmem:v5+s3+$0x0] =	vst.idx.msk $0xffff, v1  }
0x35e: {  	[tilespmem:v3+s0+$0x0] =	vst.idx.msk $0xffff, v2  }
0x35f: {  	[tilespmem:v3+s3+$0x0] =	vst.idx.msk $0xffff, v1;
	v3 =	vld [tilespmem:$0x1FF10]  }
0x360: {  	v4 =	vadd.s32 s9, v53;
	_ =	sdelay $0x1  }
0x361: {  	v5 =	vadd.s32 s9, v54;
	_ =	sdelay $0x1  }
0x362: {  	v3 =	vadd.s32 s9, v3  }
0x363: {  	[tilespmem:v4+s0+$0x0] =	vst.idx.msk $0xffff, v2  }
0x364: {  	s28 =	sadd.s32 $0x1, s28;
	v55 =	vadd.s32 s9, v16;
	[tilespmem:v4+s3+$0x0] =	vst.idx.msk $0xffff, v1  }
0x365: {  	p0 =	sne.s32 s28, $0x8;
	[tilespmem:v5+s0+$0x0] =	vst.idx.msk $0xffff, v2  }
.Ltmp22:
0x366: {  	[tilespmem:v5+s3+$0x0] =	vst.idx.msk $0xffff, v1;
	(pc) =	sbr.rel @p0 .LBB2_11-.Ltmp22, $4  }
0x367: {  	[tilespmem:v3+s0+$0x0] =	vst.idx.msk $0xffff, v2  }
0x368: {  	[tilespmem:v3+s3+$0x0] =	vst.idx.msk $0xffff, v1  }
0x369: {  	[tilespmem:v55+s0+$0x0] =	vst.idx.msk $0xffff, v2  }
0x36a: {  	[tilespmem:v55+s3+$0x0] =	vst.idx.msk $0xffff, v1  }
0x36b: {  	s10 =	simm.s32 $0x19C22  }
0x36c: {  	s28 =	simm.s32 $0x580;
	v40 =	vld [tilespmem:s10+$0x11]  }
0x36d: {  	v1 =	vld [tilespmem:s28+$0xFFFFFF10]  }
0x36e: {  	v2 =	vld [tilespmem:s28+$0xFFFFFF30]  }
0x36f: {  	v37 =	vld [tilespmem:s10+$0xFFFFFFEF]  }
0x370: {  	v4 =	vld [tilespmem:s28+$0xE0]  }
0x371: {  	v6 =	vld [tilespmem:s28+$0xFFFFFF80]  }
0x372: {  	v7 =	vld [tilespmem:s28+$0xF0]  }
0x373: {  	v8 =	vld [tilespmem:s28+$0xFFFFFFB0]  }
0x374: {  	v34 =	vld [tilespmem:s28+$0xFFFFFFA0]  }
0x375: {  	v43 =	vld [tilespmem:s28+$0xFFFFFFD0]  }
0x376: {  	v46 =	vld [tilespmem:s28+$0xFFFFFFE0]  }
0x377: {  	v33 =	vld [tilespmem:s28+$0xC0]  }
0x378: {  	v35 =	vld [tilespmem:s28+$0x90]  }
0x379: {  	v41 =	vld [tilespmem:s28+$0xFFFFFFF0]  }
0x37a: {  	s9 =	simm.s32 $0x1A4A2;
	v59 =	vld [tilespmem:s10+$0x0]  }
0x37b: {  	v38 =	vld [tilespmem:s9+$0x11]  }
0x37c: {  	v42 =	vld [tilespmem:s28+$0x0]  }
0x37d: {  	v44 =	vld [tilespmem:s28+$0x10]  }
0x37e: {  	v49 =	vld [tilespmem:s28+$0x50]  }
0x37f: {  	v50 =	vld [tilespmem:s28+$0x60];
	v45 =	vsub.f32 v35, v40;
	v4 =	vsub.f32 v4, v40  }
0x380: {  	v61 =	vld [tilespmem:s10+$0xFFFFFFDE];
	v47 =	vsub.f32 v33, v40;
	v33 =	vsub.f32 v7, v40  }
0x381: {  	v39 =	vld [tilespmem:s9+$0x0];
	v34 =	vsub.f32 v34, v37;
	v48 =	vsub.f32 v42, v59  }
0x382: {  	v55 =	vld [tilespmem:s9+$0xFFFFFFDE];
	v6 =	vsub.f32 v6, v37;
	v51 =	vsub.f32 v44, v59  }
0x383: {  	v5 =	vld [tilespmem:s28+$0xFFFFFF40];
	v41 =	vsub.f32 v41, v37;
	v43 =	vsub.f32 v43, v37  }
0x384: {  	v7 =	vld [tilespmem:s28+$0x40];
	v58 =	vsub.f32 v49, v59;
	v46 =	vsub.f32 v46, v37  }
0x385: {  	v35 =	vld [tilespmem:s9+$0xFFFFFFEF];
	v63 =	vsub.f32 v50, v59;
	v1 =	vsub.f32 v1, v61;
	v45 =	vmul.f32 v45, v38  }
0x386: {  	v3 =	vld [tilespmem:s28+$0xFFFFFF70];
	v2 =	vsub.f32 v2, v61;
	v57 =	vmul.f32 v47, v38;
	v4 =	vmul.f32 v4, v38  }
0x387: {  	v52 =	vld [tilespmem:s28+$0xFFFFFF00];
	v8 =	vsub.f32 v8, v37;
	v56 =	vmul.f32 v58, v39;
	v58 =	vmul.f32 v1, v55  }
0x388: {  	v54 =	vld [tilespmem:s28+$0xFFFFFFC0];
	v1 =	vsub.f32 v5, v61;
	v53 =	vmul.f32 v2, v55;
	v45 =	vmul.f32 v45, v18  }
0x389: {  	v42 =	vmul.f32 v57, v21;
	v44 =	vmul.f32 v4, v23;
	v4 =	vsub.f32 v7, v59;
	v7 =	vld [tilespmem:s28+$0xFFFFFF60]  }
0x38a: {  	v50 =	vld [tilespmem:s28+$0x70];
	v47 =	vmul.f32 v6, v35;
	v6 =	vadd.f32 v45, v26;
	v45 =	vmul.f32 v41, v35  }
0x38b: {  	v60 =	vsub.f32 v3, v61;
	v41 =	vmul.f32 v48, v39;
	v48 =	vmul.f32 v51, v39;
	v51 =	vld [tilespmem:s28+$0xFFFFFF50]  }
0x38c: {  	v36 =	vld [tilespmem:s28+$0x80];
	v52 =	vsub.f32 v52, v61;
	v57 =	vmul.f32 v1, v55;
	v49 =	vmul.f32 v4, v39  }
0x38d: {  	v2 =	vsub.f32 v54, v37;
	v4 =	vmul.f32 v43, v35;
	v43 =	vmul.f32 v48, v18;
	v48 =	vld [tilespmem:s28+$0x30]  }
0x38e: {  	v62 =	vld [tilespmem:s28+$0x20];
	v3 =	vmul.f32 v46, v35;
	v5 =	vsub.f32 v7, v61;
	v7 =	vmul.f32 v52, v55  }
0x38f: {  	v54 =	vld [tilespmem:s28+$0xFFFFFF20];
	v1 =	vsub.f32 v50, v59;
	v46 =	vmul.f32 v2, v35;
	v50 =	vmul.f32 v60, v55  }
0x390: {  	v2 =	vld [tilespmem:s28+$0xD0];
	[tilespmem:s28+$0x90] =	vst v6;
	v9 =	vsub.f32 v51, v61;
	v5 =	vmul.f32 v5, v55;
	v6 =	vmul.f32 v7, v17  }
0x391: {  	v36 =	vsub.f32 v36, v40;
	v51 =	vld [tilespmem:s28+$0xB0];
	v7 =	vmul.f32 v8, v35;
	v8 =	vmul.f32 v1, v39  }
0x392: {  	v52 =	vsub.f32 v48, v59;
	v60 =	vmul.f32 v9, v55;
	v48 =	vmul.f32 v5, v23;
	v5 =	vld [tilespmem:s28+$0xFFFFFF90]  }
0x393: {  	s11 =	simm.s32 $0x19C66;
	s12 =	simm.s32 $0x780;
	s10 =	simm.s32 $0x0;
	v59 =	vsub.f32 v62, v59;
	v1 =	vadd.f32 v6, v25;
	v8 =	vmul.f32 v8, v24;
	v6 =	vld [tilespmem:s28+$0xA0]  }
.LBB2_15:
0x394: {  	v62 =	vld [tilespmem:s11+$0x11];
	s10 =	sadd.s32 $0x4, s10;
	v9 =	vsub.f32 v54, v61;
	v7 =	vmul.f32 v7, v20;
	v61 =	vmul.f32 v52, v39;
	s9 =	sadd.s32 $0x44, s9  }
0x395: {  	v10 =	vmul.f32 v53, v20;
	v63 =	vmul.f32 v63, v39;
	v54 =	vld [tilespmem:s12+$0xFFFFFF10];
	p0 =	slt.u32 s10, $0x7C;
	v8 =	vadd.f32 v8, v32  }
0x396: {  	v4 =	vmul.f32 v4, v22;
	v52 =	vld [tilespmem:s12+$0xFFFFFF30];
	v7 =	vadd.f32 v7, v28;
	v11 =	vsub.f32 v51, v40  }
0x397: {  	v12 =	vmul.f32 v57, v21;
	v10 =	vadd.f32 v10, v28;
	v53 =	vld [tilespmem:s12+$0xFFFFFF40];
	v5 =	vsub.f32 v5, v37;
	[tilespmem:s28+$0x70] =	vst v8  }
0x398: {  	v8 =	vmul.f32 v9, v55;
	v51 =	vld [tilespmem:s12+$0xFFFFFF50];
	[tilespmem:s28+$0xFFFFFFB0] =	vst v7;
	v6 =	vsub.f32 v6, v40;
	v7 =	vmul.f32 v11, v38  }
0x399: {  	v3 =	vmul.f32 v3, v23;
	v9 =	vadd.f32 v12, v29;
	v57 =	vld [tilespmem:s12+$0xFFFFFF70];
	[tilespmem:s28+$0xFFFFFF30] =	vst v10;
	v5 =	vmul.f32 v5, v35  }
0x39a: {  	v4 =	vadd.f32 v4, v30;
	v8 =	vmul.f32 v8, v19;
	v10 =	vmul.f32 v56, v22;
	v37 =	vld [tilespmem:s11+$0xFFFFFFEF]  }
0x39b: {  	v3 =	vadd.f32 v3, v31;
	v12 =	vmul.f32 v58, v18;
	v6 =	vmul.f32 v6, v38;
	v11 =	vld [tilespmem:s12+$0xE0];
	[tilespmem:s28+$0xFFFFFF40] =	vst v9  }
0x39c: {  	v8 =	vadd.f32 v8, v27;
	v5 =	vmul.f32 v5, v18;
	v9 =	vld [tilespmem:s12+$0xFFFFFF80];
	[tilespmem:s28+$0xFFFFFFD0] =	vst v4;
	v4 =	vmul.f32 v7, v20  }
0x39d: {  	v2 =	vsub.f32 v2, v40;
	v55 =	vmul.f32 v60, v22;
	v7 =	vld [tilespmem:s12+$0xF0];
	[tilespmem:s28+$0xFFFFFFE0] =	vst v3;
	v3 =	vmul.f32 v6, v19  }
0x39e: {  	v5 =	vadd.f32 v5, v26;
	v6 =	vadd.f32 v10, v30;
	v56 =	vld [tilespmem:s12+$0xFFFFFFB0];
	[tilespmem:s28+$0xFFFFFF20] =	vst v8;
	v8 =	vmul.f32 v63, v23  }
0x39f: {  	v2 =	vmul.f32 v2, v38;
	v10 =	vld [tilespmem:s12+$0xFFFFFFA0];
	[tilespmem:s28+$0xFFFFFF00] =	vst v1;
	v1 =	vmul.f32 v61, v20;
	v3 =	vadd.f32 v3, v27  }
0x3a0: {  	v4 =	vadd.f32 v4, v28;
	v58 =	vld [tilespmem:s12+$0xFFFFFFD0];
	[tilespmem:s28+$0xFFFFFF90] =	vst v5;
	v5 =	vmul.f32 v49, v21;
	v8 =	vadd.f32 v8, v31  }
0x3a1: {  	v39 =	vmul.f32 v59, v39;
	v2 =	vmul.f32 v2, v22;
	v49 =	vld [tilespmem:s12+$0xFFFFFFE0];
	v1 =	vadd.f32 v1, v28;
	[tilespmem:s28+$0xA0] =	vst v3  }
0x3a2: {  	v40 =	vmul.f32 v47, v17;
	v12 =	vadd.f32 v12, v26;
	v60 =	vadd.f32 v55, v30;
	v3 =	vld [tilespmem:s12+$0xC0];
	[tilespmem:s28+$0xB0] =	vst v4  }
0x3a3: {  	v39 =	vmul.f32 v39, v19;
	v2 =	vadd.f32 v2, v30;
	v5 =	vadd.f32 v5, v29;
	v4 =	vld [tilespmem:s12+$0x80];
	[tilespmem:s28+$0x60] =	vst v8  }
0x3a4: {  	v45 =	vmul.f32 v45, v24;
	v8 =	vld [tilespmem:s12+$0x90];
	[tilespmem:s28+$0x30] =	vst v1;
	v1 =	vadd.f32 v42, v29;
	v42 =	vadd.f32 v44, v31  }
0x3a5: {  	v41 =	vmul.f32 v41, v17;
	v47 =	vadd.f32 v39, v27;
	v11 =	vsub.f32 v11, v62;
	v44 =	vld [tilespmem:s12+$0xFFFFFFF0];
	[tilespmem:s28+$0xD0] =	vst v2  }
0x3a6: {  	v43 =	vadd.f32 v43, v26;
	v2 =	vsub.f32 v7, v62;
	v7 =	vmul.f32 v34, v35;
	v59 =	vld [tilespmem:s11+$0x0];
	[tilespmem:s28+$0xE0] =	vst v42  }
0x3a7: {  	v39 =	vadd.f32 v45, v32;
	v35 =	vadd.f32 v40, v25;
	v40 =	vmul.f32 v36, v38;
	v42 =	vld [tilespmem:s12+$0x0];
	[tilespmem:s28+$0xC0] =	vst v1  }
0x3a8: {  	v41 =	vadd.f32 v41, v25;
	v3 =	vsub.f32 v3, v62;
	v7 =	vmul.f32 v7, v19;
	v1 =	vld [tilespmem:s9+$0x11];
	[tilespmem:s28+$0x50] =	vst v6  }
0x3a9: {  	v34 =	vsub.f32 v10, v37;
	v10 =	vmul.f32 v50, v24;
	v6 =	vld [tilespmem:s12+$0x10];
	v8 =	vsub.f32 v8, v62;
	[tilespmem:s28+$0xFFFFFF80] =	vst v35  }
0x3aa: {  	v36 =	vsub.f32 v4, v62;
	v4 =	vadd.f32 v7, v27;
	v35 =	vld [tilespmem:s9+$0xFFFFFFEF];
	[tilespmem:s28+$0x40] =	vst v5;
	v5 =	vmul.f32 v40, v17  }
0x3ab: {  	v7 =	vadd.f32 v10, v32;
	v10 =	vmul.f32 v33, v38;
	v33 =	vmovc v2;
	v40 =	vmov v62;
	v13 =	vld [tilespmem:s12+$0x20];
	[tilespmem:s28+$0xFFFFFFF0] =	vst v39  }
0x3ac: {  	v39 =	vld [tilespmem:s9+$0x0];
	v2 =	vsub.f32 v42, v59;
	[tilespmem:s28+$0xFFFFFF10] =	vst v12;
	v12 =	vmul.f32 v46, v21;
	v5 =	vadd.f32 v5, v25  }
0x3ad: {  	v46 =	vadd.f32 v48, v31;
	v38 =	vld [tilespmem:s12+$0x40];
	v8 =	vmul.f32 v8, v1;
	v3 =	vmul.f32 v3, v1;
	[tilespmem:s28+$0x20] =	vst v47  }
0x3ae: {  	v10 =	vmul.f32 v10, v24;
	v11 =	vmul.f32 v11, v1;
	v6 =	vsub.f32 v6, v59;
	v48 =	vld [tilespmem:s12+$0x50];
	[tilespmem:s28+$0x0] =	vst v41  }
0x3af: {  	v9 =	vsub.f32 v9, v37;
	v12 =	vadd.f32 v12, v29;
	v50 =	vld [tilespmem:s12+$0x60];
	v8 =	vmul.f32 v8, v18;
	[tilespmem:s28+$0x80] =	vst v5  }
0x3b0: {  	v5 =	vsub.f32 v44, v37;
	v42 =	vmul.f32 v3, v21;
	v3 =	vadd.f32 v10, v32;
	v55 =	vld [tilespmem:s9+$0xFFFFFFDE];
	[tilespmem:s28+$0xFFFFFFA0] =	vst v4  }
0x3b1: {  	v47 =	vmul.f32 v9, v35;
	v44 =	vmul.f32 v11, v23;
	v61 =	vld [tilespmem:s11+$0xFFFFFFDE];
	v8 =	vadd.f32 v8, v26;
	[tilespmem:s28+$0xFFFFFF50] =	vst v60  }
0x3b2: {  	v45 =	vmul.f32 v5, v35;
	v41 =	vmul.f32 v2, v39;
	v9 =	vld [tilespmem:s12+$0xFFFFFF00];
	v2 =	vsub.f32 v38, v59;
	[tilespmem:s28+$0xFFFFFF70] =	vst v7  }
0x3b3: {  	v4 =	vsub.f32 v58, v37;
	v6 =	vmul.f32 v6, v39;
	v5 =	vld [tilespmem:s12+$0xFFFFFF60];
	v7 =	vsub.f32 v48, v59;
	[tilespmem:s28+$0xF0] =	vst v3  }
0x3b4: {  	v3 =	vsub.f32 v49, v37;
	v10 =	vld [tilespmem:s12+$0xFFFFFFC0];
	v49 =	vmul.f32 v2, v39;
	v63 =	vsub.f32 v50, v59;
	[tilespmem:s28+$0x10] =	vst v43  }
0x3b5: {  	v11 =	vsub.f32 v56, v37;
	v4 =	vmul.f32 v4, v35;
	v56 =	vmul.f32 v7, v39;
	v2 =	vld [tilespmem:s12+$0x70];
	[tilespmem:s28+$0xFFFFFF60] =	vst v46  }
0x3b6: {  	v43 =	vmul.f32 v6, v18;
	v7 =	vsub.f32 v54, v61;
	v50 =	vsub.f32 v57, v61;
	v6 =	vld [tilespmem:s12+$0x30];
	[tilespmem:s28+$0xFFFFFFC0] =	vst v12;
	s28 =	smov.u32 s12  }
0x3b7: {  	v3 =	vmul.f32 v3, v35;
	v12 =	vsub.f32 v52, v61;
	v9 =	vsub.f32 v9, v61;
	[tilespmem:s12+$0x90] =	vst v8  }
0x3b8: {  	v38 =	vmovc v1;
	v58 =	vmul.f32 v7, v55;
	v7 =	vsub.f32 v53, v61;
	v5 =	vsub.f32 v5, v61  }
0x3b9: {  	v53 =	vmul.f32 v12, v55;
	v1 =	vmul.f32 v9, v55;
	v8 =	vsub.f32 v10, v37  }
.Ltmp23:
0x3ba: {  	v54 =	vld [tilespmem:s12+$0xFFFFFF20];
	v57 =	vmul.f32 v7, v55;
	v5 =	vmul.f32 v5, v55;
	v9 =	vsub.f32 v2, v59;
	(pc) =	sbr.rel @p0 .LBB2_15-.Ltmp23, $4  }
0x3bb: {  	v1 =	vmul.f32 v1, v17;
	v46 =	vmul.f32 v8, v35;
	v52 =	vsub.f32 v6, v59;
	v2 =	vld [tilespmem:s12+$0xD0]  }
0x3bc: {  	v7 =	vmul.f32 v11, v35;
	v6 =	vsub.f32 v51, v61;
	v8 =	vmul.f32 v9, v39;
	v51 =	vld [tilespmem:s12+$0xB0]  }
0x3bd: {  	v50 =	vmul.f32 v50, v55;
	v48 =	vmul.f32 v5, v23;
	v1 =	vadd.f32 v1, v25;
	v5 =	vld [tilespmem:s12+$0xFFFFFF90]  }
0x3be: {  	s11 =	sadd.s32 $0x44, s11;
	v59 =	vsub.f32 v13, v59;
	v60 =	vmul.f32 v6, v55;
	s12 =	sadd.s32 $0x200, s12;
	v8 =	vmul.f32 v8, v24;
	v6 =	vld [tilespmem:s28+$0xA0]  }
0x3bf: {  	v7 =	vmul.f32 v7, v20  }
0x3c0: {  	v9 =	vsub.f32 v54, v61;
	v10 =	vmul.f32 v53, v20;
	v53 =	vadd.f32 v42, v29  }
0x3c1: {  	v12 =	vmul.f32 v57, v21;
	[tilespmem:s28+$0xFFFFFF00] =	vst v1;
	v8 =	vadd.f32 v8, v32;
	v2 =	vsub.f32 v2, v40  }
0x3c2: {  	v4 =	vmul.f32 v4, v22;
	v7 =	vadd.f32 v7, v28;
	v11 =	vsub.f32 v51, v40;
	[tilespmem:s28+$0xC0] =	vst v53  }
0x3c3: {  	v3 =	vmul.f32 v3, v23;
	v10 =	vadd.f32 v10, v28;
	v61 =	vadd.f32 v12, v29;
	[tilespmem:s28+$0x70] =	vst v8  }
0x3c4: {  	v57 =	vmul.f32 v9, v55;
	v4 =	vadd.f32 v4, v30;
	[tilespmem:s28+$0xFFFFFFB0] =	vst v7;
	v6 =	vsub.f32 v6, v40  }
0x3c5: {  	v55 =	vmul.f32 v58, v18;
	v5 =	vsub.f32 v5, v37;
	v37 =	vmul.f32 v63, v39;
	[tilespmem:s28+$0xFFFFFF30] =	vst v10  }
0x3c6: {  	v3 =	vadd.f32 v3, v31;
	v8 =	vmul.f32 v57, v19;
	[tilespmem:s28+$0xFFFFFF40] =	vst v61;
	v6 =	vmul.f32 v6, v38  }
0x3c7: {  	v62 =	vmul.f32 v11, v38;
	[tilespmem:s28+$0xFFFFFFD0] =	vst v4;
	v57 =	vadd.f32 v55, v26;
	v4 =	vmul.f32 v37, v23  }
0x3c8: {  	[tilespmem:s28+$0xFFFFFFE0] =	vst v3;
	v5 =	vmul.f32 v5, v35;
	v8 =	vadd.f32 v8, v27;
	v3 =	vmul.f32 v6, v19  }
0x3c9: {  	v40 =	vmul.f32 v52, v39;
	v7 =	vmul.f32 v62, v20;
	[tilespmem:s28+$0xFFFFFF10] =	vst v57;
	v4 =	vadd.f32 v4, v31  }
0x3ca: {  	v2 =	vmul.f32 v2, v38;
	v5 =	vmul.f32 v5, v18;
	[tilespmem:s28+$0xFFFFFF20] =	vst v8;
	v1 =	vadd.f32 v3, v27  }
0x3cb: {  	v51 =	vadd.f32 v7, v28;
	[tilespmem:s28+$0x60] =	vst v4;
	v3 =	vmul.f32 v40, v20  }
0x3cc: {  	v5 =	vadd.f32 v5, v26;
	[tilespmem:s28+$0xA0] =	vst v1;
	v1 =	vmul.f32 v2, v22  }
0x3cd: {  	[tilespmem:s28+$0xB0] =	vst v51;
	v2 =	vadd.f32 v3, v28  }
0x3ce: {  	v52 =	vmul.f32 v47, v17;
	[tilespmem:s28+$0xFFFFFF90] =	vst v5;
	v1 =	vadd.f32 v1, v30  }
0x3cf: {  	v3 =	vmul.f32 v56, v22;
	[tilespmem:s28+$0x30] =	vst v2;
	v2 =	vadd.f32 v44, v31  }
0x3d0: {  	v58 =	vmul.f32 v41, v17;
	v4 =	vadd.f32 v52, v25;
	[tilespmem:s28+$0xD0] =	vst v1  }
0x3d1: {  	v1 =	vadd.f32 v3, v30;
	v3 =	vmul.f32 v49, v21;
	[tilespmem:s28+$0xE0] =	vst v2;
	v2 =	vmul.f32 v59, v39  }
0x3d2: {  	v54 =	vmul.f32 v45, v24;
	[tilespmem:s28+$0xFFFFFF80] =	vst v4;
	v5 =	vadd.f32 v58, v25  }
0x3d3: {  	v56 =	vmul.f32 v36, v38;
	v3 =	vadd.f32 v3, v29;
	[tilespmem:s28+$0x50] =	vst v1;
	v1 =	vmul.f32 v2, v19  }
0x3d4: {  	v60 =	vmul.f32 v60, v22;
	[tilespmem:s28+$0x0] =	vst v5;
	v59 =	vmul.f32 v34, v35;
	v2 =	vadd.f32 v54, v32  }
0x3d5: {  	[tilespmem:s28+$0x40] =	vst v3;
	v1 =	vadd.f32 v1, v27;
	v3 =	vmul.f32 v56, v17  }
0x3d6: {  	v61 =	vmul.f32 v33, v38;
	v4 =	vadd.f32 v60, v30;
	[tilespmem:s28+$0xFFFFFFF0] =	vst v2;
	v2 =	vmul.f32 v59, v19  }
0x3d7: {  	v3 =	vadd.f32 v3, v25;
	[tilespmem:s28+$0x20] =	vst v1;
	v1 =	vmul.f32 v50, v24  }
0x3d8: {  	v62 =	vmul.f32 v61, v24;
	[tilespmem:s28+$0xFFFFFF50] =	vst v4;
	v2 =	vadd.f32 v2, v27  }
0x3d9: {  	[tilespmem:s28+$0x80] =	vst v3;
	v1 =	vadd.f32 v1, v32  }
0x3da: {  	[tilespmem:s28+$0xFFFFFFA0] =	vst v2;
	v2 =	vadd.f32 v62, v32  }
.Ltmp24:
0x3db: {  	v63 =	vmul.f32 v46, v21;
	v3 =	vadd.f32 v43, v26;
	[tilespmem:s28+$0xFFFFFF70] =	vst v1;
	(pc) =	sbr.rel .LBB2_39-.Ltmp24, $4  }
0x3dc: {  	v1 =	vadd.f32 v48, v31;
	[tilespmem:s28+$0xF0] =	vst v2  }
0x3dd: {  	v2 =	vadd.f32 v63, v29;
	[tilespmem:s28+$0x10] =	vst v3  }
0x3de: {  	[tilespmem:s28+$0xFFFFFF60] =	vst v1  }
0x3df: {  	s9 =	simm.s32 $0x480;
	[tilespmem:s28+$0xFFFFFFC0] =	vst v2  }
.LBB2_41:
0x3e0: {  	_ =	sfence.sel $0x180000  }
0x3e1: {  	[bflag:$0x0] =	sbarrier.arrive $0xFFFF  }
0x3e2: {  	_ =	strace $0x90000047  }
0x3e3: {  	s0 =	stileid.u32;
	[bflag:$0x2] =	sbarrier.arrive $0xFFFF  }
0x3e4: {  	p0 =	sne.s32 s0, $0x0;
	s0 =	rddreg [dreg:$0x5]  }
0x3e5: {  	s0 =	sadd.s32 @!p0 $0x100000, s0  }
0x3e6: {  	[sflag:s0] =	ssyncadd.tile.s32 @!p0 $0x1;
	_ =	shalt  }
.Lfunc_end2:
_tile_overlayer_lowered:
.L_overlay_start_2:
0x3e7: {  	(tag) =	ssettag $0x2  }
0x3e8: {  	s0 =	rddreg [dreg:$0x0];
	s2 =	stileid.u32  }
0x3e9: {  	s1 =	rddreg [dreg:$0x1];
	p0 =	sne.s32 s2, $0x0  }
0x3ea: {  	s3 =	rddreg [dreg:$0x2];
	[bflag:$0x3] =	sbarrier.arrive $0xFFFF;
	s2 =	simm.s32 @!p0 $0x1C04  }
0x3eb: {  	[timem:s3], [sflag:s2] =	dma.local @!p0 [hbm:s0], s1  }
0x3ec: {  	s0 =	simm.s32 @!p0 $0x4  }
0x3ed: {  	_ =	swait.ge @!p0 [sflag:s0], s1  }
0x3ee: {  	s1 =	ssub.s32 @!p0 $0x0, s1;
	[sflag:s0] =	ssyncset.done @!p0 $0x0  }
0x3ef: {  	[sflag:s0] =	ssyncadd.s32 @!p0 s1  }
0x3f0: {  	[bflag:$0x3] =	sbarrier.arrive $0xFFFF  }
0x3f1: {  	_ =	shalt  }

</sc_bundles>
